<compile_context>
chip_gen: v7x
topology: tpu7x:2x2x1
jax: 0.10.2.dev20260603
libtpu: 0.0.44.dev20260713+nightly
codegen_flags: <defaults>
</compile_context>

<pallas_src>
import jax
import jax.numpy as jnp
from jax import lax
from jax.experimental import pallas as pl
from jax.experimental.pallas import tpu as pltpu
from jax.experimental.pallas import tpu_sc as plsc

_N_BINS = 15
_NT = 16
_H1 = 8192
_SLOTS = 32
_H23 = _SLOTS * 512


def _stats_body(labels_ref, x_ref, conf_ref, acc_ref):
    x = x_ref[...]
    c = x.shape[1]
    m = jnp.max(x, axis=1, keepdims=True)
    col = lax.broadcasted_iota(jnp.int32, x.shape, 1)
    am = jnp.min(jnp.where(x == m, col, c), axis=1)
    s = jnp.sum(jnp.exp(x - m), axis=1)
    conf_ref[0, 0, :] = 1.0 / s
    acc_ref[0, 0, :] = (am == labels_ref[0, 0, :]).astype(jnp.float32)


def _sc_ece_body(conf_hbm, bits_hbm, acc_hbm, ranks_hbm, delta_hbm,
                 pow2_hbm, out_hbm,
                 conf_v, bits_v, acc_v, h_v, cum_v, row_v, acc2_v,
                 t1_v, t2_v, exb_v, evl_v, ranks_v, delta_v, pow2_v,
                 small_v, pubi_v, cnt_v, sc_v, sa_v, out_v,
                 stage_s, comb_s, exb1_s, exb2_s, ev_s, bins_s):
    cid = lax.axis_index("c")
    tid = lax.axis_index("s")
    ch = conf_v.shape[0]
    nch = ch // 16
    iota = lax.iota(jnp.int32, 16)
    ones16 = jnp.ones((16,), jnp.float32)
    zeros16 = jnp.zeros((16,), jnp.float32)
    neg16 = jnp.full((16,), -1, jnp.int32)

    def memset(ref, n, val):
        def mz(i, _):
            ref[pl.ds(i * 16, 16)] = val
            return 0
        lax.fori_loop(0, n // 16, mz, 0)

    def gscal_i(ref, idx):
        return jnp.max(plsc.load_gather(ref, [iota * 0 + idx]))

    def gscal_f(ref, idx):
        return jnp.max(plsc.load_gather(ref, [iota * 0 + idx]))

    def cumsum_region(ref, off, n):
        def cs(i, carry):
            chunk = ref[pl.ds(off + i * 16, 16)]
            ref[pl.ds(off + i * 16, 16)] = plsc.cumsum(chunk) + carry
            return carry + jnp.sum(chunk)
        lax.fori_loop(0, n // 16, cs, jnp.float32(0.0))

    def search(ref, off, n, kf):
        def cb(i, cnt):
            chunk = ref[pl.ds(off + i * 16, 16)]
            return cnt + jnp.where(chunk <= kf, 1, 0)
        cntv = lax.fori_loop(0, n // 16, cb, jnp.zeros((16,), jnp.int32))
        b = jnp.sum(cntv)
        prev = gscal_f(ref, off + jnp.maximum(b - 1, 0))
        prev = jnp.where(b > 0, prev, jnp.float32(0.0))
        return b, kf - prev

    def combine(size):
        stride = size // _NT
        memset(acc2_v, stride, zeros16)

        def ck(k, _):
            pltpu.sync_copy(stage_s.at[k, pl.ds(tid * stride, stride)],
                            row_v.at[pl.ds(0, stride)])

            def ca(i, _):
                acc2_v[pl.ds(i * 16, 16)] = (acc2_v[pl.ds(i * 16, 16)]
                                             + row_v[pl.ds(i * 16, 16)])
                return 0
            lax.fori_loop(0, stride // 16, ca, 0)
            return 0
        lax.fori_loop(0, _NT, ck, 0)
        pltpu.sync_copy(acc2_v.at[pl.ds(0, stride)],
                        comb_s.at[pl.ds(tid * stride, stride)])

    def publish2(dst, a, b):
        pubi_v[...] = jnp.where(iota == 0, a, jnp.where(iota == 1, b, 0))
        pltpu.sync_copy(pubi_v, dst.at[tid, pl.ds(0, 16)])

    pltpu.sync_copy(conf_hbm.at[pl.ds(tid * ch, ch)], conf_v)
    pltpu.sync_copy(bits_hbm.at[pl.ds(tid * ch, ch)], bits_v)
    pltpu.sync_copy(ranks_hbm, ranks_v)
    pltpu.sync_copy(delta_hbm, delta_v)
    pltpu.sync_copy(pow2_hbm, pow2_v)
    memset(h_v, _H1, zeros16)

    def l1(i, _):
        bits = bits_v[pl.ds(i * 16, 16)]
        d1 = lax.shift_right_logical(bits, 18)
        plsc.addupdate_scatter(h_v, [d1], ones16)
        return 0
    lax.fori_loop(0, nch, l1, 0)
    pltpu.sync_copy(h_v.at[pl.ds(0, _H1)], stage_s.at[tid, pl.ds(0, _H1)])
    plsc.subcore_barrier()

    combine(_H1)
    plsc.subcore_barrier()

    pltpu.sync_copy(comb_s.at[pl.ds(0, _H1)], cum_v)
    cumsum_region(cum_v, 0, _H1)
    k0 = gscal_i(ranks_v, tid).astype(jnp.float32)
    k1 = gscal_i(ranks_v, tid + 16).astype(jnp.float32)
    b1_0, r1_0 = search(cum_v, 0, _H1, k0)
    b1_1, r1_1 = search(cum_v, 0, _H1, k1)
    publish2(exb1_s, b1_0, b1_1)
    plsc.subcore_barrier()

    pltpu.sync_copy(exb1_s, exb_v)
    b1v0 = plsc.load_gather(exb_v, [iota, iota * 0])
    b1v1 = plsc.load_gather(exb_v, [iota, iota * 0 + 1])
    memset(t1_v, _H1, neg16)
    plsc.store_scatter(t1_v, [b1v0], iota)
    plsc.store_scatter(t1_v, [b1v1], iota + 16, mask=iota < 14)
    memset(h_v, _H23, zeros16)

    def l2(i, _):
        bits = bits_v[pl.ds(i * 16, 16)]
        d1 = lax.shift_right_logical(bits, 18)
        s = plsc.load_gather(t1_v, [d1])
        m = s >= 0
        d2 = lax.shift_right_logical(bits, 9) & 511
        idx2 = jnp.where(m, s * 512 + d2, 0)
        plsc.addupdate_scatter(h_v, [idx2], ones16, mask=m)
        return 0
    lax.fori_loop(0, nch, l2, 0)
    pltpu.sync_copy(h_v, stage_s.at[tid])
    plsc.subcore_barrier()

    combine(_H23)
    plsc.subcore_barrier()

    slot0 = gscal_i(t1_v, b1_0)
    slot1 = gscal_i(t1_v, b1_1)
    pltpu.sync_copy(comb_s.at[pl.ds(slot0 * 512, 512)],
                    row_v.at[pl.ds(0, 512)])
    pltpu.sync_copy(comb_s.at[pl.ds(slot1 * 512, 512)],
                    row_v.at[pl.ds(512, 512)])
    cumsum_region(row_v, 0, 512)
    cumsum_region(row_v, 512, 512)
    b2_0, r2_0 = search(row_v, 0, 512, r1_0)
    b2_1, r2_1 = search(row_v, 512, 512, r1_1)
    publish2(exb2_s, b2_0, b2_1)
    plsc.subcore_barrier()

    pltpu.sync_copy(exb2_s, exb_v)
    b2v0 = plsc.load_gather(exb_v, [iota, iota * 0])
    b2v1 = plsc.load_gather(exb_v, [iota, iota * 0 + 1])
    slotv0 = plsc.load_gather(t1_v, [b1v0])
    slotv1 = plsc.load_gather(t1_v, [b1v1])
    memset(t2_v, _H23, neg16)
    plsc.store_scatter(t2_v, [slotv0 * 512 + b2v0], iota)
    plsc.store_scatter(t2_v, [slotv1 * 512 + b2v1], iota + 16,
                       mask=iota < 14)
    memset(h_v, _H23, zeros16)

    def l3(i, _):
        bits = bits_v[pl.ds(i * 16, 16)]
        d1 = lax.shift_right_logical(bits, 18)
        s1 = plsc.load_gather(t1_v, [d1])
        m1 = s1 >= 0
        d2 = lax.shift_right_logical(bits, 9) & 511
        e = jnp.where(m1, s1 * 512 + d2, 0)
        s2 = plsc.load_gather(t2_v, [e])
        s2 = jnp.where(m1, s2, -1)
        m2 = s2 >= 0
        d3 = bits & 511
        idx3 = jnp.where(m2, s2 * 512 + d3, 0)
        plsc.addupdate_scatter(h_v, [idx3], ones16, mask=m2)
        return 0
    lax.fori_loop(0, nch, l3, 0)
    pltpu.sync_copy(h_v, stage_s.at[tid])
    plsc.subcore_barrier()

    combine(_H23)
    plsc.subcore_barrier()

    s3_0 = gscal_i(t2_v, slot0 * 512 + b2_0)
    s3_1 = gscal_i(t2_v, slot1 * 512 + b2_1)
    pltpu.sync_copy(comb_s.at[pl.ds(s3_0 * 512, 512)],
                    row_v.at[pl.ds(0, 512)])
    pltpu.sync_copy(comb_s.at[pl.ds(s3_1 * 512, 512)],
                    row_v.at[pl.ds(512, 512)])
    cumsum_region(row_v, 0, 512)
    cumsum_region(row_v, 512, 512)
    b3_0, _u0 = search(row_v, 0, 512, r2_0)
    b3_1, _u1 = search(row_v, 512, 512, r2_1)
    v0 = lax.shift_left(b1_0, 18) | lax.shift_left(b2_0, 9) | b3_0
    v1 = lax.shift_left(b1_1, 18) | lax.shift_left(b2_1, 9) | b3_1
    publish2(ev_s, v0, v1)
    plsc.subcore_barrier()

    pltpu.sync_copy(ev_s, evl_v)
    rows_lo = jnp.where(iota == 15, 13, iota)
    cols_lo = jnp.where(iota == 15, 1, 0)
    rows_hi = jnp.where(iota == 0, 0, jnp.where(iota == 1, 15, iota - 2))
    cols_hi = jnp.where(iota <= 1, 0, 1)
    lo_b = plsc.load_gather(evl_v, [rows_lo, cols_lo])
    hi_b = plsc.load_gather(evl_v, [rows_hi, cols_hi])

    def f32_of_bits(b):
        man = (b & 0x7FFFFF).astype(jnp.float32) * jnp.float32(2.0 ** -23)
        ex = lax.shift_right_logical(b, 23)
        return (1.0 + man) * plsc.load_gather(pow2_v, [ex])

    lo = f32_of_bits(lo_b)
    hi = f32_of_bits(hi_b)
    edges = lo + delta_v[...] * (hi - lo)
    small_v[...] = edges

    pltpu.sync_copy(acc_hbm.at[pl.ds(tid * ch, ch)], acc_v)
    ebc = [zeros16 + edges[i] for i in range(16)]
    cnt_v[pl.ds(0, 16)] = zeros16
    cnt_v[pl.ds(16, 16)] = zeros16
    sc_v[pl.ds(0, 16)] = zeros16
    sc_v[pl.ds(16, 16)] = zeros16
    sa_v[pl.ds(0, 16)] = zeros16
    sa_v[pl.ds(16, 16)] = zeros16

    def binb(i, _):
        cch = conf_v[pl.ds(i * 16, 16)]
        ach = acc_v[pl.ds(i * 16, 16)]
        c = jnp.zeros((16,), jnp.int32)
        for e in ebc:
            c = c + jnp.where(cch > e, 1, 0)
        plsc.addupdate_scatter(cnt_v, [c], ones16)
        plsc.addupdate_scatter(sc_v, [c], cch)
        plsc.addupdate_scatter(sa_v, [c], ach)
        return 0
    lax.fori_loop(0, nch, binb, 0)
    pltpu.sync_copy(cnt_v, bins_s.at[tid, pl.ds(0, 32)])
    pltpu.sync_copy(sc_v, bins_s.at[tid, pl.ds(32, 32)])
    pltpu.sync_copy(sa_v, bins_s.at[tid, pl.ds(64, 32)])
    plsc.subcore_barrier()

    memset(acc2_v, 96, zeros16)

    def br(r, _):
        pltpu.sync_copy(bins_s.at[r, pl.ds(0, 96)], row_v.at[pl.ds(0, 96)])

        def ba(i, _):
            acc2_v[pl.ds(i * 16, 16)] = (acc2_v[pl.ds(i * 16, 16)]
                                         + row_v[pl.ds(i * 16, 16)])
            return 0
        lax.fori_loop(0, 6, ba, 0)
        return 0
    lax.fori_loop(0, _NT, br, 0)

    npt_f = jnp.float32(ch * _NT)
    cntb = plsc.load_gather(acc2_v, [iota + 1])
    scb = plsc.load_gather(acc2_v, [iota + 33])
    sab = plsc.load_gather(acc2_v, [iota + 65])
    denom = jnp.maximum(cntb, 1.0)
    prop = cntb / npt_f
    contrib = jnp.abs(scb / denom - sab / denom) * prop
    use = jnp.logical_and(iota < _N_BINS, cntb > 0.0)
    ece = jnp.sum(jnp.where(use, contrib, 0.0))
    out_v[...] = zeros16 + ece

    @pl.when(jnp.logical_and(cid == 0, tid == 0))
    def _():
        pltpu.sync_copy(out_v, out_hbm)


def kernel(logits, labels):
    n, c = logits.shape
    labels = labels.astype(jnp.int32)

    blk = 2048
    while n % blk:
        blk //= 2
    nb = n // blk

    conf3, acc3 = pl.pallas_call(
        _stats_body,
        grid=(nb,),
        in_specs=[
            pl.BlockSpec((1, 1, blk), lambda i: (i, 0, 0)),
            pl.BlockSpec((blk, c), lambda i: (i, 0)),
        ],
        out_specs=[
            pl.BlockSpec((1, 1, blk), lambda i: (i, 0, 0)),
            pl.BlockSpec((1, 1, blk), lambda i: (i, 0, 0)),
        ],
        out_shape=[
            jax.ShapeDtypeStruct((nb, 1, blk), jnp.float32),
            jax.ShapeDtypeStruct((nb, 1, blk), jnp.float32),
        ],
    )(labels.reshape(nb, 1, blk), logits)
    conf = conf3.reshape(n)
    acc = acc3.reshape(n)

    q = jnp.linspace(0.0, float(n), _N_BINS + 1)
    kidx = jnp.floor(q).astype(jnp.int32)
    delta = (q - jnp.floor(q)).astype(jnp.float32)
    ranks = jnp.concatenate([
        jnp.zeros((1,), jnp.int32),
        kidx[1:_N_BINS],
        kidx[1:_N_BINS] + 1,
        jnp.full((3,), n - 1, jnp.int32),
    ])

    bits = lax.bitcast_convert_type(conf, jnp.int32)
    pow2 = (2.0 ** (jnp.arange(256, dtype=jnp.float32) - 127.0)
            ).astype(jnp.float32)

    chunk = n // _NT
    mesh = plsc.VectorSubcoreMesh(core_axis_name="c", subcore_axis_name="s",
                                  num_cores=2, num_subcores=_NT)
    out = pl.kernel(
        _sc_ece_body,
        out_type=jax.ShapeDtypeStruct((16,), jnp.float32),
        mesh=mesh,
        compiler_params=pltpu.CompilerParams(needs_layout_passes=False),
        scratch_types=[
            pltpu.VMEM((chunk,), jnp.float32),
            pltpu.VMEM((chunk,), jnp.int32),
            pltpu.VMEM((chunk,), jnp.float32),
            pltpu.VMEM((_H23,), jnp.float32),
            pltpu.VMEM((_H1,), jnp.float32),
            pltpu.VMEM((1024,), jnp.float32),
            pltpu.VMEM((1024,), jnp.float32),
            pltpu.VMEM((_H1,), jnp.int32),
            pltpu.VMEM((_H23,), jnp.int32),
            pltpu.VMEM((32, 64), jnp.int32),
            pltpu.VMEM((32, 64), jnp.int32),
            pltpu.VMEM((32,), jnp.int32),
            pltpu.VMEM((16,), jnp.float32),
            pltpu.VMEM((256,), jnp.float32),
            pltpu.VMEM((16,), jnp.float32),
            pltpu.VMEM((16,), jnp.int32),
            pltpu.VMEM((32,), jnp.float32),
            pltpu.VMEM((32,), jnp.float32),
            pltpu.VMEM((32,), jnp.float32),
            pltpu.VMEM((16,), jnp.float32),
            pltpu.VMEM_SHARED((_NT, _H23), jnp.float32),
            pltpu.VMEM_SHARED((_H23,), jnp.float32),
            pltpu.VMEM_SHARED((32, 64), jnp.int32),
            pltpu.VMEM_SHARED((32, 64), jnp.int32),
            pltpu.VMEM_SHARED((32, 64), jnp.int32),
            pltpu.VMEM_SHARED((_NT, 128), jnp.float32),
        ],
    )(conf, bits, acc, ranks, delta, pow2)

    return out[:1]

# --- scband reference (transcript-rebuilt; emitter-appended) ---
"""Pipeline reference for scband-adaptive-ece-33303176413863 (READ-ONLY COPY).

The authoritative reference and input builder live on the scoring server;
editing this copy changes nothing except your own understanding.
"""

import jax, jax.numpy as jnp
import numpy as np

N_BINS = 15
USE_SOFTMAX = True
N = 262144
C = 1000

def setup_inputs(seed: int = 0) -> dict:
    key = jax.random.key(seed)
    k1, k2 = jax.random.split(key)
    logits = jax.random.normal(k1, (N, C), dtype=jnp.float32)
    labels = jax.random.randint(k2, (N,), 0, C, dtype=jnp.int64)
    return {"logits": logits, "labels": labels}


def _histedges_equalN(x, n_bins):
    # Equal-count bin edges: quantiles of x via linear interpolation over the
    # sorted values (faithful to the intended np.interp(linspace, arange, sort(x))).
    npt = x.shape[0]
    xs = jnp.sort(x)
    q = jnp.linspace(0.0, float(npt), n_bins + 1)
    xp = jnp.arange(npt, dtype=jnp.float32)
    return jnp.interp(q, xp, xs)


def reference(logits, labels):
    if USE_SOFTMAX:
        probs = jax.nn.softmax(logits, axis=1)
    else:
        probs = logits
    confidences = jnp.max(probs, axis=1)
    predictions = jnp.argmax(probs, axis=1)
    accuracies = (predictions == labels)

    bin_boundaries = _histedges_equalN(confidences, N_BINS)
    bin_lowers = bin_boundaries[:-1]
    bin_uppers = bin_boundaries[1:]

    npt = confidences.shape[0]
    acc_f = accuracies.astype(jnp.float32)
    ece = jnp.zeros((1,), dtype=jnp.float32)
    for i in range(N_BINS):
        lo = bin_lowers[i]
        hi = bin_uppers[i]
        in_bin = (confidences > lo) & (confidences <= hi)
        in_bin_f = in_bin.astype(jnp.float32)
        cnt = jnp.sum(in_bin_f)
        prop_in_bin = cnt / npt
        denom = jnp.maximum(cnt, 1.0)
        accuracy_in_bin = jnp.sum(jnp.where(in_bin, acc_f, 0.0)) / denom
        avg_confidence_in_bin = jnp.sum(jnp.where(in_bin, confidences, 0.0)) / denom
        contrib = jnp.abs(avg_confidence_in_bin - accuracy_in_bin) * prop_in_bin
        ece = ece + jnp.where(prop_in_bin > 0.0, contrib, 0.0)
    return ece

if __name__ == "__main__":
    import jax
    _d = setup_inputs()
    print(jax.jit(kernel)(*tuple(_d.values())))

</pallas_src>

<mosaic_0001>
#map = affine_map<(d0, d1) -> (0)>
module attributes {stable_mosaic.version = 14 : i64} {
  func.func @_sc_ece_body(%arg0: i32, %arg1: i32, %arg2: memref<262144xf32, #tpu.memory_space<hbm>>, %arg3: memref<262144xi32, #tpu.memory_space<hbm>>, %arg4: memref<262144xf32, #tpu.memory_space<hbm>>, %arg5: memref<32xi32, #tpu.memory_space<hbm>>, %arg6: memref<16xf32, #tpu.memory_space<hbm>>, %arg7: memref<256xf32, #tpu.memory_space<hbm>>, %arg8: memref<16xf32, #tpu.memory_space<hbm>>, %arg9: memref<16384xf32, #tpu.memory_space<vmem>>, %arg10: memref<16384xi32, #tpu.memory_space<vmem>>, %arg11: memref<16384xf32, #tpu.memory_space<vmem>>, %arg12: memref<16384xf32, #tpu.memory_space<vmem>>, %arg13: memref<8192xf32, #tpu.memory_space<vmem>>, %arg14: memref<1024xf32, #tpu.memory_space<vmem>>, %arg15: memref<1024xf32, #tpu.memory_space<vmem>>, %arg16: memref<8192xi32, #tpu.memory_space<vmem>>, %arg17: memref<16384xi32, #tpu.memory_space<vmem>>, %arg18: memref<32x64xi32, #tpu.memory_space<vmem>>, %arg19: memref<32x64xi32, #tpu.memory_space<vmem>>, %arg20: memref<32xi32, #tpu.memory_space<vmem>>, %arg21: memref<16xf32, #tpu.memory_space<vmem>>, %arg22: memref<256xf32, #tpu.memory_space<vmem>>, %arg23: memref<16xf32, #tpu.memory_space<vmem>>, %arg24: memref<16xi32, #tpu.memory_space<vmem>>, %arg25: memref<32xf32, #tpu.memory_space<vmem>>, %arg26: memref<32xf32, #tpu.memory_space<vmem>>, %arg27: memref<32xf32, #tpu.memory_space<vmem>>, %arg28: memref<16xf32, #tpu.memory_space<vmem>>, %arg29: memref<16x16384xf32, #tpu.memory_space<vmem_shared>>, %arg30: memref<16384xf32, #tpu.memory_space<vmem_shared>>, %arg31: memref<32x64xi32, #tpu.memory_space<vmem_shared>>, %arg32: memref<32x64xi32, #tpu.memory_space<vmem_shared>>, %arg33: memref<32x64xi32, #tpu.memory_space<vmem_shared>>, %arg34: memref<16x128xf32, #tpu.memory_space<vmem_shared>>) attributes {dimension_semantics = [#tpu.dimension_semantics<core_parallel>, #tpu.dimension_semantics<subcore_parallel>], iteration_bounds = array<i64: 2, 16>, scalar_prefetch = 0 : i64, scratch_operands = 26 : i64, tpu.core_type = #tpu.core_type<sc_vector_subcore>, window_params = [{transform_indices = #map}, {transform_indices = #map}, {transform_indices = #map}, {transform_indices = #map}, {transform_indices = #map}, {transform_indices = #map}, {transform_indices = #map}]} {
    %iota3A = tpu.iota {dimensions = array<i32: 0>} : vector<16xi32>
    %broadcast_in_dim3A = arith.constant 1.000000e+00 : f32
    %broadcast_in_dim3A_0 = vector.broadcast %broadcast_in_dim3A : f32 to vector<16xf32>
    %broadcast_in_dim3A_1 = arith.constant 0.000000e+00 : f32
    %broadcast_in_dim3A_2 = vector.broadcast %broadcast_in_dim3A_1 : f32 to vector<16xf32>
    %broadcast_in_dim3A_3 = arith.constant -1 : i32
    %broadcast_in_dim3A_4 = vector.broadcast %broadcast_in_dim3A_3 : i32 to vector<16xi32>
    %mul3A = arith.constant 16384 : i32
    %mul3A_5 = arith.muli %arg1, %mul3A : i32
    "tpu.region"() ({
      %run_scoped3A = tpu.sem_alloc : memref<!tpu.dma_semaphore, #tpu.memory_space<semaphore_mem>>
      %dma_start3A = tpu.memref_slice %arg2[%mul3A_5] : memref<262144xf32, #tpu.memory_space<hbm>> -> memref<16384xf32, #tpu.memory_space<hbm>>
      %dma_start3A_753 = tpu.memref_slice %arg2[%mul3A_5] : memref<262144xf32, #tpu.memory_space<hbm>> -> memref<16384xf32, #tpu.memory_space<hbm>>
      tpu.enqueue_dma source(%dma_start3A_753 : memref<16384xf32, #tpu.memory_space<hbm>>) target(%arg9 : memref<16384xf32, #tpu.memory_space<vmem>>) target_semaphore(%run_scoped3A : memref<!tpu.dma_semaphore, #tpu.memory_space<semaphore_mem>>)
      %dma_wait3A = tpu.memref_slice %arg2[%mul3A_5] : memref<262144xf32, #tpu.memory_space<hbm>> -> memref<16384xf32, #tpu.memory_space<hbm>>
      %dma_wait3A_754 = tpu.memref_slice %arg2[%mul3A_5] : memref<262144xf32, #tpu.memory_space<hbm>> -> memref<16384xf32, #tpu.memory_space<hbm>>
      tpu.wait_dma2 semaphore(%run_scoped3A : memref<!tpu.dma_semaphore, #tpu.memory_space<semaphore_mem>>) src(%dma_wait3A_754 : memref<16384xf32, #tpu.memory_space<hbm>>) dst(%arg9 : memref<16384xf32, #tpu.memory_space<vmem>>)
      tpu.yield
    }) : () -> ()
    %mul3A_6 = arith.constant 16384 : i32
    %mul3A_7 = arith.muli %arg1, %mul3A_6 : i32
    "tpu.region"() ({
      %run_scoped3A = tpu.sem_alloc : memref<!tpu.dma_semaphore, #tpu.memory_space<semaphore_mem>>
      %dma_start3A = tpu.memref_slice %arg3[%mul3A_7] : memref<262144xi32, #tpu.memory_space<hbm>> -> memref<16384xi32, #tpu.memory_space<hbm>>
      %dma_start3A_753 = tpu.memref_slice %arg3[%mul3A_7] : memref<262144xi32, #tpu.memory_space<hbm>> -> memref<16384xi32, #tpu.memory_space<hbm>>
      tpu.enqueue_dma source(%dma_start3A_753 : memref<16384xi32, #tpu.memory_space<hbm>>) target(%arg10 : memref<16384xi32, #tpu.memory_space<vmem>>) target_semaphore(%run_scoped3A : memref<!tpu.dma_semaphore, #tpu.memory_space<semaphore_mem>>)
      %dma_wait3A = tpu.memref_slice %arg3[%mul3A_7] : memref<262144xi32, #tpu.memory_space<hbm>> -> memref<16384xi32, #tpu.memory_space<hbm>>
      %dma_wait3A_754 = tpu.memref_slice %arg3[%mul3A_7] : memref<262144xi32, #tpu.memory_space<hbm>> -> memref<16384xi32, #tpu.memory_space<hbm>>
      tpu.wait_dma2 semaphore(%run_scoped3A : memref<!tpu.dma_semaphore, #tpu.memory_space<semaphore_mem>>) src(%dma_wait3A_754 : memref<16384xi32, #tpu.memory_space<hbm>>) dst(%arg10 : memref<16384xi32, #tpu.memory_space<vmem>>)
      tpu.yield
    }) : () -> ()
    "tpu.region"() ({
      %run_scoped3A = tpu.sem_alloc : memref<!tpu.dma_semaphore, #tpu.memory_space<semaphore_mem>>
      tpu.enqueue_dma source(%arg5 : memref<32xi32, #tpu.memory_space<hbm>>) target(%arg20 : memref<32xi32, #tpu.memory_space<vmem>>) target_semaphore(%run_scoped3A : memref<!tpu.dma_semaphore, #tpu.memory_space<semaphore_mem>>)
      tpu.wait_dma2 semaphore(%run_scoped3A : memref<!tpu.dma_semaphore, #tpu.memory_space<semaphore_mem>>) src(%arg5 : memref<32xi32, #tpu.memory_space<hbm>>) dst(%arg20 : memref<32xi32, #tpu.memory_space<vmem>>)
      tpu.yield
    }) : () -> ()
    "tpu.region"() ({
      %run_scoped3A = tpu.sem_alloc : memref<!tpu.dma_semaphore, #tpu.memory_space<semaphore_mem>>
      tpu.enqueue_dma source(%arg6 : memref<16xf32, #tpu.memory_space<hbm>>) target(%arg21 : memref<16xf32, #tpu.memory_space<vmem>>) target_semaphore(%run_scoped3A : memref<!tpu.dma_semaphore, #tpu.memory_space<semaphore_mem>>)
      tpu.wait_dma2 semaphore(%run_scoped3A : memref<!tpu.dma_semaphore, #tpu.memory_space<semaphore_mem>>) src(%arg6 : memref<16xf32, #tpu.memory_space<hbm>>) dst(%arg21 : memref<16xf32, #tpu.memory_space<vmem>>)
      tpu.yield
    }) : () -> ()
    "tpu.region"() ({
      %run_scoped3A = tpu.sem_alloc : memref<!tpu.dma_semaphore, #tpu.memory_space<semaphore_mem>>
      tpu.enqueue_dma source(%arg7 : memref<256xf32, #tpu.memory_space<hbm>>) target(%arg22 : memref<256xf32, #tpu.memory_space<vmem>>) target_semaphore(%run_scoped3A : memref<!tpu.dma_semaphore, #tpu.memory_space<semaphore_mem>>)
      tpu.wait_dma2 semaphore(%run_scoped3A : memref<!tpu.dma_semaphore, #tpu.memory_space<semaphore_mem>>) src(%arg7 : memref<256xf32, #tpu.memory_space<hbm>>) dst(%arg22 : memref<256xf32, #tpu.memory_space<vmem>>)
      tpu.yield
    }) : () -> ()
    %scan3A = arith.constant 0 : i32
    %scan3A_8 = arith.constant 0 : i32
    %scan3A_9 = arith.constant 512 : i32
    %scan3A_10 = arith.addi %scan3A_8, %scan3A_9 : i32
    %scan3A_11 = arith.constant 1 : i32
    %scan3A_12 = scf.for %scan3A_753 = %scan3A_8 to %scan3A_10 step %scan3A_11 iter_args(%scan3A_754 = %scan3A) -> (i32)  : i32 {
      %mul3A_755 = arith.constant 16 : i32
      %mul3A_756 = arith.muli %scan3A_753, %mul3A_755 : i32
      %swap3A_757 = arith.index_cast %mul3A_756 : i32 to index
      %swap3A_758 = tpu.vector_load %arg12[%swap3A_757] {strides = array<i32>} : memref<16384xf32, #tpu.memory_space<vmem>>, vector<16xf32>,
      tpu.vector_store %arg12[%swap3A_757], %broadcast_in_dim3A_2 {strides = array<i32>} : memref<16384xf32, #tpu.memory_space<vmem>>, vector<16xf32>,
      %scan3A_759 = arith.constant 0 : i32
      scf.yield %scan3A_759 : i32
    }
    %scan3A_13 = arith.constant 512 : i32
    %scan3A_14 = arith.constant 0 : i32
    %scan3A_15 = arith.constant 0 : i32
    %scan3A_16 = arith.constant 1024 : i32
    %scan3A_17 = arith.addi %scan3A_15, %scan3A_16 : i32
    %scan3A_18 = arith.constant 1 : i32
    %scan3A_19 = scf.for %scan3A_753 = %scan3A_15 to %scan3A_17 step %scan3A_18 iter_args(%scan3A_754 = %scan3A_14) -> (i32)  : i32 {
      %mul3A_755 = arith.constant 16 : i32
      %mul3A_756 = arith.muli %scan3A_753, %mul3A_755 : i32
      %get3A_757 = arith.index_cast %mul3A_756 : i32 to index
      %get3A_758 = tpu.vector_load %arg10[%get3A_757] {strides = array<i32>} : memref<16384xi32, #tpu.memory_space<vmem>>, vector<16xi32>,
      %shift_right_logical3A_759 = arith.constant 18 : i32
      %shift_right_logical3A_760 = vector.broadcast %shift_right_logical3A_759 : i32 to vector<16xi32>
      %shift_right_logical3A_761 = arith.shrui %get3A_758, %shift_right_logical3A_760 : vector<16xi32>
      tpu.vector_store_idx %arg12[%shift_right_logical3A_761], %broadcast_in_dim3A_0 {add = true} : memref<16384xf32, #tpu.memory_space<vmem>>[vector<16xi32>], vector<16xf32>,
      %scan3A_762 = arith.constant 0 : i32
      scf.yield %scan3A_762 : i32
    }
    %scan3A_20 = arith.constant 1024 : i32
    "tpu.region"() ({
      %run_scoped3A = tpu.sem_alloc : memref<!tpu.dma_semaphore, #tpu.memory_space<semaphore_mem>>
      %dma_start3A = arith.constant 0 : i32
      %dma_start3A_753 = tpu.memref_slice %arg12[%dma_start3A] : memref<16384xf32, #tpu.memory_space<vmem>> -> memref<8192xf32, #tpu.memory_space<vmem>>
      %dma_start3A_754 = arith.constant 0 : i32
      %dma_start3A_755 = tpu.memref_slice %arg29[%arg1, %dma_start3A_754] : memref<16x16384xf32, #tpu.memory_space<vmem_shared>> -> memref<1x8192xf32, #tpu.memory_space<vmem_shared>>
      %dma_start3A_756 = tpu.memref_squeeze %dma_start3A_755 : memref<1x8192xf32, #tpu.memory_space<vmem_shared>> -> memref<8192xf32, #tpu.memory_space<vmem_shared>>
      %dma_start3A_757 = arith.constant 0 : i32
      %dma_start3A_758 = tpu.memref_slice %arg29[%arg1, %dma_start3A_757] : memref<16x16384xf32, #tpu.memory_space<vmem_shared>> -> memref<1x8192xf32, #tpu.memory_space<vmem_shared>>
      %dma_start3A_759 = tpu.memref_squeeze %dma_start3A_758 : memref<1x8192xf32, #tpu.memory_space<vmem_shared>> -> memref<8192xf32, #tpu.memory_space<vmem_shared>>
      %dma_start3A_760 = arith.constant 0 : i32
      %dma_start3A_761 = tpu.memref_slice %arg12[%dma_start3A_760] : memref<16384xf32, #tpu.memory_space<vmem>> -> memref<8192xf32, #tpu.memory_space<vmem>>
      tpu.enqueue_dma source(%dma_start3A_761 : memref<8192xf32, #tpu.memory_space<vmem>>) target(%dma_start3A_759 : memref<8192xf32, #tpu.memory_space<vmem_shared>>) target_semaphore(%run_scoped3A : memref<!tpu.dma_semaphore, #tpu.memory_space<semaphore_mem>>)
      %dma_wait3A = arith.constant 0 : i32
      %dma_wait3A_762 = tpu.memref_slice %arg12[%dma_wait3A] : memref<16384xf32, #tpu.memory_space<vmem>> -> memref<8192xf32, #tpu.memory_space<vmem>>
      %dma_wait3A_763 = arith.constant 0 : i32
      %dma_wait3A_764 = tpu.memref_slice %arg29[%arg1, %dma_wait3A_763] : memref<16x16384xf32, #tpu.memory_space<vmem_shared>> -> memref<1x8192xf32, #tpu.memory_space<vmem_shared>>
      %dma_wait3A_765 = tpu.memref_squeeze %dma_wait3A_764 : memref<1x8192xf32, #tpu.memory_space<vmem_shared>> -> memref<8192xf32, #tpu.memory_space<vmem_shared>>
      %dma_wait3A_766 = arith.constant 0 : i32
      %dma_wait3A_767 = tpu.memref_slice %arg29[%arg1, %dma_wait3A_766] : memref<16x16384xf32, #tpu.memory_space<vmem_shared>> -> memref<1x8192xf32, #tpu.memory_space<vmem_shared>>
      %dma_wait3A_768 = tpu.memref_squeeze %dma_wait3A_767 : memref<1x8192xf32, #tpu.memory_space<vmem_shared>> -> memref<8192xf32, #tpu.memory_space<vmem_shared>>
      %dma_wait3A_769 = arith.constant 0 : i32
      %dma_wait3A_770 = tpu.memref_slice %arg12[%dma_wait3A_769] : memref<16384xf32, #tpu.memory_space<vmem>> -> memref<8192xf32, #tpu.memory_space<vmem>>
      tpu.wait_dma2 semaphore(%run_scoped3A : memref<!tpu.dma_semaphore, #tpu.memory_space<semaphore_mem>>) src(%dma_wait3A_770 : memref<8192xf32, #tpu.memory_space<vmem>>) dst(%dma_wait3A_768 : memref<8192xf32, #tpu.memory_space<vmem_shared>>)
      tpu.yield
    }) : () -> ()
    %barrier3A = arith.constant 0 : index
    tpu.barrier barrier_id(%barrier3A)
    %scan3A_21 = arith.constant 0 : i32
    %scan3A_22 = arith.constant 0 : i32
    %scan3A_23 = arith.constant 32 : i32
    %scan3A_24 = arith.addi %scan3A_22, %scan3A_23 : i32
    %scan3A_25 = arith.constant 1 : i32
    %scan3A_26 = scf.for %scan3A_753 = %scan3A_22 to %scan3A_24 step %scan3A_25 iter_args(%scan3A_754 = %scan3A_21) -> (i32)  : i32 {
      %mul3A_755 = arith.constant 16 : i32
      %mul3A_756 = arith.muli %scan3A_753, %mul3A_755 : i32
      %swap3A_757 = arith.index_cast %mul3A_756 : i32 to index
      %swap3A_758 = tpu.vector_load %arg15[%swap3A_757] {strides = array<i32>} : memref<1024xf32, #tpu.memory_space<vmem>>, vector<16xf32>,
      tpu.vector_store %arg15[%swap3A_757], %broadcast_in_dim3A_2 {strides = array<i32>} : memref<1024xf32, #tpu.memory_space<vmem>>, vector<16xf32>,
      %scan3A_759 = arith.constant 0 : i32
      scf.yield %scan3A_759 : i32
    }
    %scan3A_27 = arith.constant 32 : i32
    %scan3A_28 = arith.constant 0 : i32
    %scan3A_29 = arith.constant 0 : i32
    %scan3A_30 = arith.constant 16 : i32
    %scan3A_31 = arith.addi %scan3A_29, %scan3A_30 : i32
    %scan3A_32 = arith.constant 1 : i32
    %scan3A_33 = scf.for %scan3A_753 = %scan3A_29 to %scan3A_31 step %scan3A_32 iter_args(%scan3A_754 = %scan3A_28) -> (i32)  : i32 {
      %mul3A_755 = arith.constant 512 : i32
      %mul3A_756 = arith.muli %arg1, %mul3A_755 : i32
      "tpu.region"() ({
        %run_scoped3A = tpu.sem_alloc : memref<!tpu.dma_semaphore, #tpu.memory_space<semaphore_mem>>
        %dma_start3A = arith.constant 0 : i32
        %dma_start3A_765 = tpu.memref_slice %arg14[%dma_start3A] : memref<1024xf32, #tpu.memory_space<vmem>> -> memref<512xf32, #tpu.memory_space<vmem>>
        %dma_start3A_766 = tpu.memref_slice %arg29[%scan3A_753, %mul3A_756] : memref<16x16384xf32, #tpu.memory_space<vmem_shared>> -> memref<1x512xf32, #tpu.memory_space<vmem_shared>>
        %dma_start3A_767 = tpu.memref_squeeze %dma_start3A_766 : memref<1x512xf32, #tpu.memory_space<vmem_shared>> -> memref<512xf32, #tpu.memory_space<vmem_shared>>
        %dma_start3A_768 = arith.constant 0 : i32
        %dma_start3A_769 = tpu.memref_slice %arg14[%dma_start3A_768] : memref<1024xf32, #tpu.memory_space<vmem>> -> memref<512xf32, #tpu.memory_space<vmem>>
        %dma_start3A_770 = tpu.memref_slice %arg29[%scan3A_753, %mul3A_756] : memref<16x16384xf32, #tpu.memory_space<vmem_shared>> -> memref<1x512xf32, #tpu.memory_space<vmem_shared>>
        %dma_start3A_771 = tpu.memref_squeeze %dma_start3A_770 : memref<1x512xf32, #tpu.memory_space<vmem_shared>> -> memref<512xf32, #tpu.memory_space<vmem_shared>>
        tpu.enqueue_dma source(%dma_start3A_771 : memref<512xf32, #tpu.memory_space<vmem_shared>>) target(%dma_start3A_769 : memref<512xf32, #tpu.memory_space<vmem>>) target_semaphore(%run_scoped3A : memref<!tpu.dma_semaphore, #tpu.memory_space<semaphore_mem>>)
        %dma_wait3A = arith.constant 0 : i32
        %dma_wait3A_772 = tpu.memref_slice %arg14[%dma_wait3A] : memref<1024xf32, #tpu.memory_space<vmem>> -> memref<512xf32, #tpu.memory_space<vmem>>
        %dma_wait3A_773 = tpu.memref_slice %arg29[%scan3A_753, %mul3A_756] : memref<16x16384xf32, #tpu.memory_space<vmem_shared>> -> memref<1x512xf32, #tpu.memory_space<vmem_shared>>
        %dma_wait3A_774 = tpu.memref_squeeze %dma_wait3A_773 : memref<1x512xf32, #tpu.memory_space<vmem_shared>> -> memref<512xf32, #tpu.memory_space<vmem_shared>>
        %dma_wait3A_775 = arith.constant 0 : i32
        %dma_wait3A_776 = tpu.memref_slice %arg14[%dma_wait3A_775] : memref<1024xf32, #tpu.memory_space<vmem>> -> memref<512xf32, #tpu.memory_space<vmem>>
        %dma_wait3A_777 = tpu.memref_slice %arg29[%scan3A_753, %mul3A_756] : memref<16x16384xf32, #tpu.memory_space<vmem_shared>> -> memref<1x512xf32, #tpu.memory_space<vmem_shared>>
        %dma_wait3A_778 = tpu.memref_squeeze %dma_wait3A_777 : memref<1x512xf32, #tpu.memory_space<vmem_shared>> -> memref<512xf32, #tpu.memory_space<vmem_shared>>
        tpu.wait_dma2 semaphore(%run_scoped3A : memref<!tpu.dma_semaphore, #tpu.memory_space<semaphore_mem>>) src(%dma_wait3A_778 : memref<512xf32, #tpu.memory_space<vmem_shared>>) dst(%dma_wait3A_776 : memref<512xf32, #tpu.memory_space<vmem>>)
        tpu.yield
      }) : () -> ()
      %scan3A_757 = arith.constant 0 : i32
      %scan3A_758 = arith.constant 0 : i32
      %scan3A_759 = arith.constant 32 : i32
      %scan3A_760 = arith.addi %scan3A_758, %scan3A_759 : i32
      %scan3A_761 = arith.constant 1 : i32
      %scan3A_762 = scf.for %scan3A_765 = %scan3A_758 to %scan3A_760 step %scan3A_761 iter_args(%scan3A_766 = %scan3A_757) -> (i32)  : i32 {
        %mul3A_767 = arith.constant 16 : i32
        %mul3A_768 = arith.muli %scan3A_765, %mul3A_767 : i32
        %get3A_769 = arith.index_cast %mul3A_768 : i32 to index
        %get3A_770 = tpu.vector_load %arg15[%get3A_769] {strides = array<i32>} : memref<1024xf32, #tpu.memory_space<vmem>>, vector<16xf32>,
        %mul3A_771 = arith.constant 16 : i32
        %mul3A_772 = arith.muli %scan3A_765, %mul3A_771 : i32
        %get3A_773 = arith.index_cast %mul3A_772 : i32 to index
        %get3A_774 = tpu.vector_load %arg14[%get3A_773] {strides = array<i32>} : memref<1024xf32, #tpu.memory_space<vmem>>, vector<16xf32>,
        %add3A_775 = arith.addf %get3A_770, %get3A_774 : vector<16xf32>
        %mul3A_776 = arith.constant 16 : i32
        %mul3A_777 = arith.muli %scan3A_765, %mul3A_776 : i32
        %swap3A_778 = arith.index_cast %mul3A_777 : i32 to index
        %swap3A_779 = tpu.vector_load %arg15[%swap3A_778] {strides = array<i32>} : memref<1024xf32, #tpu.memory_space<vmem>>, vector<16xf32>,
        tpu.vector_store %arg15[%swap3A_778], %add3A_775 {strides = array<i32>} : memref<1024xf32, #tpu.memory_space<vmem>>, vector<16xf32>,
        %scan3A_780 = arith.constant 0 : i32
        scf.yield %scan3A_780 : i32
      }
      %scan3A_763 = arith.constant 32 : i32
      %scan3A_764 = arith.constant 0 : i32
      scf.yield %scan3A_764 : i32
    }
    %scan3A_34 = arith.constant 16 : i32
    %mul3A_35 = arith.constant 512 : i32
    %mul3A_36 = arith.muli %arg1, %mul3A_35 : i32
    "tpu.region"() ({
      %run_scoped3A = tpu.sem_alloc : memref<!tpu.dma_semaphore, #tpu.memory_space<semaphore_mem>>
      %dma_start3A = arith.constant 0 : i32
      %dma_start3A_753 = tpu.memref_slice %arg15[%dma_start3A] : memref<1024xf32, #tpu.memory_space<vmem>> -> memref<512xf32, #tpu.memory_space<vmem>>
      %dma_start3A_754 = tpu.memref_slice %arg30[%mul3A_36] : memref<16384xf32, #tpu.memory_space<vmem_shared>> -> memref<512xf32, #tpu.memory_space<vmem_shared>>
      %dma_start3A_755 = tpu.memref_slice %arg30[%mul3A_36] : memref<16384xf32, #tpu.memory_space<vmem_shared>> -> memref<512xf32, #tpu.memory_space<vmem_shared>>
      %dma_start3A_756 = arith.constant 0 : i32
      %dma_start3A_757 = tpu.memref_slice %arg15[%dma_start3A_756] : memref<1024xf32, #tpu.memory_space<vmem>> -> memref<512xf32, #tpu.memory_space<vmem>>
      tpu.enqueue_dma source(%dma_start3A_757 : memref<512xf32, #tpu.memory_space<vmem>>) target(%dma_start3A_755 : memref<512xf32, #tpu.memory_space<vmem_shared>>) target_semaphore(%run_scoped3A : memref<!tpu.dma_semaphore, #tpu.memory_space<semaphore_mem>>)
      %dma_wait3A = arith.constant 0 : i32
      %dma_wait3A_758 = tpu.memref_slice %arg15[%dma_wait3A] : memref<1024xf32, #tpu.memory_space<vmem>> -> memref<512xf32, #tpu.memory_space<vmem>>
      %dma_wait3A_759 = tpu.memref_slice %arg30[%mul3A_36] : memref<16384xf32, #tpu.memory_space<vmem_shared>> -> memref<512xf32, #tpu.memory_space<vmem_shared>>
      %dma_wait3A_760 = tpu.memref_slice %arg30[%mul3A_36] : memref<16384xf32, #tpu.memory_space<vmem_shared>> -> memref<512xf32, #tpu.memory_space<vmem_shared>>
      %dma_wait3A_761 = arith.constant 0 : i32
      %dma_wait3A_762 = tpu.memref_slice %arg15[%dma_wait3A_761] : memref<1024xf32, #tpu.memory_space<vmem>> -> memref<512xf32, #tpu.memory_space<vmem>>
      tpu.wait_dma2 semaphore(%run_scoped3A : memref<!tpu.dma_semaphore, #tpu.memory_space<semaphore_mem>>) src(%dma_wait3A_762 : memref<512xf32, #tpu.memory_space<vmem>>) dst(%dma_wait3A_760 : memref<512xf32, #tpu.memory_space<vmem_shared>>)
      tpu.yield
    }) : () -> ()
    %barrier3A_37 = arith.constant 0 : index
    tpu.barrier barrier_id(%barrier3A_37)
    "tpu.region"() ({
      %run_scoped3A = tpu.sem_alloc : memref<!tpu.dma_semaphore, #tpu.memory_space<semaphore_mem>>
      %dma_start3A = arith.constant 0 : i32
      %dma_start3A_753 = tpu.memref_slice %arg30[%dma_start3A] : memref<16384xf32, #tpu.memory_space<vmem_shared>> -> memref<8192xf32, #tpu.memory_space<vmem_shared>>
      %dma_start3A_754 = arith.constant 0 : i32
      %dma_start3A_755 = tpu.memref_slice %arg30[%dma_start3A_754] : memref<16384xf32, #tpu.memory_space<vmem_shared>> -> memref<8192xf32, #tpu.memory_space<vmem_shared>>
      tpu.enqueue_dma source(%dma_start3A_755 : memref<8192xf32, #tpu.memory_space<vmem_shared>>) target(%arg13 : memref<8192xf32, #tpu.memory_space<vmem>>) target_semaphore(%run_scoped3A : memref<!tpu.dma_semaphore, #tpu.memory_space<semaphore_mem>>)
      %dma_wait3A = arith.constant 0 : i32
      %dma_wait3A_756 = tpu.memref_slice %arg30[%dma_wait3A] : memref<16384xf32, #tpu.memory_space<vmem_shared>> -> memref<8192xf32, #tpu.memory_space<vmem_shared>>
      %dma_wait3A_757 = arith.constant 0 : i32
      %dma_wait3A_758 = tpu.memref_slice %arg30[%dma_wait3A_757] : memref<16384xf32, #tpu.memory_space<vmem_shared>> -> memref<8192xf32, #tpu.memory_space<vmem_shared>>
      tpu.wait_dma2 semaphore(%run_scoped3A : memref<!tpu.dma_semaphore, #tpu.memory_space<semaphore_mem>>) src(%dma_wait3A_758 : memref<8192xf32, #tpu.memory_space<vmem_shared>>) dst(%arg13 : memref<8192xf32, #tpu.memory_space<vmem>>)
      tpu.yield
    }) : () -> ()
    %scan3A_38 = arith.constant 0.000000e+00 : f32
    %scan3A_39 = arith.constant 0 : i32
    %scan3A_40 = arith.constant 512 : i32
    %scan3A_41 = arith.addi %scan3A_39, %scan3A_40 : i32
    %scan3A_42 = arith.constant 1 : i32
    %scan3A_43 = scf.for %scan3A_753 = %scan3A_39 to %scan3A_41 step %scan3A_42 iter_args(%scan3A_754 = %scan3A_38) -> (f32)  : i32 {
      %mul3A_755 = arith.constant 16 : i32
      %mul3A_756 = arith.muli %scan3A_753, %mul3A_755 : i32
      %add3A_757 = arith.constant 0 : i32
      %add3A_758 = arith.addi %add3A_757, %mul3A_756 : i32
      %get3A_759 = arith.index_cast %add3A_758 : i32 to index
      %get3A_760 = tpu.vector_load %arg13[%get3A_759] {strides = array<i32>} : memref<8192xf32, #tpu.memory_space<vmem>>, vector<16xf32>,
      %broadcast_in_dim3A_761 = arith.constant true
      %broadcast_in_dim3A_762 = vector.broadcast %broadcast_in_dim3A_761 : i1 to vector<16xi1>
      %masked_cumsum3A = tpu.scan <sum>, %get3A_760 masked %broadcast_in_dim3A_762 : vector<16xf32>, vector<16xi1> -> vector<16xf32>
      %add3A_763 = vector.broadcast %scan3A_754 : f32 to vector<16xf32>
      %add3A_764 = arith.addf %masked_cumsum3A, %add3A_763 : vector<16xf32>
      %mul3A_765 = arith.constant 16 : i32
      %mul3A_766 = arith.muli %scan3A_753, %mul3A_765 : i32
      %add3A_767 = arith.constant 0 : i32
      %add3A_768 = arith.addi %add3A_767, %mul3A_766 : i32
      %swap3A_769 = arith.index_cast %add3A_768 : i32 to index
      %swap3A_770 = tpu.vector_load %arg13[%swap3A_769] {strides = array<i32>} : memref<8192xf32, #tpu.memory_space<vmem>>, vector<16xf32>,
      tpu.vector_store %arg13[%swap3A_769], %add3A_764 {strides = array<i32>} : memref<8192xf32, #tpu.memory_space<vmem>>, vector<16xf32>,
      %reduce_sum3A_771 = arith.constant true
      %reduce_sum3A_772 = vector.broadcast %reduce_sum3A_771 : i1 to vector<16xi1>
      %reduce_sum3A_773 = tpu.scan <sum>, %get3A_760 masked %reduce_sum3A_772 : vector<16xf32>, vector<16xi1> -> vector<16xf32>
      %reduce_sum3A_774 = vector.extract %reduce_sum3A_773[15] : f32 from vector<16xf32>
      %add3A_775 = arith.addf %scan3A_754, %reduce_sum3A_774 : f32
      scf.yield %add3A_775 : f32
    }
    %scan3A_44 = arith.constant 512 : i32
    %mul3A_45 = arith.constant 0 : i32
    %mul3A_46 = vector.broadcast %mul3A_45 : i32 to vector<16xi32>
    %mul3A_47 = arith.muli %iota3A, %mul3A_46 : vector<16xi32>
    %add3A = vector.broadcast %arg1 : i32 to vector<16xi32>
    %add3A_48 = arith.addi %mul3A_47, %add3A : vector<16xi32>
    %gather3A = tpu.vector_load_idx %arg20[%add3A_48] : memref<32xi32, #tpu.memory_space<vmem>>[vector<16xi32>], vector<16xi32>,
    %reduce_max3A = arith.constant true
    %reduce_max3A_49 = vector.broadcast %reduce_max3A : i1 to vector<16xi1>
    %reduce_max3A_50 = arith.constant -2147483648 : i32
    %reduce_max3A_51 = vector.broadcast %reduce_max3A_50 : i32 to vector<16xi32>
    %reduce_max3A_52 = arith.xori %gather3A, %reduce_max3A_51 : vector<16xi32>
    %reduce_max3A_53 = tpu.scan <max>, %reduce_max3A_52 masked %reduce_max3A_49 : vector<16xi32>, vector<16xi1> -> vector<16xi32>
    %reduce_max3A_54 = arith.xori %reduce_max3A_53, %reduce_max3A_51 : vector<16xi32>
    %reduce_max3A_55 = vector.extract %reduce_max3A_54[15] : i32 from vector<16xi32>
    %convert_element_type3A = arith.sitofp %reduce_max3A_55 : i32 to f32
    %add3A_56 = arith.constant 16 : i32
    %add3A_57 = arith.addi %arg1, %add3A_56 : i32
    %mul3A_58 = arith.constant 0 : i32
    %mul3A_59 = vector.broadcast %mul3A_58 : i32 to vector<16xi32>
    %mul3A_60 = arith.muli %iota3A, %mul3A_59 : vector<16xi32>
    %add3A_61 = vector.broadcast %add3A_57 : i32 to vector<16xi32>
    %add3A_62 = arith.addi %mul3A_60, %add3A_61 : vector<16xi32>
    %gather3A_63 = tpu.vector_load_idx %arg20[%add3A_62] : memref<32xi32, #tpu.memory_space<vmem>>[vector<16xi32>], vector<16xi32>,
    %reduce_max3A_64 = arith.constant true
    %reduce_max3A_65 = vector.broadcast %reduce_max3A_64 : i1 to vector<16xi1>
    %reduce_max3A_66 = arith.constant -2147483648 : i32
    %reduce_max3A_67 = vector.broadcast %reduce_max3A_66 : i32 to vector<16xi32>
    %reduce_max3A_68 = arith.xori %gather3A_63, %reduce_max3A_67 : vector<16xi32>
    %reduce_max3A_69 = tpu.scan <max>, %reduce_max3A_68 masked %reduce_max3A_65 : vector<16xi32>, vector<16xi1> -> vector<16xi32>
    %reduce_max3A_70 = arith.xori %reduce_max3A_69, %reduce_max3A_67 : vector<16xi32>
    %reduce_max3A_71 = vector.extract %reduce_max3A_70[15] : i32 from vector<16xi32>
    %convert_element_type3A_72 = arith.sitofp %reduce_max3A_71 : i32 to f32
    %broadcast_in_dim3A_73 = arith.constant 0 : i32
    %broadcast_in_dim3A_74 = vector.broadcast %broadcast_in_dim3A_73 : i32 to vector<16xi32>
    %scan3A_75 = arith.constant 0 : i32
    %scan3A_76 = arith.constant 512 : i32
    %scan3A_77 = arith.addi %scan3A_75, %scan3A_76 : i32
    %scan3A_78 = arith.constant 1 : i32
    %scan3A_79 = scf.for %scan3A_753 = %scan3A_75 to %scan3A_77 step %scan3A_78 iter_args(%scan3A_754 = %broadcast_in_dim3A_74) -> (vector<16xi32>)  : i32 {
      %mul3A_755 = arith.constant 16 : i32
      %mul3A_756 = arith.muli %scan3A_753, %mul3A_755 : i32
      %add3A_757 = arith.constant 0 : i32
      %add3A_758 = arith.addi %add3A_757, %mul3A_756 : i32
      %get3A_759 = arith.index_cast %add3A_758 : i32 to index
      %get3A_760 = tpu.vector_load %arg13[%get3A_759] {strides = array<i32>} : memref<8192xf32, #tpu.memory_space<vmem>>, vector<16xf32>,
      %le3A_761 = vector.broadcast %convert_element_type3A : f32 to vector<16xf32>
      %le3A_762 = arith.cmpf ole, %get3A_760, %le3A_761 : vector<16xf32>
      %jit3A_763 = arith.constant 1 : i32
      %jit3A_764 = arith.constant 0 : i32
      %broadcast_in_dim3A_765 = vector.broadcast %jit3A_763 : i32 to vector<16xi32>
      %broadcast_in_dim3A_766 = vector.broadcast %jit3A_764 : i32 to vector<16xi32>
      %select_n3A_767 = arith.select %le3A_762, %broadcast_in_dim3A_765, %broadcast_in_dim3A_766 : vector<16xi1>, vector<16xi32>
      %add3A_768 = arith.addi %scan3A_754, %select_n3A_767 : vector<16xi32>
      scf.yield %add3A_768 : vector<16xi32>
    }
    %scan3A_80 = arith.constant 512 : i32
    %reduce_sum3A = arith.constant true
    %reduce_sum3A_81 = vector.broadcast %reduce_sum3A : i1 to vector<16xi1>
    %reduce_sum3A_82 = tpu.scan <sum>, %scan3A_79 masked %reduce_sum3A_81 : vector<16xi32>, vector<16xi1> -> vector<16xi32>
    %reduce_sum3A_83 = vector.extract %reduce_sum3A_82[15] : i32 from vector<16xi32>
    %sub3A = arith.constant 1 : i32
    %sub3A_84 = arith.subi %reduce_sum3A_83, %sub3A : i32
    %max3A = arith.constant 0 : i32
    %max3A_85 = arith.maxsi %sub3A_84, %max3A : i32
    %add3A_86 = arith.constant 0 : i32
    %add3A_87 = arith.addi %add3A_86, %max3A_85 : i32
    %mul3A_88 = arith.constant 0 : i32
    %mul3A_89 = vector.broadcast %mul3A_88 : i32 to vector<16xi32>
    %mul3A_90 = arith.muli %iota3A, %mul3A_89 : vector<16xi32>
    %add3A_91 = vector.broadcast %add3A_87 : i32 to vector<16xi32>
    %add3A_92 = arith.addi %mul3A_90, %add3A_91 : vector<16xi32>
    %gather3A_93 = tpu.vector_load_idx %arg13[%add3A_92] : memref<8192xf32, #tpu.memory_space<vmem>>[vector<16xi32>], vector<16xf32>,
    %reduce_max3A_94 = arith.constant true
    %reduce_max3A_95 = vector.broadcast %reduce_max3A_94 : i1 to vector<16xi1>
    %reduce_max3A_96 = tpu.scan <max>, %gather3A_93 masked %reduce_max3A_95 : vector<16xf32>, vector<16xi1> -> vector<16xf32>
    %reduce_max3A_97 = vector.extract %reduce_max3A_96[15] : f32 from vector<16xf32>
    %gt3A = arith.constant 0 : i32
    %gt3A_98 = arith.cmpi sgt, %reduce_sum3A_83, %gt3A : i32
    %jit3A = arith.constant 0.000000e+00 : f32
    %select_n3A = arith.select %gt3A_98, %reduce_max3A_97, %jit3A : f32
    %sub3A_99 = arith.subf %convert_element_type3A, %select_n3A : f32
    %broadcast_in_dim3A_100 = arith.constant 0 : i32
    %broadcast_in_dim3A_101 = vector.broadcast %broadcast_in_dim3A_100 : i32 to vector<16xi32>
    %scan3A_102 = arith.constant 0 : i32
    %scan3A_103 = arith.constant 512 : i32
    %scan3A_104 = arith.addi %scan3A_102, %scan3A_103 : i32
    %scan3A_105 = arith.constant 1 : i32
    %scan3A_106 = scf.for %scan3A_753 = %scan3A_102 to %scan3A_104 step %scan3A_105 iter_args(%scan3A_754 = %broadcast_in_dim3A_101) -> (vector<16xi32>)  : i32 {
      %mul3A_755 = arith.constant 16 : i32
      %mul3A_756 = arith.muli %scan3A_753, %mul3A_755 : i32
      %add3A_757 = arith.constant 0 : i32
      %add3A_758 = arith.addi %add3A_757, %mul3A_756 : i32
      %get3A_759 = arith.index_cast %add3A_758 : i32 to index
      %get3A_760 = tpu.vector_load %arg13[%get3A_759] {strides = array<i32>} : memref<8192xf32, #tpu.memory_space<vmem>>, vector<16xf32>,
      %le3A_761 = vector.broadcast %convert_element_type3A_72 : f32 to vector<16xf32>
      %le3A_762 = arith.cmpf ole, %get3A_760, %le3A_761 : vector<16xf32>
      %jit3A_763 = arith.constant 1 : i32
      %jit3A_764 = arith.constant 0 : i32
      %broadcast_in_dim3A_765 = vector.broadcast %jit3A_763 : i32 to vector<16xi32>
      %broadcast_in_dim3A_766 = vector.broadcast %jit3A_764 : i32 to vector<16xi32>
      %select_n3A_767 = arith.select %le3A_762, %broadcast_in_dim3A_765, %broadcast_in_dim3A_766 : vector<16xi1>, vector<16xi32>
      %add3A_768 = arith.addi %scan3A_754, %select_n3A_767 : vector<16xi32>
      scf.yield %add3A_768 : vector<16xi32>
    }
    %scan3A_107 = arith.constant 512 : i32
    %reduce_sum3A_108 = arith.constant true
    %reduce_sum3A_109 = vector.broadcast %reduce_sum3A_108 : i1 to vector<16xi1>
    %reduce_sum3A_110 = tpu.scan <sum>, %scan3A_106 masked %reduce_sum3A_109 : vector<16xi32>, vector<16xi1> -> vector<16xi32>
    %reduce_sum3A_111 = vector.extract %reduce_sum3A_110[15] : i32 from vector<16xi32>
    %sub3A_112 = arith.constant 1 : i32
    %sub3A_113 = arith.subi %reduce_sum3A_111, %sub3A_112 : i32
    %max3A_114 = arith.constant 0 : i32
    %max3A_115 = arith.maxsi %sub3A_113, %max3A_114 : i32
    %add3A_116 = arith.constant 0 : i32
    %add3A_117 = arith.addi %add3A_116, %max3A_115 : i32
    %mul3A_118 = arith.constant 0 : i32
    %mul3A_119 = vector.broadcast %mul3A_118 : i32 to vector<16xi32>
    %mul3A_120 = arith.muli %iota3A, %mul3A_119 : vector<16xi32>
    %add3A_121 = vector.broadcast %add3A_117 : i32 to vector<16xi32>
    %add3A_122 = arith.addi %mul3A_120, %add3A_121 : vector<16xi32>
    %gather3A_123 = tpu.vector_load_idx %arg13[%add3A_122] : memref<8192xf32, #tpu.memory_space<vmem>>[vector<16xi32>], vector<16xf32>,
    %reduce_max3A_124 = arith.constant true
    %reduce_max3A_125 = vector.broadcast %reduce_max3A_124 : i1 to vector<16xi1>
    %reduce_max3A_126 = tpu.scan <max>, %gather3A_123 masked %reduce_max3A_125 : vector<16xf32>, vector<16xi1> -> vector<16xf32>
    %reduce_max3A_127 = vector.extract %reduce_max3A_126[15] : f32 from vector<16xf32>
    %gt3A_128 = arith.constant 0 : i32
    %gt3A_129 = arith.cmpi sgt, %reduce_sum3A_111, %gt3A_128 : i32
    %jit3A_130 = arith.constant 0.000000e+00 : f32
    %select_n3A_131 = arith.select %gt3A_129, %reduce_max3A_127, %jit3A_130 : f32
    %sub3A_132 = arith.subf %convert_element_type3A_72, %select_n3A_131 : f32
    %eq3A = arith.constant 0 : i32
    %eq3A_133 = vector.broadcast %eq3A : i32 to vector<16xi32>
    %eq3A_134 = arith.cmpi eq, %iota3A, %eq3A_133 : vector<16xi32>
    %eq3A_135 = arith.constant 1 : i32
    %eq3A_136 = vector.broadcast %eq3A_135 : i32 to vector<16xi32>
    %eq3A_137 = arith.cmpi eq, %iota3A, %eq3A_136 : vector<16xi32>
    %jit3A_138 = arith.constant 0 : i32
    %broadcast_in_dim3A_139 = vector.broadcast %reduce_sum3A_111 : i32 to vector<16xi32>
    %broadcast_in_dim3A_140 = vector.broadcast %jit3A_138 : i32 to vector<16xi32>
    %select_n3A_141 = arith.select %eq3A_137, %broadcast_in_dim3A_139, %broadcast_in_dim3A_140 : vector<16xi1>, vector<16xi32>
    %broadcast_in_dim3A_142 = vector.broadcast %reduce_sum3A_83 : i32 to vector<16xi32>
    %select_n3A_143 = arith.select %eq3A_134, %broadcast_in_dim3A_142, %select_n3A_141 : vector<16xi1>, vector<16xi32>
    %swap3A = arith.constant 0 : index
    %swap3A_144 = tpu.vector_load %arg24[%swap3A] {strides = array<i32>} : memref<16xi32, #tpu.memory_space<vmem>>, vector<16xi32>,
    tpu.vector_store %arg24[%swap3A], %select_n3A_143 {strides = array<i32>} : memref<16xi32, #tpu.memory_space<vmem>>, vector<16xi32>,
    "tpu.region"() ({
      %run_scoped3A = tpu.sem_alloc : memref<!tpu.dma_semaphore, #tpu.memory_space<semaphore_mem>>
      %dma_start3A = arith.constant 0 : i32
      %dma_start3A_753 = tpu.memref_slice %arg31[%arg1, %dma_start3A] : memref<32x64xi32, #tpu.memory_space<vmem_shared>> -> memref<1x16xi32, #tpu.memory_space<vmem_shared>>
      %dma_start3A_754 = tpu.memref_squeeze %dma_start3A_753 : memref<1x16xi32, #tpu.memory_space<vmem_shared>> -> memref<16xi32, #tpu.memory_space<vmem_shared>>
      %dma_start3A_755 = arith.constant 0 : i32
      %dma_start3A_756 = tpu.memref_slice %arg31[%arg1, %dma_start3A_755] : memref<32x64xi32, #tpu.memory_space<vmem_shared>> -> memref<1x16xi32, #tpu.memory_space<vmem_shared>>
      %dma_start3A_757 = tpu.memref_squeeze %dma_start3A_756 : memref<1x16xi32, #tpu.memory_space<vmem_shared>> -> memref<16xi32, #tpu.memory_space<vmem_shared>>
      tpu.enqueue_dma source(%arg24 : memref<16xi32, #tpu.memory_space<vmem>>) target(%dma_start3A_757 : memref<16xi32, #tpu.memory_space<vmem_shared>>) target_semaphore(%run_scoped3A : memref<!tpu.dma_semaphore, #tpu.memory_space<semaphore_mem>>)
      %dma_wait3A = arith.constant 0 : i32
      %dma_wait3A_758 = tpu.memref_slice %arg31[%arg1, %dma_wait3A] : memref<32x64xi32, #tpu.memory_space<vmem_shared>> -> memref<1x16xi32, #tpu.memory_space<vmem_shared>>
      %dma_wait3A_759 = tpu.memref_squeeze %dma_wait3A_758 : memref<1x16xi32, #tpu.memory_space<vmem_shared>> -> memref<16xi32, #tpu.memory_space<vmem_shared>>
      %dma_wait3A_760 = arith.constant 0 : i32
      %dma_wait3A_761 = tpu.memref_slice %arg31[%arg1, %dma_wait3A_760] : memref<32x64xi32, #tpu.memory_space<vmem_shared>> -> memref<1x16xi32, #tpu.memory_space<vmem_shared>>
      %dma_wait3A_762 = tpu.memref_squeeze %dma_wait3A_761 : memref<1x16xi32, #tpu.memory_space<vmem_shared>> -> memref<16xi32, #tpu.memory_space<vmem_shared>>
      tpu.wait_dma2 semaphore(%run_scoped3A : memref<!tpu.dma_semaphore, #tpu.memory_space<semaphore_mem>>) src(%arg24 : memref<16xi32, #tpu.memory_space<vmem>>) dst(%dma_wait3A_762 : memref<16xi32, #tpu.memory_space<vmem_shared>>)
      tpu.yield
    }) : () -> ()
    %barrier3A_145 = arith.constant 0 : index
    tpu.barrier barrier_id(%barrier3A_145)
    "tpu.region"() ({
      %run_scoped3A = tpu.sem_alloc : memref<!tpu.dma_semaphore, #tpu.memory_space<semaphore_mem>>
      tpu.enqueue_dma source(%arg31 : memref<32x64xi32, #tpu.memory_space<vmem_shared>>) target(%arg18 : memref<32x64xi32, #tpu.memory_space<vmem>>) target_semaphore(%run_scoped3A : memref<!tpu.dma_semaphore, #tpu.memory_space<semaphore_mem>>)
      tpu.wait_dma2 semaphore(%run_scoped3A : memref<!tpu.dma_semaphore, #tpu.memory_space<semaphore_mem>>) src(%arg31 : memref<32x64xi32, #tpu.memory_space<vmem_shared>>) dst(%arg18 : memref<32x64xi32, #tpu.memory_space<vmem>>)
      tpu.yield
    }) : () -> ()
    %mul3A_146 = arith.constant 0 : i32
    %mul3A_147 = vector.broadcast %mul3A_146 : i32 to vector<16xi32>
    %mul3A_148 = arith.muli %iota3A, %mul3A_147 : vector<16xi32>
    %gather3A_149 = tpu.vector_load_idx %arg18[%iota3A, %mul3A_148] : memref<32x64xi32, #tpu.memory_space<vmem>>[vector<16xi32>, vector<16xi32>], vector<16xi32>,
    %mul3A_150 = arith.constant 0 : i32
    %mul3A_151 = vector.broadcast %mul3A_150 : i32 to vector<16xi32>
    %mul3A_152 = arith.muli %iota3A, %mul3A_151 : vector<16xi32>
    %add3A_153 = arith.constant 1 : i32
    %add3A_154 = vector.broadcast %add3A_153 : i32 to vector<16xi32>
    %add3A_155 = arith.addi %mul3A_152, %add3A_154 : vector<16xi32>
    %gather3A_156 = tpu.vector_load_idx %arg18[%iota3A, %add3A_155] : memref<32x64xi32, #tpu.memory_space<vmem>>[vector<16xi32>, vector<16xi32>], vector<16xi32>,
    %scan3A_157 = arith.constant 0 : i32
    %scan3A_158 = arith.constant 0 : i32
    %scan3A_159 = arith.constant 512 : i32
    %scan3A_160 = arith.addi %scan3A_158, %scan3A_159 : i32
    %scan3A_161 = arith.constant 1 : i32
    %scan3A_162 = scf.for %scan3A_753 = %scan3A_158 to %scan3A_160 step %scan3A_161 iter_args(%scan3A_754 = %scan3A_157) -> (i32)  : i32 {
      %mul3A_755 = arith.constant 16 : i32
      %mul3A_756 = arith.muli %scan3A_753, %mul3A_755 : i32
      %swap3A_757 = arith.index_cast %mul3A_756 : i32 to index
      %swap3A_758 = tpu.vector_load %arg16[%swap3A_757] {strides = array<i32>} : memref<8192xi32, #tpu.memory_space<vmem>>, vector<16xi32>,
      tpu.vector_store %arg16[%swap3A_757], %broadcast_in_dim3A_4 {strides = array<i32>} : memref<8192xi32, #tpu.memory_space<vmem>>, vector<16xi32>,
      %scan3A_759 = arith.constant 0 : i32
      scf.yield %scan3A_759 : i32
    }
    %scan3A_163 = arith.constant 512 : i32
    tpu.vector_store_idx %arg16[%gather3A_149], %iota3A : memref<8192xi32, #tpu.memory_space<vmem>>[vector<16xi32>], vector<16xi32>,
    %add3A_164 = arith.constant 16 : i32
    %add3A_165 = vector.broadcast %add3A_164 : i32 to vector<16xi32>
    %add3A_166 = arith.addi %iota3A, %add3A_165 : vector<16xi32>
    %lt3A = arith.constant 14 : i32
    %lt3A_167 = vector.broadcast %lt3A : i32 to vector<16xi32>
    %lt3A_168 = arith.cmpi slt, %iota3A, %lt3A_167 : vector<16xi32>
    tpu.vector_store_idx %arg16[%gather3A_156], %add3A_166 masked %lt3A_168 : memref<8192xi32, #tpu.memory_space<vmem>>[vector<16xi32>], vector<16xi32>, vector<16xi1>
    %scan3A_169 = arith.constant 0 : i32
    %scan3A_170 = arith.constant 0 : i32
    %scan3A_171 = arith.constant 1024 : i32
    %scan3A_172 = arith.addi %scan3A_170, %scan3A_171 : i32
    %scan3A_173 = arith.constant 1 : i32
    %scan3A_174 = scf.for %scan3A_753 = %scan3A_170 to %scan3A_172 step %scan3A_173 iter_args(%scan3A_754 = %scan3A_169) -> (i32)  : i32 {
      %mul3A_755 = arith.constant 16 : i32
      %mul3A_756 = arith.muli %scan3A_753, %mul3A_755 : i32
      %swap3A_757 = arith.index_cast %mul3A_756 : i32 to index
      %swap3A_758 = tpu.vector_load %arg12[%swap3A_757] {strides = array<i32>} : memref<16384xf32, #tpu.memory_space<vmem>>, vector<16xf32>,
      tpu.vector_store %arg12[%swap3A_757], %broadcast_in_dim3A_2 {strides = array<i32>} : memref<16384xf32, #tpu.memory_space<vmem>>, vector<16xf32>,
      %scan3A_759 = arith.constant 0 : i32
      scf.yield %scan3A_759 : i32
    }
    %scan3A_175 = arith.constant 1024 : i32
    %scan3A_176 = arith.constant 0 : i32
    %scan3A_177 = arith.constant 0 : i32
    %scan3A_178 = arith.constant 1024 : i32
    %scan3A_179 = arith.addi %scan3A_177, %scan3A_178 : i32
    %scan3A_180 = arith.constant 1 : i32
    %scan3A_181 = scf.for %scan3A_753 = %scan3A_177 to %scan3A_179 step %scan3A_180 iter_args(%scan3A_754 = %scan3A_176) -> (i32)  : i32 {
      %mul3A_755 = arith.constant 16 : i32
      %mul3A_756 = arith.muli %scan3A_753, %mul3A_755 : i32
      %get3A_757 = arith.index_cast %mul3A_756 : i32 to index
      %get3A_758 = tpu.vector_load %arg10[%get3A_757] {strides = array<i32>} : memref<16384xi32, #tpu.memory_space<vmem>>, vector<16xi32>,
      %shift_right_logical3A_759 = arith.constant 18 : i32
      %shift_right_logical3A_760 = vector.broadcast %shift_right_logical3A_759 : i32 to vector<16xi32>
      %shift_right_logical3A_761 = arith.shrui %get3A_758, %shift_right_logical3A_760 : vector<16xi32>
      %gather3A_762 = tpu.vector_load_idx %arg16[%shift_right_logical3A_761] : memref<8192xi32, #tpu.memory_space<vmem>>[vector<16xi32>], vector<16xi32>,
      %ge3A = arith.constant 0 : i32
      %ge3A_763 = vector.broadcast %ge3A : i32 to vector<16xi32>
      %ge3A_764 = arith.cmpi sge, %gather3A_762, %ge3A_763 : vector<16xi32>
      %shift_right_logical3A_765 = arith.constant 9 : i32
      %shift_right_logical3A_766 = vector.broadcast %shift_right_logical3A_765 : i32 to vector<16xi32>
      %shift_right_logical3A_767 = arith.shrui %get3A_758, %shift_right_logical3A_766 : vector<16xi32>
      %and3A_768 = arith.constant 511 : i32
      %and3A_769 = vector.broadcast %and3A_768 : i32 to vector<16xi32>
      %and3A_770 = arith.andi %shift_right_logical3A_767, %and3A_769 : vector<16xi32>
      %mul3A_771 = arith.constant 512 : i32
      %mul3A_772 = vector.broadcast %mul3A_771 : i32 to vector<16xi32>
      %mul3A_773 = arith.muli %gather3A_762, %mul3A_772 : vector<16xi32>
      %add3A_774 = arith.addi %mul3A_773, %and3A_770 : vector<16xi32>
      %jit3A_775 = arith.constant 0 : i32
      %broadcast_in_dim3A_776 = vector.broadcast %jit3A_775 : i32 to vector<16xi32>
      %select_n3A_777 = arith.select %ge3A_764, %add3A_774, %broadcast_in_dim3A_776 : vector<16xi1>, vector<16xi32>
      tpu.vector_store_idx %arg12[%select_n3A_777], %broadcast_in_dim3A_0 masked %ge3A_764 {add = true} : memref<16384xf32, #tpu.memory_space<vmem>>[vector<16xi32>], vector<16xf32>, vector<16xi1>
      %scan3A_778 = arith.constant 0 : i32
      scf.yield %scan3A_778 : i32
    }
    %scan3A_182 = arith.constant 1024 : i32
    "tpu.region"() ({
      %run_scoped3A = tpu.sem_alloc : memref<!tpu.dma_semaphore, #tpu.memory_space<semaphore_mem>>
      %dma_start3A = arith.constant 0 : i32
      %dma_start3A_753 = tpu.memref_slice %arg29[%arg1, %dma_start3A] : memref<16x16384xf32, #tpu.memory_space<vmem_shared>> -> memref<1x16384xf32, #tpu.memory_space<vmem_shared>>
      %dma_start3A_754 = tpu.memref_squeeze %dma_start3A_753 : memref<1x16384xf32, #tpu.memory_space<vmem_shared>> -> memref<16384xf32, #tpu.memory_space<vmem_shared>>
      %dma_start3A_755 = arith.constant 0 : i32
      %dma_start3A_756 = tpu.memref_slice %arg29[%arg1, %dma_start3A_755] : memref<16x16384xf32, #tpu.memory_space<vmem_shared>> -> memref<1x16384xf32, #tpu.memory_space<vmem_shared>>
      %dma_start3A_757 = tpu.memref_squeeze %dma_start3A_756 : memref<1x16384xf32, #tpu.memory_space<vmem_shared>> -> memref<16384xf32, #tpu.memory_space<vmem_shared>>
      tpu.enqueue_dma source(%arg12 : memref<16384xf32, #tpu.memory_space<vmem>>) target(%dma_start3A_757 : memref<16384xf32, #tpu.memory_space<vmem_shared>>) target_semaphore(%run_scoped3A : memref<!tpu.dma_semaphore, #tpu.memory_space<semaphore_mem>>)
      %dma_wait3A = arith.constant 0 : i32
      %dma_wait3A_758 = tpu.memref_slice %arg29[%arg1, %dma_wait3A] : memref<16x16384xf32, #tpu.memory_space<vmem_shared>> -> memref<1x16384xf32, #tpu.memory_space<vmem_shared>>
      %dma_wait3A_759 = tpu.memref_squeeze %dma_wait3A_758 : memref<1x16384xf32, #tpu.memory_space<vmem_shared>> -> memref<16384xf32, #tpu.memory_space<vmem_shared>>
      %dma_wait3A_760 = arith.constant 0 : i32
      %dma_wait3A_761 = tpu.memref_slice %arg29[%arg1, %dma_wait3A_760] : memref<16x16384xf32, #tpu.memory_space<vmem_shared>> -> memref<1x16384xf32, #tpu.memory_space<vmem_shared>>
      %dma_wait3A_762 = tpu.memref_squeeze %dma_wait3A_761 : memref<1x16384xf32, #tpu.memory_space<vmem_shared>> -> memref<16384xf32, #tpu.memory_space<vmem_shared>>
      tpu.wait_dma2 semaphore(%run_scoped3A : memref<!tpu.dma_semaphore, #tpu.memory_space<semaphore_mem>>) src(%arg12 : memref<16384xf32, #tpu.memory_space<vmem>>) dst(%dma_wait3A_762 : memref<16384xf32, #tpu.memory_space<vmem_shared>>)
      tpu.yield
    }) : () -> ()
    %barrier3A_183 = arith.constant 0 : index
    tpu.barrier barrier_id(%barrier3A_183)
    %scan3A_184 = arith.constant 0 : i32
    %scan3A_185 = arith.constant 0 : i32
    %scan3A_186 = arith.constant 64 : i32
    %scan3A_187 = arith.addi %scan3A_185, %scan3A_186 : i32
    %scan3A_188 = arith.constant 1 : i32
    %scan3A_189 = scf.for %scan3A_753 = %scan3A_185 to %scan3A_187 step %scan3A_188 iter_args(%scan3A_754 = %scan3A_184) -> (i32)  : i32 {
      %mul3A_755 = arith.constant 16 : i32
      %mul3A_756 = arith.muli %scan3A_753, %mul3A_755 : i32
      %swap3A_757 = arith.index_cast %mul3A_756 : i32 to index
      %swap3A_758 = tpu.vector_load %arg15[%swap3A_757] {strides = array<i32>} : memref<1024xf32, #tpu.memory_space<vmem>>, vector<16xf32>,
      tpu.vector_store %arg15[%swap3A_757], %broadcast_in_dim3A_2 {strides = array<i32>} : memref<1024xf32, #tpu.memory_space<vmem>>, vector<16xf32>,
      %scan3A_759 = arith.constant 0 : i32
      scf.yield %scan3A_759 : i32
    }
    %scan3A_190 = arith.constant 64 : i32
    %scan3A_191 = arith.constant 0 : i32
    %scan3A_192 = arith.constant 0 : i32
    %scan3A_193 = arith.constant 16 : i32
    %scan3A_194 = arith.addi %scan3A_192, %scan3A_193 : i32
    %scan3A_195 = arith.constant 1 : i32
    %scan3A_196 = scf.for %scan3A_753 = %scan3A_192 to %scan3A_194 step %scan3A_195 iter_args(%scan3A_754 = %scan3A_191) -> (i32)  : i32 {
      %mul3A_755 = arith.constant 1024 : i32
      %mul3A_756 = arith.muli %arg1, %mul3A_755 : i32
      "tpu.region"() ({
        %run_scoped3A = tpu.sem_alloc : memref<!tpu.dma_semaphore, #tpu.memory_space<semaphore_mem>>
        %dma_start3A = arith.constant 0 : i32
        %dma_start3A_765 = tpu.memref_slice %arg14[%dma_start3A] : memref<1024xf32, #tpu.memory_space<vmem>> -> memref<1024xf32, #tpu.memory_space<vmem>>
        %dma_start3A_766 = tpu.memref_slice %arg29[%scan3A_753, %mul3A_756] : memref<16x16384xf32, #tpu.memory_space<vmem_shared>> -> memref<1x1024xf32, #tpu.memory_space<vmem_shared>>
        %dma_start3A_767 = tpu.memref_squeeze %dma_start3A_766 : memref<1x1024xf32, #tpu.memory_space<vmem_shared>> -> memref<1024xf32, #tpu.memory_space<vmem_shared>>
        %dma_start3A_768 = arith.constant 0 : i32
        %dma_start3A_769 = tpu.memref_slice %arg14[%dma_start3A_768] : memref<1024xf32, #tpu.memory_space<vmem>> -> memref<1024xf32, #tpu.memory_space<vmem>>
        %dma_start3A_770 = tpu.memref_slice %arg29[%scan3A_753, %mul3A_756] : memref<16x16384xf32, #tpu.memory_space<vmem_shared>> -> memref<1x1024xf32, #tpu.memory_space<vmem_shared>>
        %dma_start3A_771 = tpu.memref_squeeze %dma_start3A_770 : memref<1x1024xf32, #tpu.memory_space<vmem_shared>> -> memref<1024xf32, #tpu.memory_space<vmem_shared>>
        tpu.enqueue_dma source(%dma_start3A_771 : memref<1024xf32, #tpu.memory_space<vmem_shared>>) target(%dma_start3A_769 : memref<1024xf32, #tpu.memory_space<vmem>>) target_semaphore(%run_scoped3A : memref<!tpu.dma_semaphore, #tpu.memory_space<semaphore_mem>>)
        %dma_wait3A = arith.constant 0 : i32
        %dma_wait3A_772 = tpu.memref_slice %arg14[%dma_wait3A] : memref<1024xf32, #tpu.memory_space<vmem>> -> memref<1024xf32, #tpu.memory_space<vmem>>
        %dma_wait3A_773 = tpu.memref_slice %arg29[%scan3A_753, %mul3A_756] : memref<16x16384xf32, #tpu.memory_space<vmem_shared>> -> memref<1x1024xf32, #tpu.memory_space<vmem_shared>>
        %dma_wait3A_774 = tpu.memref_squeeze %dma_wait3A_773 : memref<1x1024xf32, #tpu.memory_space<vmem_shared>> -> memref<1024xf32, #tpu.memory_space<vmem_shared>>
        %dma_wait3A_775 = arith.constant 0 : i32
        %dma_wait3A_776 = tpu.memref_slice %arg14[%dma_wait3A_775] : memref<1024xf32, #tpu.memory_space<vmem>> -> memref<1024xf32, #tpu.memory_space<vmem>>
        %dma_wait3A_777 = tpu.memref_slice %arg29[%scan3A_753, %mul3A_756] : memref<16x16384xf32, #tpu.memory_space<vmem_shared>> -> memref<1x1024xf32, #tpu.memory_space<vmem_shared>>
        %dma_wait3A_778 = tpu.memref_squeeze %dma_wait3A_777 : memref<1x1024xf32, #tpu.memory_space<vmem_shared>> -> memref<1024xf32, #tpu.memory_space<vmem_shared>>
        tpu.wait_dma2 semaphore(%run_scoped3A : memref<!tpu.dma_semaphore, #tpu.memory_space<semaphore_mem>>) src(%dma_wait3A_778 : memref<1024xf32, #tpu.memory_space<vmem_shared>>) dst(%dma_wait3A_776 : memref<1024xf32, #tpu.memory_space<vmem>>)
        tpu.yield
      }) : () -> ()
      %scan3A_757 = arith.constant 0 : i32
      %scan3A_758 = arith.constant 0 : i32
      %scan3A_759 = arith.constant 64 : i32
      %scan3A_760 = arith.addi %scan3A_758, %scan3A_759 : i32
      %scan3A_761 = arith.constant 1 : i32
      %scan3A_762 = scf.for %scan3A_765 = %scan3A_758 to %scan3A_760 step %scan3A_761 iter_args(%scan3A_766 = %scan3A_757) -> (i32)  : i32 {
        %mul3A_767 = arith.constant 16 : i32
        %mul3A_768 = arith.muli %scan3A_765, %mul3A_767 : i32
        %get3A_769 = arith.index_cast %mul3A_768 : i32 to index
        %get3A_770 = tpu.vector_load %arg15[%get3A_769] {strides = array<i32>} : memref<1024xf32, #tpu.memory_space<vmem>>, vector<16xf32>,
        %mul3A_771 = arith.constant 16 : i32
        %mul3A_772 = arith.muli %scan3A_765, %mul3A_771 : i32
        %get3A_773 = arith.index_cast %mul3A_772 : i32 to index
        %get3A_774 = tpu.vector_load %arg14[%get3A_773] {strides = array<i32>} : memref<1024xf32, #tpu.memory_space<vmem>>, vector<16xf32>,
        %add3A_775 = arith.addf %get3A_770, %get3A_774 : vector<16xf32>
        %mul3A_776 = arith.constant 16 : i32
        %mul3A_777 = arith.muli %scan3A_765, %mul3A_776 : i32
        %swap3A_778 = arith.index_cast %mul3A_777 : i32 to index
        %swap3A_779 = tpu.vector_load %arg15[%swap3A_778] {strides = array<i32>} : memref<1024xf32, #tpu.memory_space<vmem>>, vector<16xf32>,
        tpu.vector_store %arg15[%swap3A_778], %add3A_775 {strides = array<i32>} : memref<1024xf32, #tpu.memory_space<vmem>>, vector<16xf32>,
        %scan3A_780 = arith.constant 0 : i32
        scf.yield %scan3A_780 : i32
      }
      %scan3A_763 = arith.constant 64 : i32
      %scan3A_764 = arith.constant 0 : i32
      scf.yield %scan3A_764 : i32
    }
    %scan3A_197 = arith.constant 16 : i32
    %mul3A_198 = arith.constant 1024 : i32
    %mul3A_199 = arith.muli %arg1, %mul3A_198 : i32
    "tpu.region"() ({
      %run_scoped3A = tpu.sem_alloc : memref<!tpu.dma_semaphore, #tpu.memory_space<semaphore_mem>>
      %dma_start3A = arith.constant 0 : i32
      %dma_start3A_753 = tpu.memref_slice %arg15[%dma_start3A] : memref<1024xf32, #tpu.memory_space<vmem>> -> memref<1024xf32, #tpu.memory_space<vmem>>
      %dma_start3A_754 = tpu.memref_slice %arg30[%mul3A_199] : memref<16384xf32, #tpu.memory_space<vmem_shared>> -> memref<1024xf32, #tpu.memory_space<vmem_shared>>
      %dma_start3A_755 = tpu.memref_slice %arg30[%mul3A_199] : memref<16384xf32, #tpu.memory_space<vmem_shared>> -> memref<1024xf32, #tpu.memory_space<vmem_shared>>
      %dma_start3A_756 = arith.constant 0 : i32
      %dma_start3A_757 = tpu.memref_slice %arg15[%dma_start3A_756] : memref<1024xf32, #tpu.memory_space<vmem>> -> memref<1024xf32, #tpu.memory_space<vmem>>
      tpu.enqueue_dma source(%dma_start3A_757 : memref<1024xf32, #tpu.memory_space<vmem>>) target(%dma_start3A_755 : memref<1024xf32, #tpu.memory_space<vmem_shared>>) target_semaphore(%run_scoped3A : memref<!tpu.dma_semaphore, #tpu.memory_space<semaphore_mem>>)
      %dma_wait3A = arith.constant 0 : i32
      %dma_wait3A_758 = tpu.memref_slice %arg15[%dma_wait3A] : memref<1024xf32, #tpu.memory_space<vmem>> -> memref<1024xf32, #tpu.memory_space<vmem>>
      %dma_wait3A_759 = tpu.memref_slice %arg30[%mul3A_199] : memref<16384xf32, #tpu.memory_space<vmem_shared>> -> memref<1024xf32, #tpu.memory_space<vmem_shared>>
      %dma_wait3A_760 = tpu.memref_slice %arg30[%mul3A_199] : memref<16384xf32, #tpu.memory_space<vmem_shared>> -> memref<1024xf32, #tpu.memory_space<vmem_shared>>
      %dma_wait3A_761 = arith.constant 0 : i32
      %dma_wait3A_762 = tpu.memref_slice %arg15[%dma_wait3A_761] : memref<1024xf32, #tpu.memory_space<vmem>> -> memref<1024xf32, #tpu.memory_space<vmem>>
      tpu.wait_dma2 semaphore(%run_scoped3A : memref<!tpu.dma_semaphore, #tpu.memory_space<semaphore_mem>>) src(%dma_wait3A_762 : memref<1024xf32, #tpu.memory_space<vmem>>) dst(%dma_wait3A_760 : memref<1024xf32, #tpu.memory_space<vmem_shared>>)
      tpu.yield
    }) : () -> ()
    %barrier3A_200 = arith.constant 0 : index
    tpu.barrier barrier_id(%barrier3A_200)
    %mul3A_201 = arith.constant 0 : i32
    %mul3A_202 = vector.broadcast %mul3A_201 : i32 to vector<16xi32>
    %mul3A_203 = arith.muli %iota3A, %mul3A_202 : vector<16xi32>
    %add3A_204 = vector.broadcast %reduce_sum3A_83 : i32 to vector<16xi32>
    %add3A_205 = arith.addi %mul3A_203, %add3A_204 : vector<16xi32>
    %gather3A_206 = tpu.vector_load_idx %arg16[%add3A_205] : memref<8192xi32, #tpu.memory_space<vmem>>[vector<16xi32>], vector<16xi32>,
    %reduce_max3A_207 = arith.constant true
    %reduce_max3A_208 = vector.broadcast %reduce_max3A_207 : i1 to vector<16xi1>
    %reduce_max3A_209 = arith.constant -2147483648 : i32
    %reduce_max3A_210 = vector.broadcast %reduce_max3A_209 : i32 to vector<16xi32>
    %reduce_max3A_211 = arith.xori %gather3A_206, %reduce_max3A_210 : vector<16xi32>
    %reduce_max3A_212 = tpu.scan <max>, %reduce_max3A_211 masked %reduce_max3A_208 : vector<16xi32>, vector<16xi1> -> vector<16xi32>
    %reduce_max3A_213 = arith.xori %reduce_max3A_212, %reduce_max3A_210 : vector<16xi32>
    %reduce_max3A_214 = vector.extract %reduce_max3A_213[15] : i32 from vector<16xi32>
    %mul3A_215 = arith.constant 0 : i32
    %mul3A_216 = vector.broadcast %mul3A_215 : i32 to vector<16xi32>
    %mul3A_217 = arith.muli %iota3A, %mul3A_216 : vector<16xi32>
    %add3A_218 = vector.broadcast %reduce_sum3A_111 : i32 to vector<16xi32>
    %add3A_219 = arith.addi %mul3A_217, %add3A_218 : vector<16xi32>
    %gather3A_220 = tpu.vector_load_idx %arg16[%add3A_219] : memref<8192xi32, #tpu.memory_space<vmem>>[vector<16xi32>], vector<16xi32>,
    %reduce_max3A_221 = arith.constant true
    %reduce_max3A_222 = vector.broadcast %reduce_max3A_221 : i1 to vector<16xi1>
    %reduce_max3A_223 = arith.constant -2147483648 : i32
    %reduce_max3A_224 = vector.broadcast %reduce_max3A_223 : i32 to vector<16xi32>
    %reduce_max3A_225 = arith.xori %gather3A_220, %reduce_max3A_224 : vector<16xi32>
    %reduce_max3A_226 = tpu.scan <max>, %reduce_max3A_225 masked %reduce_max3A_222 : vector<16xi32>, vector<16xi1> -> vector<16xi32>
    %reduce_max3A_227 = arith.xori %reduce_max3A_226, %reduce_max3A_224 : vector<16xi32>
    %reduce_max3A_228 = vector.extract %reduce_max3A_227[15] : i32 from vector<16xi32>
    %mul3A_229 = arith.constant 512 : i32
    %mul3A_230 = arith.muli %reduce_max3A_214, %mul3A_229 : i32
    "tpu.region"() ({
      %run_scoped3A = tpu.sem_alloc : memref<!tpu.dma_semaphore, #tpu.memory_space<semaphore_mem>>
      %dma_start3A = arith.constant 0 : i32
      %dma_start3A_753 = tpu.memref_slice %arg14[%dma_start3A] : memref<1024xf32, #tpu.memory_space<vmem>> -> memref<512xf32, #tpu.memory_space<vmem>>
      %dma_start3A_754 = tpu.memref_slice %arg30[%mul3A_230] : memref<16384xf32, #tpu.memory_space<vmem_shared>> -> memref<512xf32, #tpu.memory_space<vmem_shared>>
      %dma_start3A_755 = arith.constant 0 : i32
      %dma_start3A_756 = tpu.memref_slice %arg14[%dma_start3A_755] : memref<1024xf32, #tpu.memory_space<vmem>> -> memref<512xf32, #tpu.memory_space<vmem>>
      %dma_start3A_757 = tpu.memref_slice %arg30[%mul3A_230] : memref<16384xf32, #tpu.memory_space<vmem_shared>> -> memref<512xf32, #tpu.memory_space<vmem_shared>>
      tpu.enqueue_dma source(%dma_start3A_757 : memref<512xf32, #tpu.memory_space<vmem_shared>>) target(%dma_start3A_756 : memref<512xf32, #tpu.memory_space<vmem>>) target_semaphore(%run_scoped3A : memref<!tpu.dma_semaphore, #tpu.memory_space<semaphore_mem>>)
      %dma_wait3A = arith.constant 0 : i32
      %dma_wait3A_758 = tpu.memref_slice %arg14[%dma_wait3A] : memref<1024xf32, #tpu.memory_space<vmem>> -> memref<512xf32, #tpu.memory_space<vmem>>
      %dma_wait3A_759 = tpu.memref_slice %arg30[%mul3A_230] : memref<16384xf32, #tpu.memory_space<vmem_shared>> -> memref<512xf32, #tpu.memory_space<vmem_shared>>
      %dma_wait3A_760 = arith.constant 0 : i32
      %dma_wait3A_761 = tpu.memref_slice %arg14[%dma_wait3A_760] : memref<1024xf32, #tpu.memory_space<vmem>> -> memref<512xf32, #tpu.memory_space<vmem>>
      %dma_wait3A_762 = tpu.memref_slice %arg30[%mul3A_230] : memref<16384xf32, #tpu.memory_space<vmem_shared>> -> memref<512xf32, #tpu.memory_space<vmem_shared>>
      tpu.wait_dma2 semaphore(%run_scoped3A : memref<!tpu.dma_semaphore, #tpu.memory_space<semaphore_mem>>) src(%dma_wait3A_762 : memref<512xf32, #tpu.memory_space<vmem_shared>>) dst(%dma_wait3A_761 : memref<512xf32, #tpu.memory_space<vmem>>)
      tpu.yield
    }) : () -> ()
    %mul3A_231 = arith.constant 512 : i32
    %mul3A_232 = arith.muli %reduce_max3A_228, %mul3A_231 : i32
    "tpu.region"() ({
      %run_scoped3A = tpu.sem_alloc : memref<!tpu.dma_semaphore, #tpu.memory_space<semaphore_mem>>
      %dma_start3A = arith.constant 512 : i32
      %dma_start3A_753 = tpu.memref_slice %arg14[%dma_start3A] : memref<1024xf32, #tpu.memory_space<vmem>> -> memref<512xf32, #tpu.memory_space<vmem>>
      %dma_start3A_754 = tpu.memref_slice %arg30[%mul3A_232] : memref<16384xf32, #tpu.memory_space<vmem_shared>> -> memref<512xf32, #tpu.memory_space<vmem_shared>>
      %dma_start3A_755 = arith.constant 512 : i32
      %dma_start3A_756 = tpu.memref_slice %arg14[%dma_start3A_755] : memref<1024xf32, #tpu.memory_space<vmem>> -> memref<512xf32, #tpu.memory_space<vmem>>
      %dma_start3A_757 = tpu.memref_slice %arg30[%mul3A_232] : memref<16384xf32, #tpu.memory_space<vmem_shared>> -> memref<512xf32, #tpu.memory_space<vmem_shared>>
      tpu.enqueue_dma source(%dma_start3A_757 : memref<512xf32, #tpu.memory_space<vmem_shared>>) target(%dma_start3A_756 : memref<512xf32, #tpu.memory_space<vmem>>) target_semaphore(%run_scoped3A : memref<!tpu.dma_semaphore, #tpu.memory_space<semaphore_mem>>)
      %dma_wait3A = arith.constant 512 : i32
      %dma_wait3A_758 = tpu.memref_slice %arg14[%dma_wait3A] : memref<1024xf32, #tpu.memory_space<vmem>> -> memref<512xf32, #tpu.memory_space<vmem>>
      %dma_wait3A_759 = tpu.memref_slice %arg30[%mul3A_232] : memref<16384xf32, #tpu.memory_space<vmem_shared>> -> memref<512xf32, #tpu.memory_space<vmem_shared>>
      %dma_wait3A_760 = arith.constant 512 : i32
      %dma_wait3A_761 = tpu.memref_slice %arg14[%dma_wait3A_760] : memref<1024xf32, #tpu.memory_space<vmem>> -> memref<512xf32, #tpu.memory_space<vmem>>
      %dma_wait3A_762 = tpu.memref_slice %arg30[%mul3A_232] : memref<16384xf32, #tpu.memory_space<vmem_shared>> -> memref<512xf32, #tpu.memory_space<vmem_shared>>
      tpu.wait_dma2 semaphore(%run_scoped3A : memref<!tpu.dma_semaphore, #tpu.memory_space<semaphore_mem>>) src(%dma_wait3A_762 : memref<512xf32, #tpu.memory_space<vmem_shared>>) dst(%dma_wait3A_761 : memref<512xf32, #tpu.memory_space<vmem>>)
      tpu.yield
    }) : () -> ()
    %scan3A_233 = arith.constant 0.000000e+00 : f32
    %scan3A_234 = arith.constant 0 : i32
    %scan3A_235 = arith.constant 32 : i32
    %scan3A_236 = arith.addi %scan3A_234, %scan3A_235 : i32
    %scan3A_237 = arith.constant 1 : i32
    %scan3A_238 = scf.for %scan3A_753 = %scan3A_234 to %scan3A_236 step %scan3A_237 iter_args(%scan3A_754 = %scan3A_233) -> (f32)  : i32 {
      %mul3A_755 = arith.constant 16 : i32
      %mul3A_756 = arith.muli %scan3A_753, %mul3A_755 : i32
      %add3A_757 = arith.constant 0 : i32
      %add3A_758 = arith.addi %add3A_757, %mul3A_756 : i32
      %get3A_759 = arith.index_cast %add3A_758 : i32 to index
      %get3A_760 = tpu.vector_load %arg14[%get3A_759] {strides = array<i32>} : memref<1024xf32, #tpu.memory_space<vmem>>, vector<16xf32>,
      %broadcast_in_dim3A_761 = arith.constant true
      %broadcast_in_dim3A_762 = vector.broadcast %broadcast_in_dim3A_761 : i1 to vector<16xi1>
      %masked_cumsum3A = tpu.scan <sum>, %get3A_760 masked %broadcast_in_dim3A_762 : vector<16xf32>, vector<16xi1> -> vector<16xf32>
      %add3A_763 = vector.broadcast %scan3A_754 : f32 to vector<16xf32>
      %add3A_764 = arith.addf %masked_cumsum3A, %add3A_763 : vector<16xf32>
      %mul3A_765 = arith.constant 16 : i32
      %mul3A_766 = arith.muli %scan3A_753, %mul3A_765 : i32
      %add3A_767 = arith.constant 0 : i32
      %add3A_768 = arith.addi %add3A_767, %mul3A_766 : i32
      %swap3A_769 = arith.index_cast %add3A_768 : i32 to index
      %swap3A_770 = tpu.vector_load %arg14[%swap3A_769] {strides = array<i32>} : memref<1024xf32, #tpu.memory_space<vmem>>, vector<16xf32>,
      tpu.vector_store %arg14[%swap3A_769], %add3A_764 {strides = array<i32>} : memref<1024xf32, #tpu.memory_space<vmem>>, vector<16xf32>,
      %reduce_sum3A_771 = arith.constant true
      %reduce_sum3A_772 = vector.broadcast %reduce_sum3A_771 : i1 to vector<16xi1>
      %reduce_sum3A_773 = tpu.scan <sum>, %get3A_760 masked %reduce_sum3A_772 : vector<16xf32>, vector<16xi1> -> vector<16xf32>
      %reduce_sum3A_774 = vector.extract %reduce_sum3A_773[15] : f32 from vector<16xf32>
      %add3A_775 = arith.addf %scan3A_754, %reduce_sum3A_774 : f32
      scf.yield %add3A_775 : f32
    }
    %scan3A_239 = arith.constant 32 : i32
    %scan3A_240 = arith.constant 0.000000e+00 : f32
    %scan3A_241 = arith.constant 0 : i32
    %scan3A_242 = arith.constant 32 : i32
    %scan3A_243 = arith.addi %scan3A_241, %scan3A_242 : i32
    %scan3A_244 = arith.constant 1 : i32
    %scan3A_245 = scf.for %scan3A_753 = %scan3A_241 to %scan3A_243 step %scan3A_244 iter_args(%scan3A_754 = %scan3A_240) -> (f32)  : i32 {
      %mul3A_755 = arith.constant 16 : i32
      %mul3A_756 = arith.muli %scan3A_753, %mul3A_755 : i32
      %add3A_757 = arith.constant 512 : i32
      %add3A_758 = arith.addi %add3A_757, %mul3A_756 : i32
      %get3A_759 = arith.index_cast %add3A_758 : i32 to index
      %get3A_760 = tpu.vector_load %arg14[%get3A_759] {strides = array<i32>} : memref<1024xf32, #tpu.memory_space<vmem>>, vector<16xf32>,
      %broadcast_in_dim3A_761 = arith.constant true
      %broadcast_in_dim3A_762 = vector.broadcast %broadcast_in_dim3A_761 : i1 to vector<16xi1>
      %masked_cumsum3A = tpu.scan <sum>, %get3A_760 masked %broadcast_in_dim3A_762 : vector<16xf32>, vector<16xi1> -> vector<16xf32>
      %add3A_763 = vector.broadcast %scan3A_754 : f32 to vector<16xf32>
      %add3A_764 = arith.addf %masked_cumsum3A, %add3A_763 : vector<16xf32>
      %mul3A_765 = arith.constant 16 : i32
      %mul3A_766 = arith.muli %scan3A_753, %mul3A_765 : i32
      %add3A_767 = arith.constant 512 : i32
      %add3A_768 = arith.addi %add3A_767, %mul3A_766 : i32
      %swap3A_769 = arith.index_cast %add3A_768 : i32 to index
      %swap3A_770 = tpu.vector_load %arg14[%swap3A_769] {strides = array<i32>} : memref<1024xf32, #tpu.memory_space<vmem>>, vector<16xf32>,
      tpu.vector_store %arg14[%swap3A_769], %add3A_764 {strides = array<i32>} : memref<1024xf32, #tpu.memory_space<vmem>>, vector<16xf32>,
      %reduce_sum3A_771 = arith.constant true
      %reduce_sum3A_772 = vector.broadcast %reduce_sum3A_771 : i1 to vector<16xi1>
      %reduce_sum3A_773 = tpu.scan <sum>, %get3A_760 masked %reduce_sum3A_772 : vector<16xf32>, vector<16xi1> -> vector<16xf32>
      %reduce_sum3A_774 = vector.extract %reduce_sum3A_773[15] : f32 from vector<16xf32>
      %add3A_775 = arith.addf %scan3A_754, %reduce_sum3A_774 : f32
      scf.yield %add3A_775 : f32
    }
    %scan3A_246 = arith.constant 32 : i32
    %broadcast_in_dim3A_247 = arith.constant 0 : i32
    %broadcast_in_dim3A_248 = vector.broadcast %broadcast_in_dim3A_247 : i32 to vector<16xi32>
    %scan3A_249 = arith.constant 0 : i32
    %scan3A_250 = arith.constant 32 : i32
    %scan3A_251 = arith.addi %scan3A_249, %scan3A_250 : i32
    %scan3A_252 = arith.constant 1 : i32
    %scan3A_253 = scf.for %scan3A_753 = %scan3A_249 to %scan3A_251 step %scan3A_252 iter_args(%scan3A_754 = %broadcast_in_dim3A_248) -> (vector<16xi32>)  : i32 {
      %mul3A_755 = arith.constant 16 : i32
      %mul3A_756 = arith.muli %scan3A_753, %mul3A_755 : i32
      %add3A_757 = arith.constant 0 : i32
      %add3A_758 = arith.addi %add3A_757, %mul3A_756 : i32
      %get3A_759 = arith.index_cast %add3A_758 : i32 to index
      %get3A_760 = tpu.vector_load %arg14[%get3A_759] {strides = array<i32>} : memref<1024xf32, #tpu.memory_space<vmem>>, vector<16xf32>,
      %le3A_761 = vector.broadcast %sub3A_99 : f32 to vector<16xf32>
      %le3A_762 = arith.cmpf ole, %get3A_760, %le3A_761 : vector<16xf32>
      %jit3A_763 = arith.constant 1 : i32
      %jit3A_764 = arith.constant 0 : i32
      %broadcast_in_dim3A_765 = vector.broadcast %jit3A_763 : i32 to vector<16xi32>
      %broadcast_in_dim3A_766 = vector.broadcast %jit3A_764 : i32 to vector<16xi32>
      %select_n3A_767 = arith.select %le3A_762, %broadcast_in_dim3A_765, %broadcast_in_dim3A_766 : vector<16xi1>, vector<16xi32>
      %add3A_768 = arith.addi %scan3A_754, %select_n3A_767 : vector<16xi32>
      scf.yield %add3A_768 : vector<16xi32>
    }
    %scan3A_254 = arith.constant 32 : i32
    %reduce_sum3A_255 = arith.constant true
    %reduce_sum3A_256 = vector.broadcast %reduce_sum3A_255 : i1 to vector<16xi1>
    %reduce_sum3A_257 = tpu.scan <sum>, %scan3A_253 masked %reduce_sum3A_256 : vector<16xi32>, vector<16xi1> -> vector<16xi32>
    %reduce_sum3A_258 = vector.extract %reduce_sum3A_257[15] : i32 from vector<16xi32>
    %sub3A_259 = arith.constant 1 : i32
    %sub3A_260 = arith.subi %reduce_sum3A_258, %sub3A_259 : i32
    %max3A_261 = arith.constant 0 : i32
    %max3A_262 = arith.maxsi %sub3A_260, %max3A_261 : i32
    %add3A_263 = arith.constant 0 : i32
    %add3A_264 = arith.addi %add3A_263, %max3A_262 : i32
    %mul3A_265 = arith.constant 0 : i32
    %mul3A_266 = vector.broadcast %mul3A_265 : i32 to vector<16xi32>
    %mul3A_267 = arith.muli %iota3A, %mul3A_266 : vector<16xi32>
    %add3A_268 = vector.broadcast %add3A_264 : i32 to vector<16xi32>
    %add3A_269 = arith.addi %mul3A_267, %add3A_268 : vector<16xi32>
    %gather3A_270 = tpu.vector_load_idx %arg14[%add3A_269] : memref<1024xf32, #tpu.memory_space<vmem>>[vector<16xi32>], vector<16xf32>,
    %reduce_max3A_271 = arith.constant true
    %reduce_max3A_272 = vector.broadcast %reduce_max3A_271 : i1 to vector<16xi1>
    %reduce_max3A_273 = tpu.scan <max>, %gather3A_270 masked %reduce_max3A_272 : vector<16xf32>, vector<16xi1> -> vector<16xf32>
    %reduce_max3A_274 = vector.extract %reduce_max3A_273[15] : f32 from vector<16xf32>
    %gt3A_275 = arith.constant 0 : i32
    %gt3A_276 = arith.cmpi sgt, %reduce_sum3A_258, %gt3A_275 : i32
    %jit3A_277 = arith.constant 0.000000e+00 : f32
    %select_n3A_278 = arith.select %gt3A_276, %reduce_max3A_274, %jit3A_277 : f32
    %sub3A_279 = arith.subf %sub3A_99, %select_n3A_278 : f32
    %broadcast_in_dim3A_280 = arith.constant 0 : i32
    %broadcast_in_dim3A_281 = vector.broadcast %broadcast_in_dim3A_280 : i32 to vector<16xi32>
    %scan3A_282 = arith.constant 0 : i32
    %scan3A_283 = arith.constant 32 : i32
    %scan3A_284 = arith.addi %scan3A_282, %scan3A_283 : i32
    %scan3A_285 = arith.constant 1 : i32
    %scan3A_286 = scf.for %scan3A_753 = %scan3A_282 to %scan3A_284 step %scan3A_285 iter_args(%scan3A_754 = %broadcast_in_dim3A_281) -> (vector<16xi32>)  : i32 {
      %mul3A_755 = arith.constant 16 : i32
      %mul3A_756 = arith.muli %scan3A_753, %mul3A_755 : i32
      %add3A_757 = arith.constant 512 : i32
      %add3A_758 = arith.addi %add3A_757, %mul3A_756 : i32
      %get3A_759 = arith.index_cast %add3A_758 : i32 to index
      %get3A_760 = tpu.vector_load %arg14[%get3A_759] {strides = array<i32>} : memref<1024xf32, #tpu.memory_space<vmem>>, vector<16xf32>,
      %le3A_761 = vector.broadcast %sub3A_132 : f32 to vector<16xf32>
      %le3A_762 = arith.cmpf ole, %get3A_760, %le3A_761 : vector<16xf32>
      %jit3A_763 = arith.constant 1 : i32
      %jit3A_764 = arith.constant 0 : i32
      %broadcast_in_dim3A_765 = vector.broadcast %jit3A_763 : i32 to vector<16xi32>
      %broadcast_in_dim3A_766 = vector.broadcast %jit3A_764 : i32 to vector<16xi32>
      %select_n3A_767 = arith.select %le3A_762, %broadcast_in_dim3A_765, %broadcast_in_dim3A_766 : vector<16xi1>, vector<16xi32>
      %add3A_768 = arith.addi %scan3A_754, %select_n3A_767 : vector<16xi32>
      scf.yield %add3A_768 : vector<16xi32>
    }
    %scan3A_287 = arith.constant 32 : i32
    %reduce_sum3A_288 = arith.constant true
    %reduce_sum3A_289 = vector.broadcast %reduce_sum3A_288 : i1 to vector<16xi1>
    %reduce_sum3A_290 = tpu.scan <sum>, %scan3A_286 masked %reduce_sum3A_289 : vector<16xi32>, vector<16xi1> -> vector<16xi32>
    %reduce_sum3A_291 = vector.extract %reduce_sum3A_290[15] : i32 from vector<16xi32>
    %sub3A_292 = arith.constant 1 : i32
    %sub3A_293 = arith.subi %reduce_sum3A_291, %sub3A_292 : i32
    %max3A_294 = arith.constant 0 : i32
    %max3A_295 = arith.maxsi %sub3A_293, %max3A_294 : i32
    %add3A_296 = arith.constant 512 : i32
    %add3A_297 = arith.addi %add3A_296, %max3A_295 : i32
    %mul3A_298 = arith.constant 0 : i32
    %mul3A_299 = vector.broadcast %mul3A_298 : i32 to vector<16xi32>
    %mul3A_300 = arith.muli %iota3A, %mul3A_299 : vector<16xi32>
    %add3A_301 = vector.broadcast %add3A_297 : i32 to vector<16xi32>
    %add3A_302 = arith.addi %mul3A_300, %add3A_301 : vector<16xi32>
    %gather3A_303 = tpu.vector_load_idx %arg14[%add3A_302] : memref<1024xf32, #tpu.memory_space<vmem>>[vector<16xi32>], vector<16xf32>,
    %reduce_max3A_304 = arith.constant true
    %reduce_max3A_305 = vector.broadcast %reduce_max3A_304 : i1 to vector<16xi1>
    %reduce_max3A_306 = tpu.scan <max>, %gather3A_303 masked %reduce_max3A_305 : vector<16xf32>, vector<16xi1> -> vector<16xf32>
    %reduce_max3A_307 = vector.extract %reduce_max3A_306[15] : f32 from vector<16xf32>
    %gt3A_308 = arith.constant 0 : i32
    %gt3A_309 = arith.cmpi sgt, %reduce_sum3A_291, %gt3A_308 : i32
    %jit3A_310 = arith.constant 0.000000e+00 : f32
    %select_n3A_311 = arith.select %gt3A_309, %reduce_max3A_307, %jit3A_310 : f32
    %sub3A_312 = arith.subf %sub3A_132, %select_n3A_311 : f32
    %eq3A_313 = arith.constant 0 : i32
    %eq3A_314 = vector.broadcast %eq3A_313 : i32 to vector<16xi32>
    %eq3A_315 = arith.cmpi eq, %iota3A, %eq3A_314 : vector<16xi32>
    %eq3A_316 = arith.constant 1 : i32
    %eq3A_317 = vector.broadcast %eq3A_316 : i32 to vector<16xi32>
    %eq3A_318 = arith.cmpi eq, %iota3A, %eq3A_317 : vector<16xi32>
    %jit3A_319 = arith.constant 0 : i32
    %broadcast_in_dim3A_320 = vector.broadcast %reduce_sum3A_291 : i32 to vector<16xi32>
    %broadcast_in_dim3A_321 = vector.broadcast %jit3A_319 : i32 to vector<16xi32>
    %select_n3A_322 = arith.select %eq3A_318, %broadcast_in_dim3A_320, %broadcast_in_dim3A_321 : vector<16xi1>, vector<16xi32>
    %broadcast_in_dim3A_323 = vector.broadcast %reduce_sum3A_258 : i32 to vector<16xi32>
    %select_n3A_324 = arith.select %eq3A_315, %broadcast_in_dim3A_323, %select_n3A_322 : vector<16xi1>, vector<16xi32>
    %swap3A_325 = arith.constant 0 : index
    %swap3A_326 = tpu.vector_load %arg24[%swap3A_325] {strides = array<i32>} : memref<16xi32, #tpu.memory_space<vmem>>, vector<16xi32>,
    tpu.vector_store %arg24[%swap3A_325], %select_n3A_324 {strides = array<i32>} : memref<16xi32, #tpu.memory_space<vmem>>, vector<16xi32>,
    "tpu.region"() ({
      %run_scoped3A = tpu.sem_alloc : memref<!tpu.dma_semaphore, #tpu.memory_space<semaphore_mem>>
      %dma_start3A = arith.constant 0 : i32
      %dma_start3A_753 = tpu.memref_slice %arg32[%arg1, %dma_start3A] : memref<32x64xi32, #tpu.memory_space<vmem_shared>> -> memref<1x16xi32, #tpu.memory_space<vmem_shared>>
      %dma_start3A_754 = tpu.memref_squeeze %dma_start3A_753 : memref<1x16xi32, #tpu.memory_space<vmem_shared>> -> memref<16xi32, #tpu.memory_space<vmem_shared>>
      %dma_start3A_755 = arith.constant 0 : i32
      %dma_start3A_756 = tpu.memref_slice %arg32[%arg1, %dma_start3A_755] : memref<32x64xi32, #tpu.memory_space<vmem_shared>> -> memref<1x16xi32, #tpu.memory_space<vmem_shared>>
      %dma_start3A_757 = tpu.memref_squeeze %dma_start3A_756 : memref<1x16xi32, #tpu.memory_space<vmem_shared>> -> memref<16xi32, #tpu.memory_space<vmem_shared>>
      tpu.enqueue_dma source(%arg24 : memref<16xi32, #tpu.memory_space<vmem>>) target(%dma_start3A_757 : memref<16xi32, #tpu.memory_space<vmem_shared>>) target_semaphore(%run_scoped3A : memref<!tpu.dma_semaphore, #tpu.memory_space<semaphore_mem>>)
      %dma_wait3A = arith.constant 0 : i32
      %dma_wait3A_758 = tpu.memref_slice %arg32[%arg1, %dma_wait3A] : memref<32x64xi32, #tpu.memory_space<vmem_shared>> -> memref<1x16xi32, #tpu.memory_space<vmem_shared>>
      %dma_wait3A_759 = tpu.memref_squeeze %dma_wait3A_758 : memref<1x16xi32, #tpu.memory_space<vmem_shared>> -> memref<16xi32, #tpu.memory_space<vmem_shared>>
      %dma_wait3A_760 = arith.constant 0 : i32
      %dma_wait3A_761 = tpu.memref_slice %arg32[%arg1, %dma_wait3A_760] : memref<32x64xi32, #tpu.memory_space<vmem_shared>> -> memref<1x16xi32, #tpu.memory_space<vmem_shared>>
      %dma_wait3A_762 = tpu.memref_squeeze %dma_wait3A_761 : memref<1x16xi32, #tpu.memory_space<vmem_shared>> -> memref<16xi32, #tpu.memory_space<vmem_shared>>
      tpu.wait_dma2 semaphore(%run_scoped3A : memref<!tpu.dma_semaphore, #tpu.memory_space<semaphore_mem>>) src(%arg24 : memref<16xi32, #tpu.memory_space<vmem>>) dst(%dma_wait3A_762 : memref<16xi32, #tpu.memory_space<vmem_shared>>)
      tpu.yield
    }) : () -> ()
    %barrier3A_327 = arith.constant 0 : index
    tpu.barrier barrier_id(%barrier3A_327)
    "tpu.region"() ({
      %run_scoped3A = tpu.sem_alloc : memref<!tpu.dma_semaphore, #tpu.memory_space<semaphore_mem>>
      tpu.enqueue_dma source(%arg32 : memref<32x64xi32, #tpu.memory_space<vmem_shared>>) target(%arg18 : memref<32x64xi32, #tpu.memory_space<vmem>>) target_semaphore(%run_scoped3A : memref<!tpu.dma_semaphore, #tpu.memory_space<semaphore_mem>>)
      tpu.wait_dma2 semaphore(%run_scoped3A : memref<!tpu.dma_semaphore, #tpu.memory_space<semaphore_mem>>) src(%arg32 : memref<32x64xi32, #tpu.memory_space<vmem_shared>>) dst(%arg18 : memref<32x64xi32, #tpu.memory_space<vmem>>)
      tpu.yield
    }) : () -> ()
    %mul3A_328 = arith.constant 0 : i32
    %mul3A_329 = vector.broadcast %mul3A_328 : i32 to vector<16xi32>
    %mul3A_330 = arith.muli %iota3A, %mul3A_329 : vector<16xi32>
    %gather3A_331 = tpu.vector_load_idx %arg18[%iota3A, %mul3A_330] : memref<32x64xi32, #tpu.memory_space<vmem>>[vector<16xi32>, vector<16xi32>], vector<16xi32>,
    %mul3A_332 = arith.constant 0 : i32
    %mul3A_333 = vector.broadcast %mul3A_332 : i32 to vector<16xi32>
    %mul3A_334 = arith.muli %iota3A, %mul3A_333 : vector<16xi32>
    %add3A_335 = arith.constant 1 : i32
    %add3A_336 = vector.broadcast %add3A_335 : i32 to vector<16xi32>
    %add3A_337 = arith.addi %mul3A_334, %add3A_336 : vector<16xi32>
    %gather3A_338 = tpu.vector_load_idx %arg18[%iota3A, %add3A_337] : memref<32x64xi32, #tpu.memory_space<vmem>>[vector<16xi32>, vector<16xi32>], vector<16xi32>,
    %gather3A_339 = tpu.vector_load_idx %arg16[%gather3A_149] : memref<8192xi32, #tpu.memory_space<vmem>>[vector<16xi32>], vector<16xi32>,
    %gather3A_340 = tpu.vector_load_idx %arg16[%gather3A_156] : memref<8192xi32, #tpu.memory_space<vmem>>[vector<16xi32>], vector<16xi32>,
    %scan3A_341 = arith.constant 0 : i32
    %scan3A_342 = arith.constant 0 : i32
    %scan3A_343 = arith.constant 1024 : i32
    %scan3A_344 = arith.addi %scan3A_342, %scan3A_343 : i32
    %scan3A_345 = arith.constant 1 : i32
    %scan3A_346 = scf.for %scan3A_753 = %scan3A_342 to %scan3A_344 step %scan3A_345 iter_args(%scan3A_754 = %scan3A_341) -> (i32)  : i32 {
      %mul3A_755 = arith.constant 16 : i32
      %mul3A_756 = arith.muli %scan3A_753, %mul3A_755 : i32
      %swap3A_757 = arith.index_cast %mul3A_756 : i32 to index
      %swap3A_758 = tpu.vector_load %arg17[%swap3A_757] {strides = array<i32>} : memref<16384xi32, #tpu.memory_space<vmem>>, vector<16xi32>,
      tpu.vector_store %arg17[%swap3A_757], %broadcast_in_dim3A_4 {strides = array<i32>} : memref<16384xi32, #tpu.memory_space<vmem>>, vector<16xi32>,
      %scan3A_759 = arith.constant 0 : i32
      scf.yield %scan3A_759 : i32
    }
    %scan3A_347 = arith.constant 1024 : i32
    %mul3A_348 = arith.constant 512 : i32
    %mul3A_349 = vector.broadcast %mul3A_348 : i32 to vector<16xi32>
    %mul3A_350 = arith.muli %gather3A_339, %mul3A_349 : vector<16xi32>
    %add3A_351 = arith.addi %mul3A_350, %gather3A_331 : vector<16xi32>
    tpu.vector_store_idx %arg17[%add3A_351], %iota3A : memref<16384xi32, #tpu.memory_space<vmem>>[vector<16xi32>], vector<16xi32>,
    %mul3A_352 = arith.constant 512 : i32
    %mul3A_353 = vector.broadcast %mul3A_352 : i32 to vector<16xi32>
    %mul3A_354 = arith.muli %gather3A_340, %mul3A_353 : vector<16xi32>
    %add3A_355 = arith.addi %mul3A_354, %gather3A_338 : vector<16xi32>
    %add3A_356 = arith.constant 16 : i32
    %add3A_357 = vector.broadcast %add3A_356 : i32 to vector<16xi32>
    %add3A_358 = arith.addi %iota3A, %add3A_357 : vector<16xi32>
    %lt3A_359 = arith.constant 14 : i32
    %lt3A_360 = vector.broadcast %lt3A_359 : i32 to vector<16xi32>
    %lt3A_361 = arith.cmpi slt, %iota3A, %lt3A_360 : vector<16xi32>
    tpu.vector_store_idx %arg17[%add3A_355], %add3A_358 masked %lt3A_361 : memref<16384xi32, #tpu.memory_space<vmem>>[vector<16xi32>], vector<16xi32>, vector<16xi1>
    %scan3A_362 = arith.constant 0 : i32
    %scan3A_363 = arith.constant 0 : i32
    %scan3A_364 = arith.constant 1024 : i32
    %scan3A_365 = arith.addi %scan3A_363, %scan3A_364 : i32
    %scan3A_366 = arith.constant 1 : i32
    %scan3A_367 = scf.for %scan3A_753 = %scan3A_363 to %scan3A_365 step %scan3A_366 iter_args(%scan3A_754 = %scan3A_362) -> (i32)  : i32 {
      %mul3A_755 = arith.constant 16 : i32
      %mul3A_756 = arith.muli %scan3A_753, %mul3A_755 : i32
      %swap3A_757 = arith.index_cast %mul3A_756 : i32 to index
      %swap3A_758 = tpu.vector_load %arg12[%swap3A_757] {strides = array<i32>} : memref<16384xf32, #tpu.memory_space<vmem>>, vector<16xf32>,
      tpu.vector_store %arg12[%swap3A_757], %broadcast_in_dim3A_2 {strides = array<i32>} : memref<16384xf32, #tpu.memory_space<vmem>>, vector<16xf32>,
      %scan3A_759 = arith.constant 0 : i32
      scf.yield %scan3A_759 : i32
    }
    %scan3A_368 = arith.constant 1024 : i32
    %scan3A_369 = arith.constant 0 : i32
    %scan3A_370 = arith.constant 0 : i32
    %scan3A_371 = arith.constant 1024 : i32
    %scan3A_372 = arith.addi %scan3A_370, %scan3A_371 : i32
    %scan3A_373 = arith.constant 1 : i32
    %scan3A_374 = scf.for %scan3A_753 = %scan3A_370 to %scan3A_372 step %scan3A_373 iter_args(%scan3A_754 = %scan3A_369) -> (i32)  : i32 {
      %mul3A_755 = arith.constant 16 : i32
      %mul3A_756 = arith.muli %scan3A_753, %mul3A_755 : i32
      %get3A_757 = arith.index_cast %mul3A_756 : i32 to index
      %get3A_758 = tpu.vector_load %arg10[%get3A_757] {strides = array<i32>} : memref<16384xi32, #tpu.memory_space<vmem>>, vector<16xi32>,
      %shift_right_logical3A_759 = arith.constant 18 : i32
      %shift_right_logical3A_760 = vector.broadcast %shift_right_logical3A_759 : i32 to vector<16xi32>
      %shift_right_logical3A_761 = arith.shrui %get3A_758, %shift_right_logical3A_760 : vector<16xi32>
      %gather3A_762 = tpu.vector_load_idx %arg16[%shift_right_logical3A_761] : memref<8192xi32, #tpu.memory_space<vmem>>[vector<16xi32>], vector<16xi32>,
      %ge3A = arith.constant 0 : i32
      %ge3A_763 = vector.broadcast %ge3A : i32 to vector<16xi32>
      %ge3A_764 = arith.cmpi sge, %gather3A_762, %ge3A_763 : vector<16xi32>
      %shift_right_logical3A_765 = arith.constant 9 : i32
      %shift_right_logical3A_766 = vector.broadcast %shift_right_logical3A_765 : i32 to vector<16xi32>
      %shift_right_logical3A_767 = arith.shrui %get3A_758, %shift_right_logical3A_766 : vector<16xi32>
      %and3A_768 = arith.constant 511 : i32
      %and3A_769 = vector.broadcast %and3A_768 : i32 to vector<16xi32>
      %and3A_770 = arith.andi %shift_right_logical3A_767, %and3A_769 : vector<16xi32>
      %mul3A_771 = arith.constant 512 : i32
      %mul3A_772 = vector.broadcast %mul3A_771 : i32 to vector<16xi32>
      %mul3A_773 = arith.muli %gather3A_762, %mul3A_772 : vector<16xi32>
      %add3A_774 = arith.addi %mul3A_773, %and3A_770 : vector<16xi32>
      %jit3A_775 = arith.constant 0 : i32
      %broadcast_in_dim3A_776 = vector.broadcast %jit3A_775 : i32 to vector<16xi32>
      %select_n3A_777 = arith.select %ge3A_764, %add3A_774, %broadcast_in_dim3A_776 : vector<16xi1>, vector<16xi32>
      %gather3A_778 = tpu.vector_load_idx %arg17[%select_n3A_777] : memref<16384xi32, #tpu.memory_space<vmem>>[vector<16xi32>], vector<16xi32>,
      %jit3A_779 = arith.constant -1 : i32
      %broadcast_in_dim3A_780 = vector.broadcast %jit3A_779 : i32 to vector<16xi32>
      %select_n3A_781 = arith.select %ge3A_764, %gather3A_778, %broadcast_in_dim3A_780 : vector<16xi1>, vector<16xi32>
      %ge3A_782 = arith.constant 0 : i32
      %ge3A_783 = vector.broadcast %ge3A_782 : i32 to vector<16xi32>
      %ge3A_784 = arith.cmpi sge, %select_n3A_781, %ge3A_783 : vector<16xi32>
      %and3A_785 = arith.constant 511 : i32
      %and3A_786 = vector.broadcast %and3A_785 : i32 to vector<16xi32>
      %and3A_787 = arith.andi %get3A_758, %and3A_786 : vector<16xi32>
      %mul3A_788 = arith.constant 512 : i32
      %mul3A_789 = vector.broadcast %mul3A_788 : i32 to vector<16xi32>
      %mul3A_790 = arith.muli %select_n3A_781, %mul3A_789 : vector<16xi32>
      %add3A_791 = arith.addi %mul3A_790, %and3A_787 : vector<16xi32>
      %jit3A_792 = arith.constant 0 : i32
      %broadcast_in_dim3A_793 = vector.broadcast %jit3A_792 : i32 to vector<16xi32>
      %select_n3A_794 = arith.select %ge3A_784, %add3A_791, %broadcast_in_dim3A_793 : vector<16xi1>, vector<16xi32>
      tpu.vector_store_idx %arg12[%select_n3A_794], %broadcast_in_dim3A_0 masked %ge3A_784 {add = true} : memref<16384xf32, #tpu.memory_space<vmem>>[vector<16xi32>], vector<16xf32>, vector<16xi1>
      %scan3A_795 = arith.constant 0 : i32
      scf.yield %scan3A_795 : i32
    }
    %scan3A_375 = arith.constant 1024 : i32
    "tpu.region"() ({
      %run_scoped3A = tpu.sem_alloc : memref<!tpu.dma_semaphore, #tpu.memory_space<semaphore_mem>>
      %dma_start3A = arith.constant 0 : i32
      %dma_start3A_753 = tpu.memref_slice %arg29[%arg1, %dma_start3A] : memref<16x16384xf32, #tpu.memory_space<vmem_shared>> -> memref<1x16384xf32, #tpu.memory_space<vmem_shared>>
      %dma_start3A_754 = tpu.memref_squeeze %dma_start3A_753 : memref<1x16384xf32, #tpu.memory_space<vmem_shared>> -> memref<16384xf32, #tpu.memory_space<vmem_shared>>
      %dma_start3A_755 = arith.constant 0 : i32
      %dma_start3A_756 = tpu.memref_slice %arg29[%arg1, %dma_start3A_755] : memref<16x16384xf32, #tpu.memory_space<vmem_shared>> -> memref<1x16384xf32, #tpu.memory_space<vmem_shared>>
      %dma_start3A_757 = tpu.memref_squeeze %dma_start3A_756 : memref<1x16384xf32, #tpu.memory_space<vmem_shared>> -> memref<16384xf32, #tpu.memory_space<vmem_shared>>
      tpu.enqueue_dma source(%arg12 : memref<16384xf32, #tpu.memory_space<vmem>>) target(%dma_start3A_757 : memref<16384xf32, #tpu.memory_space<vmem_shared>>) target_semaphore(%run_scoped3A : memref<!tpu.dma_semaphore, #tpu.memory_space<semaphore_mem>>)
      %dma_wait3A = arith.constant 0 : i32
      %dma_wait3A_758 = tpu.memref_slice %arg29[%arg1, %dma_wait3A] : memref<16x16384xf32, #tpu.memory_space<vmem_shared>> -> memref<1x16384xf32, #tpu.memory_space<vmem_shared>>
      %dma_wait3A_759 = tpu.memref_squeeze %dma_wait3A_758 : memref<1x16384xf32, #tpu.memory_space<vmem_shared>> -> memref<16384xf32, #tpu.memory_space<vmem_shared>>
      %dma_wait3A_760 = arith.constant 0 : i32
      %dma_wait3A_761 = tpu.memref_slice %arg29[%arg1, %dma_wait3A_760] : memref<16x16384xf32, #tpu.memory_space<vmem_shared>> -> memref<1x16384xf32, #tpu.memory_space<vmem_shared>>
      %dma_wait3A_762 = tpu.memref_squeeze %dma_wait3A_761 : memref<1x16384xf32, #tpu.memory_space<vmem_shared>> -> memref<16384xf32, #tpu.memory_space<vmem_shared>>
      tpu.wait_dma2 semaphore(%run_scoped3A : memref<!tpu.dma_semaphore, #tpu.memory_space<semaphore_mem>>) src(%arg12 : memref<16384xf32, #tpu.memory_space<vmem>>) dst(%dma_wait3A_762 : memref<16384xf32, #tpu.memory_space<vmem_shared>>)
      tpu.yield
    }) : () -> ()
    %barrier3A_376 = arith.constant 0 : index
    tpu.barrier barrier_id(%barrier3A_376)
    %scan3A_377 = arith.constant 0 : i32
    %scan3A_378 = arith.constant 0 : i32
    %scan3A_379 = arith.constant 64 : i32
    %scan3A_380 = arith.addi %scan3A_378, %scan3A_379 : i32
    %scan3A_381 = arith.constant 1 : i32
    %scan3A_382 = scf.for %scan3A_753 = %scan3A_378 to %scan3A_380 step %scan3A_381 iter_args(%scan3A_754 = %scan3A_377) -> (i32)  : i32 {
      %mul3A_755 = arith.constant 16 : i32
      %mul3A_756 = arith.muli %scan3A_753, %mul3A_755 : i32
      %swap3A_757 = arith.index_cast %mul3A_756 : i32 to index
      %swap3A_758 = tpu.vector_load %arg15[%swap3A_757] {strides = array<i32>} : memref<1024xf32, #tpu.memory_space<vmem>>, vector<16xf32>,
      tpu.vector_store %arg15[%swap3A_757], %broadcast_in_dim3A_2 {strides = array<i32>} : memref<1024xf32, #tpu.memory_space<vmem>>, vector<16xf32>,
      %scan3A_759 = arith.constant 0 : i32
      scf.yield %scan3A_759 : i32
    }
    %scan3A_383 = arith.constant 64 : i32
    %scan3A_384 = arith.constant 0 : i32
    %scan3A_385 = arith.constant 0 : i32
    %scan3A_386 = arith.constant 16 : i32
    %scan3A_387 = arith.addi %scan3A_385, %scan3A_386 : i32
    %scan3A_388 = arith.constant 1 : i32
    %scan3A_389 = scf.for %scan3A_753 = %scan3A_385 to %scan3A_387 step %scan3A_388 iter_args(%scan3A_754 = %scan3A_384) -> (i32)  : i32 {
      %mul3A_755 = arith.constant 1024 : i32
      %mul3A_756 = arith.muli %arg1, %mul3A_755 : i32
      "tpu.region"() ({
        %run_scoped3A = tpu.sem_alloc : memref<!tpu.dma_semaphore, #tpu.memory_space<semaphore_mem>>
        %dma_start3A = arith.constant 0 : i32
        %dma_start3A_765 = tpu.memref_slice %arg14[%dma_start3A] : memref<1024xf32, #tpu.memory_space<vmem>> -> memref<1024xf32, #tpu.memory_space<vmem>>
        %dma_start3A_766 = tpu.memref_slice %arg29[%scan3A_753, %mul3A_756] : memref<16x16384xf32, #tpu.memory_space<vmem_shared>> -> memref<1x1024xf32, #tpu.memory_space<vmem_shared>>
        %dma_start3A_767 = tpu.memref_squeeze %dma_start3A_766 : memref<1x1024xf32, #tpu.memory_space<vmem_shared>> -> memref<1024xf32, #tpu.memory_space<vmem_shared>>
        %dma_start3A_768 = arith.constant 0 : i32
        %dma_start3A_769 = tpu.memref_slice %arg14[%dma_start3A_768] : memref<1024xf32, #tpu.memory_space<vmem>> -> memref<1024xf32, #tpu.memory_space<vmem>>
        %dma_start3A_770 = tpu.memref_slice %arg29[%scan3A_753, %mul3A_756] : memref<16x16384xf32, #tpu.memory_space<vmem_shared>> -> memref<1x1024xf32, #tpu.memory_space<vmem_shared>>
        %dma_start3A_771 = tpu.memref_squeeze %dma_start3A_770 : memref<1x1024xf32, #tpu.memory_space<vmem_shared>> -> memref<1024xf32, #tpu.memory_space<vmem_shared>>
        tpu.enqueue_dma source(%dma_start3A_771 : memref<1024xf32, #tpu.memory_space<vmem_shared>>) target(%dma_start3A_769 : memref<1024xf32, #tpu.memory_space<vmem>>) target_semaphore(%run_scoped3A : memref<!tpu.dma_semaphore, #tpu.memory_space<semaphore_mem>>)
        %dma_wait3A = arith.constant 0 : i32
        %dma_wait3A_772 = tpu.memref_slice %arg14[%dma_wait3A] : memref<1024xf32, #tpu.memory_space<vmem>> -> memref<1024xf32, #tpu.memory_space<vmem>>
        %dma_wait3A_773 = tpu.memref_slice %arg29[%scan3A_753, %mul3A_756] : memref<16x16384xf32, #tpu.memory_space<vmem_shared>> -> memref<1x1024xf32, #tpu.memory_space<vmem_shared>>
        %dma_wait3A_774 = tpu.memref_squeeze %dma_wait3A_773 : memref<1x1024xf32, #tpu.memory_space<vmem_shared>> -> memref<1024xf32, #tpu.memory_space<vmem_shared>>
        %dma_wait3A_775 = arith.constant 0 : i32
        %dma_wait3A_776 = tpu.memref_slice %arg14[%dma_wait3A_775] : memref<1024xf32, #tpu.memory_space<vmem>> -> memref<1024xf32, #tpu.memory_space<vmem>>
        %dma_wait3A_777 = tpu.memref_slice %arg29[%scan3A_753, %mul3A_756] : memref<16x16384xf32, #tpu.memory_space<vmem_shared>> -> memref<1x1024xf32, #tpu.memory_space<vmem_shared>>
        %dma_wait3A_778 = tpu.memref_squeeze %dma_wait3A_777 : memref<1x1024xf32, #tpu.memory_space<vmem_shared>> -> memref<1024xf32, #tpu.memory_space<vmem_shared>>
        tpu.wait_dma2 semaphore(%run_scoped3A : memref<!tpu.dma_semaphore, #tpu.memory_space<semaphore_mem>>) src(%dma_wait3A_778 : memref<1024xf32, #tpu.memory_space<vmem_shared>>) dst(%dma_wait3A_776 : memref<1024xf32, #tpu.memory_space<vmem>>)
        tpu.yield
      }) : () -> ()
      %scan3A_757 = arith.constant 0 : i32
      %scan3A_758 = arith.constant 0 : i32
      %scan3A_759 = arith.constant 64 : i32
      %scan3A_760 = arith.addi %scan3A_758, %scan3A_759 : i32
      %scan3A_761 = arith.constant 1 : i32
      %scan3A_762 = scf.for %scan3A_765 = %scan3A_758 to %scan3A_760 step %scan3A_761 iter_args(%scan3A_766 = %scan3A_757) -> (i32)  : i32 {
        %mul3A_767 = arith.constant 16 : i32
        %mul3A_768 = arith.muli %scan3A_765, %mul3A_767 : i32
        %get3A_769 = arith.index_cast %mul3A_768 : i32 to index
        %get3A_770 = tpu.vector_load %arg15[%get3A_769] {strides = array<i32>} : memref<1024xf32, #tpu.memory_space<vmem>>, vector<16xf32>,
        %mul3A_771 = arith.constant 16 : i32
        %mul3A_772 = arith.muli %scan3A_765, %mul3A_771 : i32
        %get3A_773 = arith.index_cast %mul3A_772 : i32 to index
        %get3A_774 = tpu.vector_load %arg14[%get3A_773] {strides = array<i32>} : memref<1024xf32, #tpu.memory_space<vmem>>, vector<16xf32>,
        %add3A_775 = arith.addf %get3A_770, %get3A_774 : vector<16xf32>
        %mul3A_776 = arith.constant 16 : i32
        %mul3A_777 = arith.muli %scan3A_765, %mul3A_776 : i32
        %swap3A_778 = arith.index_cast %mul3A_777 : i32 to index
        %swap3A_779 = tpu.vector_load %arg15[%swap3A_778] {strides = array<i32>} : memref<1024xf32, #tpu.memory_space<vmem>>, vector<16xf32>,
        tpu.vector_store %arg15[%swap3A_778], %add3A_775 {strides = array<i32>} : memref<1024xf32, #tpu.memory_space<vmem>>, vector<16xf32>,
        %scan3A_780 = arith.constant 0 : i32
        scf.yield %scan3A_780 : i32
      }
      %scan3A_763 = arith.constant 64 : i32
      %scan3A_764 = arith.constant 0 : i32
      scf.yield %scan3A_764 : i32
    }
    %scan3A_390 = arith.constant 16 : i32
    %mul3A_391 = arith.constant 1024 : i32
    %mul3A_392 = arith.muli %arg1, %mul3A_391 : i32
    "tpu.region"() ({
      %run_scoped3A = tpu.sem_alloc : memref<!tpu.dma_semaphore, #tpu.memory_space<semaphore_mem>>
      %dma_start3A = arith.constant 0 : i32
      %dma_start3A_753 = tpu.memref_slice %arg15[%dma_start3A] : memref<1024xf32, #tpu.memory_space<vmem>> -> memref<1024xf32, #tpu.memory_space<vmem>>
      %dma_start3A_754 = tpu.memref_slice %arg30[%mul3A_392] : memref<16384xf32, #tpu.memory_space<vmem_shared>> -> memref<1024xf32, #tpu.memory_space<vmem_shared>>
      %dma_start3A_755 = tpu.memref_slice %arg30[%mul3A_392] : memref<16384xf32, #tpu.memory_space<vmem_shared>> -> memref<1024xf32, #tpu.memory_space<vmem_shared>>
      %dma_start3A_756 = arith.constant 0 : i32
      %dma_start3A_757 = tpu.memref_slice %arg15[%dma_start3A_756] : memref<1024xf32, #tpu.memory_space<vmem>> -> memref<1024xf32, #tpu.memory_space<vmem>>
      tpu.enqueue_dma source(%dma_start3A_757 : memref<1024xf32, #tpu.memory_space<vmem>>) target(%dma_start3A_755 : memref<1024xf32, #tpu.memory_space<vmem_shared>>) target_semaphore(%run_scoped3A : memref<!tpu.dma_semaphore, #tpu.memory_space<semaphore_mem>>)
      %dma_wait3A = arith.constant 0 : i32
      %dma_wait3A_758 = tpu.memref_slice %arg15[%dma_wait3A] : memref<1024xf32, #tpu.memory_space<vmem>> -> memref<1024xf32, #tpu.memory_space<vmem>>
      %dma_wait3A_759 = tpu.memref_slice %arg30[%mul3A_392] : memref<16384xf32, #tpu.memory_space<vmem_shared>> -> memref<1024xf32, #tpu.memory_space<vmem_shared>>
      %dma_wait3A_760 = tpu.memref_slice %arg30[%mul3A_392] : memref<16384xf32, #tpu.memory_space<vmem_shared>> -> memref<1024xf32, #tpu.memory_space<vmem_shared>>
      %dma_wait3A_761 = arith.constant 0 : i32
      %dma_wait3A_762 = tpu.memref_slice %arg15[%dma_wait3A_761] : memref<1024xf32, #tpu.memory_space<vmem>> -> memref<1024xf32, #tpu.memory_space<vmem>>
      tpu.wait_dma2 semaphore(%run_scoped3A : memref<!tpu.dma_semaphore, #tpu.memory_space<semaphore_mem>>) src(%dma_wait3A_762 : memref<1024xf32, #tpu.memory_space<vmem>>) dst(%dma_wait3A_760 : memref<1024xf32, #tpu.memory_space<vmem_shared>>)
      tpu.yield
    }) : () -> ()
    %barrier3A_393 = arith.constant 0 : index
    tpu.barrier barrier_id(%barrier3A_393)
    %mul3A_394 = arith.constant 512 : i32
    %mul3A_395 = arith.muli %reduce_max3A_214, %mul3A_394 : i32
    %add3A_396 = arith.addi %mul3A_395, %reduce_sum3A_258 : i32
    %mul3A_397 = arith.constant 0 : i32
    %mul3A_398 = vector.broadcast %mul3A_397 : i32 to vector<16xi32>
    %mul3A_399 = arith.muli %iota3A, %mul3A_398 : vector<16xi32>
    %add3A_400 = vector.broadcast %add3A_396 : i32 to vector<16xi32>
    %add3A_401 = arith.addi %mul3A_399, %add3A_400 : vector<16xi32>
    %gather3A_402 = tpu.vector_load_idx %arg17[%add3A_401] : memref<16384xi32, #tpu.memory_space<vmem>>[vector<16xi32>], vector<16xi32>,
    %reduce_max3A_403 = arith.constant true
    %reduce_max3A_404 = vector.broadcast %reduce_max3A_403 : i1 to vector<16xi1>
    %reduce_max3A_405 = arith.constant -2147483648 : i32
    %reduce_max3A_406 = vector.broadcast %reduce_max3A_405 : i32 to vector<16xi32>
    %reduce_max3A_407 = arith.xori %gather3A_402, %reduce_max3A_406 : vector<16xi32>
    %reduce_max3A_408 = tpu.scan <max>, %reduce_max3A_407 masked %reduce_max3A_404 : vector<16xi32>, vector<16xi1> -> vector<16xi32>
    %reduce_max3A_409 = arith.xori %reduce_max3A_408, %reduce_max3A_406 : vector<16xi32>
    %reduce_max3A_410 = vector.extract %reduce_max3A_409[15] : i32 from vector<16xi32>
    %mul3A_411 = arith.constant 512 : i32
    %mul3A_412 = arith.muli %reduce_max3A_228, %mul3A_411 : i32
    %add3A_413 = arith.addi %mul3A_412, %reduce_sum3A_291 : i32
    %mul3A_414 = arith.constant 0 : i32
    %mul3A_415 = vector.broadcast %mul3A_414 : i32 to vector<16xi32>
    %mul3A_416 = arith.muli %iota3A, %mul3A_415 : vector<16xi32>
    %add3A_417 = vector.broadcast %add3A_413 : i32 to vector<16xi32>
    %add3A_418 = arith.addi %mul3A_416, %add3A_417 : vector<16xi32>
    %gather3A_419 = tpu.vector_load_idx %arg17[%add3A_418] : memref<16384xi32, #tpu.memory_space<vmem>>[vector<16xi32>], vector<16xi32>,
    %reduce_max3A_420 = arith.constant true
    %reduce_max3A_421 = vector.broadcast %reduce_max3A_420 : i1 to vector<16xi1>
    %reduce_max3A_422 = arith.constant -2147483648 : i32
    %reduce_max3A_423 = vector.broadcast %reduce_max3A_422 : i32 to vector<16xi32>
    %reduce_max3A_424 = arith.xori %gather3A_419, %reduce_max3A_423 : vector<16xi32>
    %reduce_max3A_425 = tpu.scan <max>, %reduce_max3A_424 masked %reduce_max3A_421 : vector<16xi32>, vector<16xi1> -> vector<16xi32>
    %reduce_max3A_426 = arith.xori %reduce_max3A_425, %reduce_max3A_423 : vector<16xi32>
    %reduce_max3A_427 = vector.extract %reduce_max3A_426[15] : i32 from vector<16xi32>
    %mul3A_428 = arith.constant 512 : i32
    %mul3A_429 = arith.muli %reduce_max3A_410, %mul3A_428 : i32
    "tpu.region"() ({
      %run_scoped3A = tpu.sem_alloc : memref<!tpu.dma_semaphore, #tpu.memory_space<semaphore_mem>>
      %dma_start3A = arith.constant 0 : i32
      %dma_start3A_753 = tpu.memref_slice %arg14[%dma_start3A] : memref<1024xf32, #tpu.memory_space<vmem>> -> memref<512xf32, #tpu.memory_space<vmem>>
      %dma_start3A_754 = tpu.memref_slice %arg30[%mul3A_429] : memref<16384xf32, #tpu.memory_space<vmem_shared>> -> memref<512xf32, #tpu.memory_space<vmem_shared>>
      %dma_start3A_755 = arith.constant 0 : i32
      %dma_start3A_756 = tpu.memref_slice %arg14[%dma_start3A_755] : memref<1024xf32, #tpu.memory_space<vmem>> -> memref<512xf32, #tpu.memory_space<vmem>>
      %dma_start3A_757 = tpu.memref_slice %arg30[%mul3A_429] : memref<16384xf32, #tpu.memory_space<vmem_shared>> -> memref<512xf32, #tpu.memory_space<vmem_shared>>
      tpu.enqueue_dma source(%dma_start3A_757 : memref<512xf32, #tpu.memory_space<vmem_shared>>) target(%dma_start3A_756 : memref<512xf32, #tpu.memory_space<vmem>>) target_semaphore(%run_scoped3A : memref<!tpu.dma_semaphore, #tpu.memory_space<semaphore_mem>>)
      %dma_wait3A = arith.constant 0 : i32
      %dma_wait3A_758 = tpu.memref_slice %arg14[%dma_wait3A] : memref<1024xf32, #tpu.memory_space<vmem>> -> memref<512xf32, #tpu.memory_space<vmem>>
      %dma_wait3A_759 = tpu.memref_slice %arg30[%mul3A_429] : memref<16384xf32, #tpu.memory_space<vmem_shared>> -> memref<512xf32, #tpu.memory_space<vmem_shared>>
      %dma_wait3A_760 = arith.constant 0 : i32
      %dma_wait3A_761 = tpu.memref_slice %arg14[%dma_wait3A_760] : memref<1024xf32, #tpu.memory_space<vmem>> -> memref<512xf32, #tpu.memory_space<vmem>>
      %dma_wait3A_762 = tpu.memref_slice %arg30[%mul3A_429] : memref<16384xf32, #tpu.memory_space<vmem_shared>> -> memref<512xf32, #tpu.memory_space<vmem_shared>>
      tpu.wait_dma2 semaphore(%run_scoped3A : memref<!tpu.dma_semaphore, #tpu.memory_space<semaphore_mem>>) src(%dma_wait3A_762 : memref<512xf32, #tpu.memory_space<vmem_shared>>) dst(%dma_wait3A_761 : memref<512xf32, #tpu.memory_space<vmem>>)
      tpu.yield
    }) : () -> ()
    %mul3A_430 = arith.constant 512 : i32
    %mul3A_431 = arith.muli %reduce_max3A_427, %mul3A_430 : i32
    "tpu.region"() ({
      %run_scoped3A = tpu.sem_alloc : memref<!tpu.dma_semaphore, #tpu.memory_space<semaphore_mem>>
      %dma_start3A = arith.constant 512 : i32
      %dma_start3A_753 = tpu.memref_slice %arg14[%dma_start3A] : memref<1024xf32, #tpu.memory_space<vmem>> -> memref<512xf32, #tpu.memory_space<vmem>>
      %dma_start3A_754 = tpu.memref_slice %arg30[%mul3A_431] : memref<16384xf32, #tpu.memory_space<vmem_shared>> -> memref<512xf32, #tpu.memory_space<vmem_shared>>
      %dma_start3A_755 = arith.constant 512 : i32
      %dma_start3A_756 = tpu.memref_slice %arg14[%dma_start3A_755] : memref<1024xf32, #tpu.memory_space<vmem>> -> memref<512xf32, #tpu.memory_space<vmem>>
      %dma_start3A_757 = tpu.memref_slice %arg30[%mul3A_431] : memref<16384xf32, #tpu.memory_space<vmem_shared>> -> memref<512xf32, #tpu.memory_space<vmem_shared>>
      tpu.enqueue_dma source(%dma_start3A_757 : memref<512xf32, #tpu.memory_space<vmem_shared>>) target(%dma_start3A_756 : memref<512xf32, #tpu.memory_space<vmem>>) target_semaphore(%run_scoped3A : memref<!tpu.dma_semaphore, #tpu.memory_space<semaphore_mem>>)
      %dma_wait3A = arith.constant 512 : i32
      %dma_wait3A_758 = tpu.memref_slice %arg14[%dma_wait3A] : memref<1024xf32, #tpu.memory_space<vmem>> -> memref<512xf32, #tpu.memory_space<vmem>>
      %dma_wait3A_759 = tpu.memref_slice %arg30[%mul3A_431] : memref<16384xf32, #tpu.memory_space<vmem_shared>> -> memref<512xf32, #tpu.memory_space<vmem_shared>>
      %dma_wait3A_760 = arith.constant 512 : i32
      %dma_wait3A_761 = tpu.memref_slice %arg14[%dma_wait3A_760] : memref<1024xf32, #tpu.memory_space<vmem>> -> memref<512xf32, #tpu.memory_space<vmem>>
      %dma_wait3A_762 = tpu.memref_slice %arg30[%mul3A_431] : memref<16384xf32, #tpu.memory_space<vmem_shared>> -> memref<512xf32, #tpu.memory_space<vmem_shared>>
      tpu.wait_dma2 semaphore(%run_scoped3A : memref<!tpu.dma_semaphore, #tpu.memory_space<semaphore_mem>>) src(%dma_wait3A_762 : memref<512xf32, #tpu.memory_space<vmem_shared>>) dst(%dma_wait3A_761 : memref<512xf32, #tpu.memory_space<vmem>>)
      tpu.yield
    }) : () -> ()
    %scan3A_432 = arith.constant 0.000000e+00 : f32
    %scan3A_433 = arith.constant 0 : i32
    %scan3A_434 = arith.constant 32 : i32
    %scan3A_435 = arith.addi %scan3A_433, %scan3A_434 : i32
    %scan3A_436 = arith.constant 1 : i32
    %scan3A_437 = scf.for %scan3A_753 = %scan3A_433 to %scan3A_435 step %scan3A_436 iter_args(%scan3A_754 = %scan3A_432) -> (f32)  : i32 {
      %mul3A_755 = arith.constant 16 : i32
      %mul3A_756 = arith.muli %scan3A_753, %mul3A_755 : i32
      %add3A_757 = arith.constant 0 : i32
      %add3A_758 = arith.addi %add3A_757, %mul3A_756 : i32
      %get3A_759 = arith.index_cast %add3A_758 : i32 to index
      %get3A_760 = tpu.vector_load %arg14[%get3A_759] {strides = array<i32>} : memref<1024xf32, #tpu.memory_space<vmem>>, vector<16xf32>,
      %broadcast_in_dim3A_761 = arith.constant true
      %broadcast_in_dim3A_762 = vector.broadcast %broadcast_in_dim3A_761 : i1 to vector<16xi1>
      %masked_cumsum3A = tpu.scan <sum>, %get3A_760 masked %broadcast_in_dim3A_762 : vector<16xf32>, vector<16xi1> -> vector<16xf32>
      %add3A_763 = vector.broadcast %scan3A_754 : f32 to vector<16xf32>
      %add3A_764 = arith.addf %masked_cumsum3A, %add3A_763 : vector<16xf32>
      %mul3A_765 = arith.constant 16 : i32
      %mul3A_766 = arith.muli %scan3A_753, %mul3A_765 : i32
      %add3A_767 = arith.constant 0 : i32
      %add3A_768 = arith.addi %add3A_767, %mul3A_766 : i32
      %swap3A_769 = arith.index_cast %add3A_768 : i32 to index
      %swap3A_770 = tpu.vector_load %arg14[%swap3A_769] {strides = array<i32>} : memref<1024xf32, #tpu.memory_space<vmem>>, vector<16xf32>,
      tpu.vector_store %arg14[%swap3A_769], %add3A_764 {strides = array<i32>} : memref<1024xf32, #tpu.memory_space<vmem>>, vector<16xf32>,
      %reduce_sum3A_771 = arith.constant true
      %reduce_sum3A_772 = vector.broadcast %reduce_sum3A_771 : i1 to vector<16xi1>
      %reduce_sum3A_773 = tpu.scan <sum>, %get3A_760 masked %reduce_sum3A_772 : vector<16xf32>, vector<16xi1> -> vector<16xf32>
      %reduce_sum3A_774 = vector.extract %reduce_sum3A_773[15] : f32 from vector<16xf32>
      %add3A_775 = arith.addf %scan3A_754, %reduce_sum3A_774 : f32
      scf.yield %add3A_775 : f32
    }
    %scan3A_438 = arith.constant 32 : i32
    %scan3A_439 = arith.constant 0.000000e+00 : f32
    %scan3A_440 = arith.constant 0 : i32
    %scan3A_441 = arith.constant 32 : i32
    %scan3A_442 = arith.addi %scan3A_440, %scan3A_441 : i32
    %scan3A_443 = arith.constant 1 : i32
    %scan3A_444 = scf.for %scan3A_753 = %scan3A_440 to %scan3A_442 step %scan3A_443 iter_args(%scan3A_754 = %scan3A_439) -> (f32)  : i32 {
      %mul3A_755 = arith.constant 16 : i32
      %mul3A_756 = arith.muli %scan3A_753, %mul3A_755 : i32
      %add3A_757 = arith.constant 512 : i32
      %add3A_758 = arith.addi %add3A_757, %mul3A_756 : i32
      %get3A_759 = arith.index_cast %add3A_758 : i32 to index
      %get3A_760 = tpu.vector_load %arg14[%get3A_759] {strides = array<i32>} : memref<1024xf32, #tpu.memory_space<vmem>>, vector<16xf32>,
      %broadcast_in_dim3A_761 = arith.constant true
      %broadcast_in_dim3A_762 = vector.broadcast %broadcast_in_dim3A_761 : i1 to vector<16xi1>
      %masked_cumsum3A = tpu.scan <sum>, %get3A_760 masked %broadcast_in_dim3A_762 : vector<16xf32>, vector<16xi1> -> vector<16xf32>
      %add3A_763 = vector.broadcast %scan3A_754 : f32 to vector<16xf32>
      %add3A_764 = arith.addf %masked_cumsum3A, %add3A_763 : vector<16xf32>
      %mul3A_765 = arith.constant 16 : i32
      %mul3A_766 = arith.muli %scan3A_753, %mul3A_765 : i32
      %add3A_767 = arith.constant 512 : i32
      %add3A_768 = arith.addi %add3A_767, %mul3A_766 : i32
      %swap3A_769 = arith.index_cast %add3A_768 : i32 to index
      %swap3A_770 = tpu.vector_load %arg14[%swap3A_769] {strides = array<i32>} : memref<1024xf32, #tpu.memory_space<vmem>>, vector<16xf32>,
      tpu.vector_store %arg14[%swap3A_769], %add3A_764 {strides = array<i32>} : memref<1024xf32, #tpu.memory_space<vmem>>, vector<16xf32>,
      %reduce_sum3A_771 = arith.constant true
      %reduce_sum3A_772 = vector.broadcast %reduce_sum3A_771 : i1 to vector<16xi1>
      %reduce_sum3A_773 = tpu.scan <sum>, %get3A_760 masked %reduce_sum3A_772 : vector<16xf32>, vector<16xi1> -> vector<16xf32>
      %reduce_sum3A_774 = vector.extract %reduce_sum3A_773[15] : f32 from vector<16xf32>
      %add3A_775 = arith.addf %scan3A_754, %reduce_sum3A_774 : f32
      scf.yield %add3A_775 : f32
    }
    %scan3A_445 = arith.constant 32 : i32
    %broadcast_in_dim3A_446 = arith.constant 0 : i32
    %broadcast_in_dim3A_447 = vector.broadcast %broadcast_in_dim3A_446 : i32 to vector<16xi32>
    %scan3A_448 = arith.constant 0 : i32
    %scan3A_449 = arith.constant 32 : i32
    %scan3A_450 = arith.addi %scan3A_448, %scan3A_449 : i32
    %scan3A_451 = arith.constant 1 : i32
    %scan3A_452 = scf.for %scan3A_753 = %scan3A_448 to %scan3A_450 step %scan3A_451 iter_args(%scan3A_754 = %broadcast_in_dim3A_447) -> (vector<16xi32>)  : i32 {
      %mul3A_755 = arith.constant 16 : i32
      %mul3A_756 = arith.muli %scan3A_753, %mul3A_755 : i32
      %add3A_757 = arith.constant 0 : i32
      %add3A_758 = arith.addi %add3A_757, %mul3A_756 : i32
      %get3A_759 = arith.index_cast %add3A_758 : i32 to index
      %get3A_760 = tpu.vector_load %arg14[%get3A_759] {strides = array<i32>} : memref<1024xf32, #tpu.memory_space<vmem>>, vector<16xf32>,
      %le3A_761 = vector.broadcast %sub3A_279 : f32 to vector<16xf32>
      %le3A_762 = arith.cmpf ole, %get3A_760, %le3A_761 : vector<16xf32>
      %jit3A_763 = arith.constant 1 : i32
      %jit3A_764 = arith.constant 0 : i32
      %broadcast_in_dim3A_765 = vector.broadcast %jit3A_763 : i32 to vector<16xi32>
      %broadcast_in_dim3A_766 = vector.broadcast %jit3A_764 : i32 to vector<16xi32>
      %select_n3A_767 = arith.select %le3A_762, %broadcast_in_dim3A_765, %broadcast_in_dim3A_766 : vector<16xi1>, vector<16xi32>
      %add3A_768 = arith.addi %scan3A_754, %select_n3A_767 : vector<16xi32>
      scf.yield %add3A_768 : vector<16xi32>
    }
    %scan3A_453 = arith.constant 32 : i32
    %reduce_sum3A_454 = arith.constant true
    %reduce_sum3A_455 = vector.broadcast %reduce_sum3A_454 : i1 to vector<16xi1>
    %reduce_sum3A_456 = tpu.scan <sum>, %scan3A_452 masked %reduce_sum3A_455 : vector<16xi32>, vector<16xi1> -> vector<16xi32>
    %reduce_sum3A_457 = vector.extract %reduce_sum3A_456[15] : i32 from vector<16xi32>
    %sub3A_458 = arith.constant 1 : i32
    %sub3A_459 = arith.subi %reduce_sum3A_457, %sub3A_458 : i32
    %max3A_460 = arith.constant 0 : i32
    %max3A_461 = arith.maxsi %sub3A_459, %max3A_460 : i32
    %add3A_462 = arith.constant 0 : i32
    %add3A_463 = arith.addi %add3A_462, %max3A_461 : i32
    %mul3A_464 = arith.constant 0 : i32
    %mul3A_465 = vector.broadcast %mul3A_464 : i32 to vector<16xi32>
    %mul3A_466 = arith.muli %iota3A, %mul3A_465 : vector<16xi32>
    %add3A_467 = vector.broadcast %add3A_463 : i32 to vector<16xi32>
    %add3A_468 = arith.addi %mul3A_466, %add3A_467 : vector<16xi32>
    %gather3A_469 = tpu.vector_load_idx %arg14[%add3A_468] : memref<1024xf32, #tpu.memory_space<vmem>>[vector<16xi32>], vector<16xf32>,
    %reduce_max3A_470 = arith.constant true
    %reduce_max3A_471 = vector.broadcast %reduce_max3A_470 : i1 to vector<16xi1>
    %reduce_max3A_472 = tpu.scan <max>, %gather3A_469 masked %reduce_max3A_471 : vector<16xf32>, vector<16xi1> -> vector<16xf32>
    %reduce_max3A_473 = vector.extract %reduce_max3A_472[15] : f32 from vector<16xf32>
    %gt3A_474 = arith.constant 0 : i32
    %gt3A_475 = arith.cmpi sgt, %reduce_sum3A_457, %gt3A_474 : i32
    %jit3A_476 = arith.constant 0.000000e+00 : f32
    %select_n3A_477 = arith.select %gt3A_475, %reduce_max3A_473, %jit3A_476 : f32
    %sub3A_478 = arith.subf %sub3A_279, %select_n3A_477 : f32
    %broadcast_in_dim3A_479 = arith.constant 0 : i32
    %broadcast_in_dim3A_480 = vector.broadcast %broadcast_in_dim3A_479 : i32 to vector<16xi32>
    %scan3A_481 = arith.constant 0 : i32
    %scan3A_482 = arith.constant 32 : i32
    %scan3A_483 = arith.addi %scan3A_481, %scan3A_482 : i32
    %scan3A_484 = arith.constant 1 : i32
    %scan3A_485 = scf.for %scan3A_753 = %scan3A_481 to %scan3A_483 step %scan3A_484 iter_args(%scan3A_754 = %broadcast_in_dim3A_480) -> (vector<16xi32>)  : i32 {
      %mul3A_755 = arith.constant 16 : i32
      %mul3A_756 = arith.muli %scan3A_753, %mul3A_755 : i32
      %add3A_757 = arith.constant 512 : i32
      %add3A_758 = arith.addi %add3A_757, %mul3A_756 : i32
      %get3A_759 = arith.index_cast %add3A_758 : i32 to index
      %get3A_760 = tpu.vector_load %arg14[%get3A_759] {strides = array<i32>} : memref<1024xf32, #tpu.memory_space<vmem>>, vector<16xf32>,
      %le3A_761 = vector.broadcast %sub3A_312 : f32 to vector<16xf32>
      %le3A_762 = arith.cmpf ole, %get3A_760, %le3A_761 : vector<16xf32>
      %jit3A_763 = arith.constant 1 : i32
      %jit3A_764 = arith.constant 0 : i32
      %broadcast_in_dim3A_765 = vector.broadcast %jit3A_763 : i32 to vector<16xi32>
      %broadcast_in_dim3A_766 = vector.broadcast %jit3A_764 : i32 to vector<16xi32>
      %select_n3A_767 = arith.select %le3A_762, %broadcast_in_dim3A_765, %broadcast_in_dim3A_766 : vector<16xi1>, vector<16xi32>
      %add3A_768 = arith.addi %scan3A_754, %select_n3A_767 : vector<16xi32>
      scf.yield %add3A_768 : vector<16xi32>
    }
    %scan3A_486 = arith.constant 32 : i32
    %reduce_sum3A_487 = arith.constant true
    %reduce_sum3A_488 = vector.broadcast %reduce_sum3A_487 : i1 to vector<16xi1>
    %reduce_sum3A_489 = tpu.scan <sum>, %scan3A_485 masked %reduce_sum3A_488 : vector<16xi32>, vector<16xi1> -> vector<16xi32>
    %reduce_sum3A_490 = vector.extract %reduce_sum3A_489[15] : i32 from vector<16xi32>
    %sub3A_491 = arith.constant 1 : i32
    %sub3A_492 = arith.subi %reduce_sum3A_490, %sub3A_491 : i32
    %max3A_493 = arith.constant 0 : i32
    %max3A_494 = arith.maxsi %sub3A_492, %max3A_493 : i32
    %add3A_495 = arith.constant 512 : i32
    %add3A_496 = arith.addi %add3A_495, %max3A_494 : i32
    %mul3A_497 = arith.constant 0 : i32
    %mul3A_498 = vector.broadcast %mul3A_497 : i32 to vector<16xi32>
    %mul3A_499 = arith.muli %iota3A, %mul3A_498 : vector<16xi32>
    %add3A_500 = vector.broadcast %add3A_496 : i32 to vector<16xi32>
    %add3A_501 = arith.addi %mul3A_499, %add3A_500 : vector<16xi32>
    %gather3A_502 = tpu.vector_load_idx %arg14[%add3A_501] : memref<1024xf32, #tpu.memory_space<vmem>>[vector<16xi32>], vector<16xf32>,
    %reduce_max3A_503 = arith.constant true
    %reduce_max3A_504 = vector.broadcast %reduce_max3A_503 : i1 to vector<16xi1>
    %reduce_max3A_505 = tpu.scan <max>, %gather3A_502 masked %reduce_max3A_504 : vector<16xf32>, vector<16xi1> -> vector<16xf32>
    %reduce_max3A_506 = vector.extract %reduce_max3A_505[15] : f32 from vector<16xf32>
    %gt3A_507 = arith.constant 0 : i32
    %gt3A_508 = arith.cmpi sgt, %reduce_sum3A_490, %gt3A_507 : i32
    %jit3A_509 = arith.constant 0.000000e+00 : f32
    %select_n3A_510 = arith.select %gt3A_508, %reduce_max3A_506, %jit3A_509 : f32
    %sub3A_511 = arith.subf %sub3A_312, %select_n3A_510 : f32
    %shift_left3A = arith.constant 18 : i32
    %shift_left3A_512 = arith.shli %reduce_sum3A_83, %shift_left3A : i32
    %shift_left3A_513 = arith.constant 9 : i32
    %shift_left3A_514 = arith.shli %reduce_sum3A_258, %shift_left3A_513 : i32
    %or3A = arith.ori %shift_left3A_512, %shift_left3A_514 : i32
    %or3A_515 = arith.ori %or3A, %reduce_sum3A_457 : i32
    %shift_left3A_516 = arith.constant 18 : i32
    %shift_left3A_517 = arith.shli %reduce_sum3A_111, %shift_left3A_516 : i32
    %shift_left3A_518 = arith.constant 9 : i32
    %shift_left3A_519 = arith.shli %reduce_sum3A_291, %shift_left3A_518 : i32
    %or3A_520 = arith.ori %shift_left3A_517, %shift_left3A_519 : i32
    %or3A_521 = arith.ori %or3A_520, %reduce_sum3A_490 : i32
    %eq3A_522 = arith.constant 0 : i32
    %eq3A_523 = vector.broadcast %eq3A_522 : i32 to vector<16xi32>
    %eq3A_524 = arith.cmpi eq, %iota3A, %eq3A_523 : vector<16xi32>
    %eq3A_525 = arith.constant 1 : i32
    %eq3A_526 = vector.broadcast %eq3A_525 : i32 to vector<16xi32>
    %eq3A_527 = arith.cmpi eq, %iota3A, %eq3A_526 : vector<16xi32>
    %jit3A_528 = arith.constant 0 : i32
    %broadcast_in_dim3A_529 = vector.broadcast %or3A_521 : i32 to vector<16xi32>
    %broadcast_in_dim3A_530 = vector.broadcast %jit3A_528 : i32 to vector<16xi32>
    %select_n3A_531 = arith.select %eq3A_527, %broadcast_in_dim3A_529, %broadcast_in_dim3A_530 : vector<16xi1>, vector<16xi32>
    %broadcast_in_dim3A_532 = vector.broadcast %or3A_515 : i32 to vector<16xi32>
    %select_n3A_533 = arith.select %eq3A_524, %broadcast_in_dim3A_532, %select_n3A_531 : vector<16xi1>, vector<16xi32>
    %swap3A_534 = arith.constant 0 : index
    %swap3A_535 = tpu.vector_load %arg24[%swap3A_534] {strides = array<i32>} : memref<16xi32, #tpu.memory_space<vmem>>, vector<16xi32>,
    tpu.vector_store %arg24[%swap3A_534], %select_n3A_533 {strides = array<i32>} : memref<16xi32, #tpu.memory_space<vmem>>, vector<16xi32>,
    "tpu.region"() ({
      %run_scoped3A = tpu.sem_alloc : memref<!tpu.dma_semaphore, #tpu.memory_space<semaphore_mem>>
      %dma_start3A = arith.constant 0 : i32
      %dma_start3A_753 = tpu.memref_slice %arg33[%arg1, %dma_start3A] : memref<32x64xi32, #tpu.memory_space<vmem_shared>> -> memref<1x16xi32, #tpu.memory_space<vmem_shared>>
      %dma_start3A_754 = tpu.memref_squeeze %dma_start3A_753 : memref<1x16xi32, #tpu.memory_space<vmem_shared>> -> memref<16xi32, #tpu.memory_space<vmem_shared>>
      %dma_start3A_755 = arith.constant 0 : i32
      %dma_start3A_756 = tpu.memref_slice %arg33[%arg1, %dma_start3A_755] : memref<32x64xi32, #tpu.memory_space<vmem_shared>> -> memref<1x16xi32, #tpu.memory_space<vmem_shared>>
      %dma_start3A_757 = tpu.memref_squeeze %dma_start3A_756 : memref<1x16xi32, #tpu.memory_space<vmem_shared>> -> memref<16xi32, #tpu.memory_space<vmem_shared>>
      tpu.enqueue_dma source(%arg24 : memref<16xi32, #tpu.memory_space<vmem>>) target(%dma_start3A_757 : memref<16xi32, #tpu.memory_space<vmem_shared>>) target_semaphore(%run_scoped3A : memref<!tpu.dma_semaphore, #tpu.memory_space<semaphore_mem>>)
      %dma_wait3A = arith.constant 0 : i32
      %dma_wait3A_758 = tpu.memref_slice %arg33[%arg1, %dma_wait3A] : memref<32x64xi32, #tpu.memory_space<vmem_shared>> -> memref<1x16xi32, #tpu.memory_space<vmem_shared>>
      %dma_wait3A_759 = tpu.memref_squeeze %dma_wait3A_758 : memref<1x16xi32, #tpu.memory_space<vmem_shared>> -> memref<16xi32, #tpu.memory_space<vmem_shared>>
      %dma_wait3A_760 = arith.constant 0 : i32
      %dma_wait3A_761 = tpu.memref_slice %arg33[%arg1, %dma_wait3A_760] : memref<32x64xi32, #tpu.memory_space<vmem_shared>> -> memref<1x16xi32, #tpu.memory_space<vmem_shared>>
      %dma_wait3A_762 = tpu.memref_squeeze %dma_wait3A_761 : memref<1x16xi32, #tpu.memory_space<vmem_shared>> -> memref<16xi32, #tpu.memory_space<vmem_shared>>
      tpu.wait_dma2 semaphore(%run_scoped3A : memref<!tpu.dma_semaphore, #tpu.memory_space<semaphore_mem>>) src(%arg24 : memref<16xi32, #tpu.memory_space<vmem>>) dst(%dma_wait3A_762 : memref<16xi32, #tpu.memory_space<vmem_shared>>)
      tpu.yield
    }) : () -> ()
    %barrier3A_536 = arith.constant 0 : index
    tpu.barrier barrier_id(%barrier3A_536)
    "tpu.region"() ({
      %run_scoped3A = tpu.sem_alloc : memref<!tpu.dma_semaphore, #tpu.memory_space<semaphore_mem>>
      tpu.enqueue_dma source(%arg33 : memref<32x64xi32, #tpu.memory_space<vmem_shared>>) target(%arg19 : memref<32x64xi32, #tpu.memory_space<vmem>>) target_semaphore(%run_scoped3A : memref<!tpu.dma_semaphore, #tpu.memory_space<semaphore_mem>>)
      tpu.wait_dma2 semaphore(%run_scoped3A : memref<!tpu.dma_semaphore, #tpu.memory_space<semaphore_mem>>) src(%arg33 : memref<32x64xi32, #tpu.memory_space<vmem_shared>>) dst(%arg19 : memref<32x64xi32, #tpu.memory_space<vmem>>)
      tpu.yield
    }) : () -> ()
    %eq3A_537 = arith.constant 15 : i32
    %eq3A_538 = vector.broadcast %eq3A_537 : i32 to vector<16xi32>
    %eq3A_539 = arith.cmpi eq, %iota3A, %eq3A_538 : vector<16xi32>
    %jit3A_540 = arith.constant 13 : i32
    %broadcast_in_dim3A_541 = vector.broadcast %jit3A_540 : i32 to vector<16xi32>
    %select_n3A_542 = arith.select %eq3A_539, %broadcast_in_dim3A_541, %iota3A : vector<16xi1>, vector<16xi32>
    %eq3A_543 = arith.constant 15 : i32
    %eq3A_544 = vector.broadcast %eq3A_543 : i32 to vector<16xi32>
    %eq3A_545 = arith.cmpi eq, %iota3A, %eq3A_544 : vector<16xi32>
    %jit3A_546 = arith.constant 1 : i32
    %jit3A_547 = arith.constant 0 : i32
    %broadcast_in_dim3A_548 = vector.broadcast %jit3A_546 : i32 to vector<16xi32>
    %broadcast_in_dim3A_549 = vector.broadcast %jit3A_547 : i32 to vector<16xi32>
    %select_n3A_550 = arith.select %eq3A_545, %broadcast_in_dim3A_548, %broadcast_in_dim3A_549 : vector<16xi1>, vector<16xi32>
    %eq3A_551 = arith.constant 0 : i32
    %eq3A_552 = vector.broadcast %eq3A_551 : i32 to vector<16xi32>
    %eq3A_553 = arith.cmpi eq, %iota3A, %eq3A_552 : vector<16xi32>
    %eq3A_554 = arith.constant 1 : i32
    %eq3A_555 = vector.broadcast %eq3A_554 : i32 to vector<16xi32>
    %eq3A_556 = arith.cmpi eq, %iota3A, %eq3A_555 : vector<16xi32>
    %sub3A_557 = arith.constant 2 : i32
    %sub3A_558 = vector.broadcast %sub3A_557 : i32 to vector<16xi32>
    %sub3A_559 = arith.subi %iota3A, %sub3A_558 : vector<16xi32>
    %jit3A_560 = arith.constant 15 : i32
    %broadcast_in_dim3A_561 = vector.broadcast %jit3A_560 : i32 to vector<16xi32>
    %select_n3A_562 = arith.select %eq3A_556, %broadcast_in_dim3A_561, %sub3A_559 : vector<16xi1>, vector<16xi32>
    %jit3A_563 = arith.constant 0 : i32
    %broadcast_in_dim3A_564 = vector.broadcast %jit3A_563 : i32 to vector<16xi32>
    %select_n3A_565 = arith.select %eq3A_553, %broadcast_in_dim3A_564, %select_n3A_562 : vector<16xi1>, vector<16xi32>
    %le3A = arith.constant 1 : i32
    %le3A_566 = vector.broadcast %le3A : i32 to vector<16xi32>
    %le3A_567 = arith.cmpi sle, %iota3A, %le3A_566 : vector<16xi32>
    %jit3A_568 = arith.constant 0 : i32
    %jit3A_569 = arith.constant 1 : i32
    %broadcast_in_dim3A_570 = vector.broadcast %jit3A_568 : i32 to vector<16xi32>
    %broadcast_in_dim3A_571 = vector.broadcast %jit3A_569 : i32 to vector<16xi32>
    %select_n3A_572 = arith.select %le3A_567, %broadcast_in_dim3A_570, %broadcast_in_dim3A_571 : vector<16xi1>, vector<16xi32>
    %gather3A_573 = tpu.vector_load_idx %arg19[%select_n3A_542, %select_n3A_550] : memref<32x64xi32, #tpu.memory_space<vmem>>[vector<16xi32>, vector<16xi32>], vector<16xi32>,
    %gather3A_574 = tpu.vector_load_idx %arg19[%select_n3A_565, %select_n3A_572] : memref<32x64xi32, #tpu.memory_space<vmem>>[vector<16xi32>, vector<16xi32>], vector<16xi32>,
    %and3A = arith.constant 8388607 : i32
    %and3A_575 = vector.broadcast %and3A : i32 to vector<16xi32>
    %and3A_576 = arith.andi %gather3A_573, %and3A_575 : vector<16xi32>
    %convert_element_type3A_577 = arith.sitofp %and3A_576 : vector<16xi32> to vector<16xf32>
    %mul3A_578 = arith.constant 1.1920929E-7 : f32
    %mul3A_579 = vector.broadcast %mul3A_578 : f32 to vector<16xf32>
    %mul3A_580 = arith.mulf %convert_element_type3A_577, %mul3A_579 : vector<16xf32>
    %shift_right_logical3A = arith.constant 23 : i32
    %shift_right_logical3A_581 = vector.broadcast %shift_right_logical3A : i32 to vector<16xi32>
    %shift_right_logical3A_582 = arith.shrui %gather3A_573, %shift_right_logical3A_581 : vector<16xi32>
    %add3A_583 = arith.constant 1.000000e+00 : f32
    %add3A_584 = vector.broadcast %add3A_583 : f32 to vector<16xf32>
    %add3A_585 = arith.addf %add3A_584, %mul3A_580 : vector<16xf32>
    %gather3A_586 = tpu.vector_load_idx %arg22[%shift_right_logical3A_582] : memref<256xf32, #tpu.memory_space<vmem>>[vector<16xi32>], vector<16xf32>,
    %mul3A_587 = arith.mulf %add3A_585, %gather3A_586 : vector<16xf32>
    %and3A_588 = arith.constant 8388607 : i32
    %and3A_589 = vector.broadcast %and3A_588 : i32 to vector<16xi32>
    %and3A_590 = arith.andi %gather3A_574, %and3A_589 : vector<16xi32>
    %convert_element_type3A_591 = arith.sitofp %and3A_590 : vector<16xi32> to vector<16xf32>
    %mul3A_592 = arith.constant 1.1920929E-7 : f32
    %mul3A_593 = vector.broadcast %mul3A_592 : f32 to vector<16xf32>
    %mul3A_594 = arith.mulf %convert_element_type3A_591, %mul3A_593 : vector<16xf32>
    %shift_right_logical3A_595 = arith.constant 23 : i32
    %shift_right_logical3A_596 = vector.broadcast %shift_right_logical3A_595 : i32 to vector<16xi32>
    %shift_right_logical3A_597 = arith.shrui %gather3A_574, %shift_right_logical3A_596 : vector<16xi32>
    %add3A_598 = arith.constant 1.000000e+00 : f32
    %add3A_599 = vector.broadcast %add3A_598 : f32 to vector<16xf32>
    %add3A_600 = arith.addf %add3A_599, %mul3A_594 : vector<16xf32>
    %gather3A_601 = tpu.vector_load_idx %arg22[%shift_right_logical3A_597] : memref<256xf32, #tpu.memory_space<vmem>>[vector<16xi32>], vector<16xf32>,
    %mul3A_602 = arith.mulf %add3A_600, %gather3A_601 : vector<16xf32>
    %get3A = arith.constant 0 : index
    %get3A_603 = tpu.vector_load %arg21[%get3A] {strides = array<i32>} : memref<16xf32, #tpu.memory_space<vmem>>, vector<16xf32>,
    %sub3A_604 = arith.subf %mul3A_602, %mul3A_587 : vector<16xf32>
    %mul3A_605 = arith.mulf %get3A_603, %sub3A_604 : vector<16xf32>
    %add3A_606 = arith.addf %mul3A_587, %mul3A_605 : vector<16xf32>
    %swap3A_607 = arith.constant 0 : index
    %swap3A_608 = tpu.vector_load %arg23[%swap3A_607] {strides = array<i32>} : memref<16xf32, #tpu.memory_space<vmem>>, vector<16xf32>,
    tpu.vector_store %arg23[%swap3A_607], %add3A_606 {strides = array<i32>} : memref<16xf32, #tpu.memory_space<vmem>>, vector<16xf32>,
    %mul3A_609 = arith.constant 16384 : i32
    %mul3A_610 = arith.muli %arg1, %mul3A_609 : i32
    "tpu.region"() ({
      %run_scoped3A = tpu.sem_alloc : memref<!tpu.dma_semaphore, #tpu.memory_space<semaphore_mem>>
      %dma_start3A = tpu.memref_slice %arg4[%mul3A_610] : memref<262144xf32, #tpu.memory_space<hbm>> -> memref<16384xf32, #tpu.memory_space<hbm>>
      %dma_start3A_753 = tpu.memref_slice %arg4[%mul3A_610] : memref<262144xf32, #tpu.memory_space<hbm>> -> memref<16384xf32, #tpu.memory_space<hbm>>
      tpu.enqueue_dma source(%dma_start3A_753 : memref<16384xf32, #tpu.memory_space<hbm>>) target(%arg11 : memref<16384xf32, #tpu.memory_space<vmem>>) target_semaphore(%run_scoped3A : memref<!tpu.dma_semaphore, #tpu.memory_space<semaphore_mem>>)
      %dma_wait3A = tpu.memref_slice %arg4[%mul3A_610] : memref<262144xf32, #tpu.memory_space<hbm>> -> memref<16384xf32, #tpu.memory_space<hbm>>
      %dma_wait3A_754 = tpu.memref_slice %arg4[%mul3A_610] : memref<262144xf32, #tpu.memory_space<hbm>> -> memref<16384xf32, #tpu.memory_space<hbm>>
      tpu.wait_dma2 semaphore(%run_scoped3A : memref<!tpu.dma_semaphore, #tpu.memory_space<semaphore_mem>>) src(%dma_wait3A_754 : memref<16384xf32, #tpu.memory_space<hbm>>) dst(%arg11 : memref<16384xf32, #tpu.memory_space<vmem>>)
      tpu.yield
    }) : () -> ()
    %slice3A = vector.extract_strided_slice %add3A_606 {offsets = [0], sizes = [1], strides = [1]} : vector<16xf32> to vector<1xf32>
    %squeeze3A = vector.extract %slice3A[0] : f32 from vector<1xf32>
    %add3A_611 = vector.broadcast %squeeze3A : f32 to vector<16xf32>
    %add3A_612 = arith.addf %broadcast_in_dim3A_2, %add3A_611 : vector<16xf32>
    %slice3A_613 = vector.extract_strided_slice %add3A_606 {offsets = [1], sizes = [1], strides = [1]} : vector<16xf32> to vector<1xf32>
    %squeeze3A_614 = vector.extract %slice3A_613[0] : f32 from vector<1xf32>
    %add3A_615 = vector.broadcast %squeeze3A_614 : f32 to vector<16xf32>
    %add3A_616 = arith.addf %broadcast_in_dim3A_2, %add3A_615 : vector<16xf32>
    %slice3A_617 = vector.extract_strided_slice %add3A_606 {offsets = [2], sizes = [1], strides = [1]} : vector<16xf32> to vector<1xf32>
    %squeeze3A_618 = vector.extract %slice3A_617[0] : f32 from vector<1xf32>
    %add3A_619 = vector.broadcast %squeeze3A_618 : f32 to vector<16xf32>
    %add3A_620 = arith.addf %broadcast_in_dim3A_2, %add3A_619 : vector<16xf32>
    %slice3A_621 = vector.extract_strided_slice %add3A_606 {offsets = [3], sizes = [1], strides = [1]} : vector<16xf32> to vector<1xf32>
    %squeeze3A_622 = vector.extract %slice3A_621[0] : f32 from vector<1xf32>
    %add3A_623 = vector.broadcast %squeeze3A_622 : f32 to vector<16xf32>
    %add3A_624 = arith.addf %broadcast_in_dim3A_2, %add3A_623 : vector<16xf32>
    %slice3A_625 = vector.extract_strided_slice %add3A_606 {offsets = [4], sizes = [1], strides = [1]} : vector<16xf32> to vector<1xf32>
    %squeeze3A_626 = vector.extract %slice3A_625[0] : f32 from vector<1xf32>
    %add3A_627 = vector.broadcast %squeeze3A_626 : f32 to vector<16xf32>
    %add3A_628 = arith.addf %broadcast_in_dim3A_2, %add3A_627 : vector<16xf32>
    %slice3A_629 = vector.extract_strided_slice %add3A_606 {offsets = [5], sizes = [1], strides = [1]} : vector<16xf32> to vector<1xf32>
    %squeeze3A_630 = vector.extract %slice3A_629[0] : f32 from vector<1xf32>
    %add3A_631 = vector.broadcast %squeeze3A_630 : f32 to vector<16xf32>
    %add3A_632 = arith.addf %broadcast_in_dim3A_2, %add3A_631 : vector<16xf32>
    %slice3A_633 = vector.extract_strided_slice %add3A_606 {offsets = [6], sizes = [1], strides = [1]} : vector<16xf32> to vector<1xf32>
    %squeeze3A_634 = vector.extract %slice3A_633[0] : f32 from vector<1xf32>
    %add3A_635 = vector.broadcast %squeeze3A_634 : f32 to vector<16xf32>
    %add3A_636 = arith.addf %broadcast_in_dim3A_2, %add3A_635 : vector<16xf32>
    %slice3A_637 = vector.extract_strided_slice %add3A_606 {offsets = [7], sizes = [1], strides = [1]} : vector<16xf32> to vector<1xf32>
    %squeeze3A_638 = vector.extract %slice3A_637[0] : f32 from vector<1xf32>
    %add3A_639 = vector.broadcast %squeeze3A_638 : f32 to vector<16xf32>
    %add3A_640 = arith.addf %broadcast_in_dim3A_2, %add3A_639 : vector<16xf32>
    %slice3A_641 = vector.extract_strided_slice %add3A_606 {offsets = [8], sizes = [1], strides = [1]} : vector<16xf32> to vector<1xf32>
    %squeeze3A_642 = vector.extract %slice3A_641[0] : f32 from vector<1xf32>
    %add3A_643 = vector.broadcast %squeeze3A_642 : f32 to vector<16xf32>
    %add3A_644 = arith.addf %broadcast_in_dim3A_2, %add3A_643 : vector<16xf32>
    %slice3A_645 = vector.extract_strided_slice %add3A_606 {offsets = [9], sizes = [1], strides = [1]} : vector<16xf32> to vector<1xf32>
    %squeeze3A_646 = vector.extract %slice3A_645[0] : f32 from vector<1xf32>
    %add3A_647 = vector.broadcast %squeeze3A_646 : f32 to vector<16xf32>
    %add3A_648 = arith.addf %broadcast_in_dim3A_2, %add3A_647 : vector<16xf32>
    %slice3A_649 = vector.extract_strided_slice %add3A_606 {offsets = [10], sizes = [1], strides = [1]} : vector<16xf32> to vector<1xf32>
    %squeeze3A_650 = vector.extract %slice3A_649[0] : f32 from vector<1xf32>
    %add3A_651 = vector.broadcast %squeeze3A_650 : f32 to vector<16xf32>
    %add3A_652 = arith.addf %broadcast_in_dim3A_2, %add3A_651 : vector<16xf32>
    %slice3A_653 = vector.extract_strided_slice %add3A_606 {offsets = [11], sizes = [1], strides = [1]} : vector<16xf32> to vector<1xf32>
    %squeeze3A_654 = vector.extract %slice3A_653[0] : f32 from vector<1xf32>
    %add3A_655 = vector.broadcast %squeeze3A_654 : f32 to vector<16xf32>
    %add3A_656 = arith.addf %broadcast_in_dim3A_2, %add3A_655 : vector<16xf32>
    %slice3A_657 = vector.extract_strided_slice %add3A_606 {offsets = [12], sizes = [1], strides = [1]} : vector<16xf32> to vector<1xf32>
    %squeeze3A_658 = vector.extract %slice3A_657[0] : f32 from vector<1xf32>
    %add3A_659 = vector.broadcast %squeeze3A_658 : f32 to vector<16xf32>
    %add3A_660 = arith.addf %broadcast_in_dim3A_2, %add3A_659 : vector<16xf32>
    %slice3A_661 = vector.extract_strided_slice %add3A_606 {offsets = [13], sizes = [1], strides = [1]} : vector<16xf32> to vector<1xf32>
    %squeeze3A_662 = vector.extract %slice3A_661[0] : f32 from vector<1xf32>
    %add3A_663 = vector.broadcast %squeeze3A_662 : f32 to vector<16xf32>
    %add3A_664 = arith.addf %broadcast_in_dim3A_2, %add3A_663 : vector<16xf32>
    %slice3A_665 = vector.extract_strided_slice %add3A_606 {offsets = [14], sizes = [1], strides = [1]} : vector<16xf32> to vector<1xf32>
    %squeeze3A_666 = vector.extract %slice3A_665[0] : f32 from vector<1xf32>
    %add3A_667 = vector.broadcast %squeeze3A_666 : f32 to vector<16xf32>
    %add3A_668 = arith.addf %broadcast_in_dim3A_2, %add3A_667 : vector<16xf32>
    %slice3A_669 = vector.extract_strided_slice %add3A_606 {offsets = [15], sizes = [1], strides = [1]} : vector<16xf32> to vector<1xf32>
    %squeeze3A_670 = vector.extract %slice3A_669[0] : f32 from vector<1xf32>
    %add3A_671 = vector.broadcast %squeeze3A_670 : f32 to vector<16xf32>
    %add3A_672 = arith.addf %broadcast_in_dim3A_2, %add3A_671 : vector<16xf32>
    %swap3A_673 = arith.constant 0 : index
    %swap3A_674 = tpu.vector_load %arg25[%swap3A_673] {strides = array<i32>} : memref<32xf32, #tpu.memory_space<vmem>>, vector<16xf32>,
    tpu.vector_store %arg25[%swap3A_673], %broadcast_in_dim3A_2 {strides = array<i32>} : memref<32xf32, #tpu.memory_space<vmem>>, vector<16xf32>,
    %swap3A_675 = arith.constant 16 : index
    %swap3A_676 = tpu.vector_load %arg25[%swap3A_675] {strides = array<i32>} : memref<32xf32, #tpu.memory_space<vmem>>, vector<16xf32>,
    tpu.vector_store %arg25[%swap3A_675], %broadcast_in_dim3A_2 {strides = array<i32>} : memref<32xf32, #tpu.memory_space<vmem>>, vector<16xf32>,
    %swap3A_677 = arith.constant 0 : index
    %swap3A_678 = tpu.vector_load %arg26[%swap3A_677] {strides = array<i32>} : memref<32xf32, #tpu.memory_space<vmem>>, vector<16xf32>,
    tpu.vector_store %arg26[%swap3A_677], %broadcast_in_dim3A_2 {strides = array<i32>} : memref<32xf32, #tpu.memory_space<vmem>>, vector<16xf32>,
    %swap3A_679 = arith.constant 16 : index
    %swap3A_680 = tpu.vector_load %arg26[%swap3A_679] {strides = array<i32>} : memref<32xf32, #tpu.memory_space<vmem>>, vector<16xf32>,
    tpu.vector_store %arg26[%swap3A_679], %broadcast_in_dim3A_2 {strides = array<i32>} : memref<32xf32, #tpu.memory_space<vmem>>, vector<16xf32>,
    %swap3A_681 = arith.constant 0 : index
    %swap3A_682 = tpu.vector_load %arg27[%swap3A_681] {strides = array<i32>} : memref<32xf32, #tpu.memory_space<vmem>>, vector<16xf32>,
    tpu.vector_store %arg27[%swap3A_681], %broadcast_in_dim3A_2 {strides = array<i32>} : memref<32xf32, #tpu.memory_space<vmem>>, vector<16xf32>,
    %swap3A_683 = arith.constant 16 : index
    %swap3A_684 = tpu.vector_load %arg27[%swap3A_683] {strides = array<i32>} : memref<32xf32, #tpu.memory_space<vmem>>, vector<16xf32>,
    tpu.vector_store %arg27[%swap3A_683], %broadcast_in_dim3A_2 {strides = array<i32>} : memref<32xf32, #tpu.memory_space<vmem>>, vector<16xf32>,
    %scan3A_685 = arith.constant 0 : i32
    %scan3A_686 = arith.constant 0 : i32
    %scan3A_687 = arith.constant 1024 : i32
    %scan3A_688 = arith.addi %scan3A_686, %scan3A_687 : i32
    %scan3A_689 = arith.constant 1 : i32
    %scan3A_690 = scf.for %scan3A_753 = %scan3A_686 to %scan3A_688 step %scan3A_689 iter_args(%scan3A_754 = %scan3A_685) -> (i32)  : i32 {
      %mul3A_755 = arith.constant 16 : i32
      %mul3A_756 = arith.muli %scan3A_753, %mul3A_755 : i32
      %get3A_757 = arith.index_cast %mul3A_756 : i32 to index
      %get3A_758 = tpu.vector_load %arg9[%get3A_757] {strides = array<i32>} : memref<16384xf32, #tpu.memory_space<vmem>>, vector<16xf32>,
      %mul3A_759 = arith.constant 16 : i32
      %mul3A_760 = arith.muli %scan3A_753, %mul3A_759 : i32
      %get3A_761 = arith.index_cast %mul3A_760 : i32 to index
      %get3A_762 = tpu.vector_load %arg11[%get3A_761] {strides = array<i32>} : memref<16384xf32, #tpu.memory_space<vmem>>, vector<16xf32>,
      %broadcast_in_dim3A_763 = arith.constant 0 : i32
      %broadcast_in_dim3A_764 = vector.broadcast %broadcast_in_dim3A_763 : i32 to vector<16xi32>
      %gt3A_765 = arith.cmpf ogt, %get3A_758, %add3A_612 : vector<16xf32>
      %jit3A_766 = arith.constant 1 : i32
      %jit3A_767 = arith.constant 0 : i32
      %broadcast_in_dim3A_768 = vector.broadcast %jit3A_766 : i32 to vector<16xi32>
      %broadcast_in_dim3A_769 = vector.broadcast %jit3A_767 : i32 to vector<16xi32>
      %select_n3A_770 = arith.select %gt3A_765, %broadcast_in_dim3A_768, %broadcast_in_dim3A_769 : vector<16xi1>, vector<16xi32>
      %add3A_771 = arith.addi %broadcast_in_dim3A_764, %select_n3A_770 : vector<16xi32>
      %gt3A_772 = arith.cmpf ogt, %get3A_758, %add3A_616 : vector<16xf32>
      %jit3A_773 = arith.constant 1 : i32
      %jit3A_774 = arith.constant 0 : i32
      %broadcast_in_dim3A_775 = vector.broadcast %jit3A_773 : i32 to vector<16xi32>
      %broadcast_in_dim3A_776 = vector.broadcast %jit3A_774 : i32 to vector<16xi32>
      %select_n3A_777 = arith.select %gt3A_772, %broadcast_in_dim3A_775, %broadcast_in_dim3A_776 : vector<16xi1>, vector<16xi32>
      %add3A_778 = arith.addi %add3A_771, %select_n3A_777 : vector<16xi32>
      %gt3A_779 = arith.cmpf ogt, %get3A_758, %add3A_620 : vector<16xf32>
      %jit3A_780 = arith.constant 1 : i32
      %jit3A_781 = arith.constant 0 : i32
      %broadcast_in_dim3A_782 = vector.broadcast %jit3A_780 : i32 to vector<16xi32>
      %broadcast_in_dim3A_783 = vector.broadcast %jit3A_781 : i32 to vector<16xi32>
      %select_n3A_784 = arith.select %gt3A_779, %broadcast_in_dim3A_782, %broadcast_in_dim3A_783 : vector<16xi1>, vector<16xi32>
      %add3A_785 = arith.addi %add3A_778, %select_n3A_784 : vector<16xi32>
      %gt3A_786 = arith.cmpf ogt, %get3A_758, %add3A_624 : vector<16xf32>
      %jit3A_787 = arith.constant 1 : i32
      %jit3A_788 = arith.constant 0 : i32
      %broadcast_in_dim3A_789 = vector.broadcast %jit3A_787 : i32 to vector<16xi32>
      %broadcast_in_dim3A_790 = vector.broadcast %jit3A_788 : i32 to vector<16xi32>
      %select_n3A_791 = arith.select %gt3A_786, %broadcast_in_dim3A_789, %broadcast_in_dim3A_790 : vector<16xi1>, vector<16xi32>
      %add3A_792 = arith.addi %add3A_785, %select_n3A_791 : vector<16xi32>
      %gt3A_793 = arith.cmpf ogt, %get3A_758, %add3A_628 : vector<16xf32>
      %jit3A_794 = arith.constant 1 : i32
      %jit3A_795 = arith.constant 0 : i32
      %broadcast_in_dim3A_796 = vector.broadcast %jit3A_794 : i32 to vector<16xi32>
      %broadcast_in_dim3A_797 = vector.broadcast %jit3A_795 : i32 to vector<16xi32>
      %select_n3A_798 = arith.select %gt3A_793, %broadcast_in_dim3A_796, %broadcast_in_dim3A_797 : vector<16xi1>, vector<16xi32>
      %add3A_799 = arith.addi %add3A_792, %select_n3A_798 : vector<16xi32>
      %gt3A_800 = arith.cmpf ogt, %get3A_758, %add3A_632 : vector<16xf32>
      %jit3A_801 = arith.constant 1 : i32
      %jit3A_802 = arith.constant 0 : i32
      %broadcast_in_dim3A_803 = vector.broadcast %jit3A_801 : i32 to vector<16xi32>
      %broadcast_in_dim3A_804 = vector.broadcast %jit3A_802 : i32 to vector<16xi32>
      %select_n3A_805 = arith.select %gt3A_800, %broadcast_in_dim3A_803, %broadcast_in_dim3A_804 : vector<16xi1>, vector<16xi32>
      %add3A_806 = arith.addi %add3A_799, %select_n3A_805 : vector<16xi32>
      %gt3A_807 = arith.cmpf ogt, %get3A_758, %add3A_636 : vector<16xf32>
      %jit3A_808 = arith.constant 1 : i32
      %jit3A_809 = arith.constant 0 : i32
      %broadcast_in_dim3A_810 = vector.broadcast %jit3A_808 : i32 to vector<16xi32>
      %broadcast_in_dim3A_811 = vector.broadcast %jit3A_809 : i32 to vector<16xi32>
      %select_n3A_812 = arith.select %gt3A_807, %broadcast_in_dim3A_810, %broadcast_in_dim3A_811 : vector<16xi1>, vector<16xi32>
      %add3A_813 = arith.addi %add3A_806, %select_n3A_812 : vector<16xi32>
      %gt3A_814 = arith.cmpf ogt, %get3A_758, %add3A_640 : vector<16xf32>
      %jit3A_815 = arith.constant 1 : i32
      %jit3A_816 = arith.constant 0 : i32
      %broadcast_in_dim3A_817 = vector.broadcast %jit3A_815 : i32 to vector<16xi32>
      %broadcast_in_dim3A_818 = vector.broadcast %jit3A_816 : i32 to vector<16xi32>
      %select_n3A_819 = arith.select %gt3A_814, %broadcast_in_dim3A_817, %broadcast_in_dim3A_818 : vector<16xi1>, vector<16xi32>
      %add3A_820 = arith.addi %add3A_813, %select_n3A_819 : vector<16xi32>
      %gt3A_821 = arith.cmpf ogt, %get3A_758, %add3A_644 : vector<16xf32>
      %jit3A_822 = arith.constant 1 : i32
      %jit3A_823 = arith.constant 0 : i32
      %broadcast_in_dim3A_824 = vector.broadcast %jit3A_822 : i32 to vector<16xi32>
      %broadcast_in_dim3A_825 = vector.broadcast %jit3A_823 : i32 to vector<16xi32>
      %select_n3A_826 = arith.select %gt3A_821, %broadcast_in_dim3A_824, %broadcast_in_dim3A_825 : vector<16xi1>, vector<16xi32>
      %add3A_827 = arith.addi %add3A_820, %select_n3A_826 : vector<16xi32>
      %gt3A_828 = arith.cmpf ogt, %get3A_758, %add3A_648 : vector<16xf32>
      %jit3A_829 = arith.constant 1 : i32
      %jit3A_830 = arith.constant 0 : i32
      %broadcast_in_dim3A_831 = vector.broadcast %jit3A_829 : i32 to vector<16xi32>
      %broadcast_in_dim3A_832 = vector.broadcast %jit3A_830 : i32 to vector<16xi32>
      %select_n3A_833 = arith.select %gt3A_828, %broadcast_in_dim3A_831, %broadcast_in_dim3A_832 : vector<16xi1>, vector<16xi32>
      %add3A_834 = arith.addi %add3A_827, %select_n3A_833 : vector<16xi32>
      %gt3A_835 = arith.cmpf ogt, %get3A_758, %add3A_652 : vector<16xf32>
      %jit3A_836 = arith.constant 1 : i32
      %jit3A_837 = arith.constant 0 : i32
      %broadcast_in_dim3A_838 = vector.broadcast %jit3A_836 : i32 to vector<16xi32>
      %broadcast_in_dim3A_839 = vector.broadcast %jit3A_837 : i32 to vector<16xi32>
      %select_n3A_840 = arith.select %gt3A_835, %broadcast_in_dim3A_838, %broadcast_in_dim3A_839 : vector<16xi1>, vector<16xi32>
      %add3A_841 = arith.addi %add3A_834, %select_n3A_840 : vector<16xi32>
      %gt3A_842 = arith.cmpf ogt, %get3A_758, %add3A_656 : vector<16xf32>
      %jit3A_843 = arith.constant 1 : i32
      %jit3A_844 = arith.constant 0 : i32
      %broadcast_in_dim3A_845 = vector.broadcast %jit3A_843 : i32 to vector<16xi32>
      %broadcast_in_dim3A_846 = vector.broadcast %jit3A_844 : i32 to vector<16xi32>
      %select_n3A_847 = arith.select %gt3A_842, %broadcast_in_dim3A_845, %broadcast_in_dim3A_846 : vector<16xi1>, vector<16xi32>
      %add3A_848 = arith.addi %add3A_841, %select_n3A_847 : vector<16xi32>
      %gt3A_849 = arith.cmpf ogt, %get3A_758, %add3A_660 : vector<16xf32>
      %jit3A_850 = arith.constant 1 : i32
      %jit3A_851 = arith.constant 0 : i32
      %broadcast_in_dim3A_852 = vector.broadcast %jit3A_850 : i32 to vector<16xi32>
      %broadcast_in_dim3A_853 = vector.broadcast %jit3A_851 : i32 to vector<16xi32>
      %select_n3A_854 = arith.select %gt3A_849, %broadcast_in_dim3A_852, %broadcast_in_dim3A_853 : vector<16xi1>, vector<16xi32>
      %add3A_855 = arith.addi %add3A_848, %select_n3A_854 : vector<16xi32>
      %gt3A_856 = arith.cmpf ogt, %get3A_758, %add3A_664 : vector<16xf32>
      %jit3A_857 = arith.constant 1 : i32
      %jit3A_858 = arith.constant 0 : i32
      %broadcast_in_dim3A_859 = vector.broadcast %jit3A_857 : i32 to vector<16xi32>
      %broadcast_in_dim3A_860 = vector.broadcast %jit3A_858 : i32 to vector<16xi32>
      %select_n3A_861 = arith.select %gt3A_856, %broadcast_in_dim3A_859, %broadcast_in_dim3A_860 : vector<16xi1>, vector<16xi32>
      %add3A_862 = arith.addi %add3A_855, %select_n3A_861 : vector<16xi32>
      %gt3A_863 = arith.cmpf ogt, %get3A_758, %add3A_668 : vector<16xf32>
      %jit3A_864 = arith.constant 1 : i32
      %jit3A_865 = arith.constant 0 : i32
      %broadcast_in_dim3A_866 = vector.broadcast %jit3A_864 : i32 to vector<16xi32>
      %broadcast_in_dim3A_867 = vector.broadcast %jit3A_865 : i32 to vector<16xi32>
      %select_n3A_868 = arith.select %gt3A_863, %broadcast_in_dim3A_866, %broadcast_in_dim3A_867 : vector<16xi1>, vector<16xi32>
      %add3A_869 = arith.addi %add3A_862, %select_n3A_868 : vector<16xi32>
      %gt3A_870 = arith.cmpf ogt, %get3A_758, %add3A_672 : vector<16xf32>
      %jit3A_871 = arith.constant 1 : i32
      %jit3A_872 = arith.constant 0 : i32
      %broadcast_in_dim3A_873 = vector.broadcast %jit3A_871 : i32 to vector<16xi32>
      %broadcast_in_dim3A_874 = vector.broadcast %jit3A_872 : i32 to vector<16xi32>
      %select_n3A_875 = arith.select %gt3A_870, %broadcast_in_dim3A_873, %broadcast_in_dim3A_874 : vector<16xi1>, vector<16xi32>
      %add3A_876 = arith.addi %add3A_869, %select_n3A_875 : vector<16xi32>
      tpu.vector_store_idx %arg25[%add3A_876], %broadcast_in_dim3A_0 {add = true} : memref<32xf32, #tpu.memory_space<vmem>>[vector<16xi32>], vector<16xf32>,
      tpu.vector_store_idx %arg26[%add3A_876], %get3A_758 {add = true} : memref<32xf32, #tpu.memory_space<vmem>>[vector<16xi32>], vector<16xf32>,
      tpu.vector_store_idx %arg27[%add3A_876], %get3A_762 {add = true} : memref<32xf32, #tpu.memory_space<vmem>>[vector<16xi32>], vector<16xf32>,
      %scan3A_877 = arith.constant 0 : i32
      scf.yield %scan3A_877 : i32
    }
    %scan3A_691 = arith.constant 1024 : i32
    "tpu.region"() ({
      %run_scoped3A = tpu.sem_alloc : memref<!tpu.dma_semaphore, #tpu.memory_space<semaphore_mem>>
      %dma_start3A = arith.constant 0 : i32
      %dma_start3A_753 = tpu.memref_slice %arg34[%arg1, %dma_start3A] : memref<16x128xf32, #tpu.memory_space<vmem_shared>> -> memref<1x32xf32, #tpu.memory_space<vmem_shared>>
      %dma_start3A_754 = tpu.memref_squeeze %dma_start3A_753 : memref<1x32xf32, #tpu.memory_space<vmem_shared>> -> memref<32xf32, #tpu.memory_space<vmem_shared>>
      %dma_start3A_755 = arith.constant 0 : i32
      %dma_start3A_756 = tpu.memref_slice %arg34[%arg1, %dma_start3A_755] : memref<16x128xf32, #tpu.memory_space<vmem_shared>> -> memref<1x32xf32, #tpu.memory_space<vmem_shared>>
      %dma_start3A_757 = tpu.memref_squeeze %dma_start3A_756 : memref<1x32xf32, #tpu.memory_space<vmem_shared>> -> memref<32xf32, #tpu.memory_space<vmem_shared>>
      tpu.enqueue_dma source(%arg25 : memref<32xf32, #tpu.memory_space<vmem>>) target(%dma_start3A_757 : memref<32xf32, #tpu.memory_space<vmem_shared>>) target_semaphore(%run_scoped3A : memref<!tpu.dma_semaphore, #tpu.memory_space<semaphore_mem>>)
      %dma_wait3A = arith.constant 0 : i32
      %dma_wait3A_758 = tpu.memref_slice %arg34[%arg1, %dma_wait3A] : memref<16x128xf32, #tpu.memory_space<vmem_shared>> -> memref<1x32xf32, #tpu.memory_space<vmem_shared>>
      %dma_wait3A_759 = tpu.memref_squeeze %dma_wait3A_758 : memref<1x32xf32, #tpu.memory_space<vmem_shared>> -> memref<32xf32, #tpu.memory_space<vmem_shared>>
      %dma_wait3A_760 = arith.constant 0 : i32
      %dma_wait3A_761 = tpu.memref_slice %arg34[%arg1, %dma_wait3A_760] : memref<16x128xf32, #tpu.memory_space<vmem_shared>> -> memref<1x32xf32, #tpu.memory_space<vmem_shared>>
      %dma_wait3A_762 = tpu.memref_squeeze %dma_wait3A_761 : memref<1x32xf32, #tpu.memory_space<vmem_shared>> -> memref<32xf32, #tpu.memory_space<vmem_shared>>
      tpu.wait_dma2 semaphore(%run_scoped3A : memref<!tpu.dma_semaphore, #tpu.memory_space<semaphore_mem>>) src(%arg25 : memref<32xf32, #tpu.memory_space<vmem>>) dst(%dma_wait3A_762 : memref<32xf32, #tpu.memory_space<vmem_shared>>)
      tpu.yield
    }) : () -> ()
    "tpu.region"() ({
      %run_scoped3A = tpu.sem_alloc : memref<!tpu.dma_semaphore, #tpu.memory_space<semaphore_mem>>
      %dma_start3A = arith.constant 32 : i32
      %dma_start3A_753 = tpu.memref_slice %arg34[%arg1, %dma_start3A] : memref<16x128xf32, #tpu.memory_space<vmem_shared>> -> memref<1x32xf32, #tpu.memory_space<vmem_shared>>
      %dma_start3A_754 = tpu.memref_squeeze %dma_start3A_753 : memref<1x32xf32, #tpu.memory_space<vmem_shared>> -> memref<32xf32, #tpu.memory_space<vmem_shared>>
      %dma_start3A_755 = arith.constant 32 : i32
      %dma_start3A_756 = tpu.memref_slice %arg34[%arg1, %dma_start3A_755] : memref<16x128xf32, #tpu.memory_space<vmem_shared>> -> memref<1x32xf32, #tpu.memory_space<vmem_shared>>
      %dma_start3A_757 = tpu.memref_squeeze %dma_start3A_756 : memref<1x32xf32, #tpu.memory_space<vmem_shared>> -> memref<32xf32, #tpu.memory_space<vmem_shared>>
      tpu.enqueue_dma source(%arg26 : memref<32xf32, #tpu.memory_space<vmem>>) target(%dma_start3A_757 : memref<32xf32, #tpu.memory_space<vmem_shared>>) target_semaphore(%run_scoped3A : memref<!tpu.dma_semaphore, #tpu.memory_space<semaphore_mem>>)
      %dma_wait3A = arith.constant 32 : i32
      %dma_wait3A_758 = tpu.memref_slice %arg34[%arg1, %dma_wait3A] : memref<16x128xf32, #tpu.memory_space<vmem_shared>> -> memref<1x32xf32, #tpu.memory_space<vmem_shared>>
      %dma_wait3A_759 = tpu.memref_squeeze %dma_wait3A_758 : memref<1x32xf32, #tpu.memory_space<vmem_shared>> -> memref<32xf32, #tpu.memory_space<vmem_shared>>
      %dma_wait3A_760 = arith.constant 32 : i32
      %dma_wait3A_761 = tpu.memref_slice %arg34[%arg1, %dma_wait3A_760] : memref<16x128xf32, #tpu.memory_space<vmem_shared>> -> memref<1x32xf32, #tpu.memory_space<vmem_shared>>
      %dma_wait3A_762 = tpu.memref_squeeze %dma_wait3A_761 : memref<1x32xf32, #tpu.memory_space<vmem_shared>> -> memref<32xf32, #tpu.memory_space<vmem_shared>>
      tpu.wait_dma2 semaphore(%run_scoped3A : memref<!tpu.dma_semaphore, #tpu.memory_space<semaphore_mem>>) src(%arg26 : memref<32xf32, #tpu.memory_space<vmem>>) dst(%dma_wait3A_762 : memref<32xf32, #tpu.memory_space<vmem_shared>>)
      tpu.yield
    }) : () -> ()
    "tpu.region"() ({
      %run_scoped3A = tpu.sem_alloc : memref<!tpu.dma_semaphore, #tpu.memory_space<semaphore_mem>>
      %dma_start3A = arith.constant 64 : i32
      %dma_start3A_753 = tpu.memref_slice %arg34[%arg1, %dma_start3A] : memref<16x128xf32, #tpu.memory_space<vmem_shared>> -> memref<1x32xf32, #tpu.memory_space<vmem_shared>>
      %dma_start3A_754 = tpu.memref_squeeze %dma_start3A_753 : memref<1x32xf32, #tpu.memory_space<vmem_shared>> -> memref<32xf32, #tpu.memory_space<vmem_shared>>
      %dma_start3A_755 = arith.constant 64 : i32
      %dma_start3A_756 = tpu.memref_slice %arg34[%arg1, %dma_start3A_755] : memref<16x128xf32, #tpu.memory_space<vmem_shared>> -> memref<1x32xf32, #tpu.memory_space<vmem_shared>>
      %dma_start3A_757 = tpu.memref_squeeze %dma_start3A_756 : memref<1x32xf32, #tpu.memory_space<vmem_shared>> -> memref<32xf32, #tpu.memory_space<vmem_shared>>
      tpu.enqueue_dma source(%arg27 : memref<32xf32, #tpu.memory_space<vmem>>) target(%dma_start3A_757 : memref<32xf32, #tpu.memory_space<vmem_shared>>) target_semaphore(%run_scoped3A : memref<!tpu.dma_semaphore, #tpu.memory_space<semaphore_mem>>)
      %dma_wait3A = arith.constant 64 : i32
      %dma_wait3A_758 = tpu.memref_slice %arg34[%arg1, %dma_wait3A] : memref<16x128xf32, #tpu.memory_space<vmem_shared>> -> memref<1x32xf32, #tpu.memory_space<vmem_shared>>
      %dma_wait3A_759 = tpu.memref_squeeze %dma_wait3A_758 : memref<1x32xf32, #tpu.memory_space<vmem_shared>> -> memref<32xf32, #tpu.memory_space<vmem_shared>>
      %dma_wait3A_760 = arith.constant 64 : i32
      %dma_wait3A_761 = tpu.memref_slice %arg34[%arg1, %dma_wait3A_760] : memref<16x128xf32, #tpu.memory_space<vmem_shared>> -> memref<1x32xf32, #tpu.memory_space<vmem_shared>>
      %dma_wait3A_762 = tpu.memref_squeeze %dma_wait3A_761 : memref<1x32xf32, #tpu.memory_space<vmem_shared>> -> memref<32xf32, #tpu.memory_space<vmem_shared>>
      tpu.wait_dma2 semaphore(%run_scoped3A : memref<!tpu.dma_semaphore, #tpu.memory_space<semaphore_mem>>) src(%arg27 : memref<32xf32, #tpu.memory_space<vmem>>) dst(%dma_wait3A_762 : memref<32xf32, #tpu.memory_space<vmem_shared>>)
      tpu.yield
    }) : () -> ()
    %barrier3A_692 = arith.constant 0 : index
    tpu.barrier barrier_id(%barrier3A_692)
    %scan3A_693 = arith.constant 0 : i32
    %scan3A_694 = arith.constant 0 : i32
    %scan3A_695 = arith.constant 6 : i32
    %scan3A_696 = arith.addi %scan3A_694, %scan3A_695 : i32
    %scan3A_697 = arith.constant 1 : i32
    %scan3A_698 = scf.for %scan3A_753 = %scan3A_694 to %scan3A_696 step %scan3A_697 iter_args(%scan3A_754 = %scan3A_693) -> (i32)  : i32 {
      %mul3A_755 = arith.constant 16 : i32
      %mul3A_756 = arith.muli %scan3A_753, %mul3A_755 : i32
      %swap3A_757 = arith.index_cast %mul3A_756 : i32 to index
      %swap3A_758 = tpu.vector_load %arg15[%swap3A_757] {strides = array<i32>} : memref<1024xf32, #tpu.memory_space<vmem>>, vector<16xf32>,
      tpu.vector_store %arg15[%swap3A_757], %broadcast_in_dim3A_2 {strides = array<i32>} : memref<1024xf32, #tpu.memory_space<vmem>>, vector<16xf32>,
      %scan3A_759 = arith.constant 0 : i32
      scf.yield %scan3A_759 : i32
    }
    %scan3A_699 = arith.constant 6 : i32
    %scan3A_700 = arith.constant 0 : i32
    %scan3A_701 = arith.constant 0 : i32
    %scan3A_702 = arith.constant 16 : i32
    %scan3A_703 = arith.addi %scan3A_701, %scan3A_702 : i32
    %scan3A_704 = arith.constant 1 : i32
    %scan3A_705 = scf.for %scan3A_753 = %scan3A_701 to %scan3A_703 step %scan3A_704 iter_args(%scan3A_754 = %scan3A_700) -> (i32)  : i32 {
      "tpu.region"() ({
        %run_scoped3A = tpu.sem_alloc : memref<!tpu.dma_semaphore, #tpu.memory_space<semaphore_mem>>
        %dma_start3A = arith.constant 0 : i32
        %dma_start3A_763 = tpu.memref_slice %arg14[%dma_start3A] : memref<1024xf32, #tpu.memory_space<vmem>> -> memref<96xf32, #tpu.memory_space<vmem>>
        %dma_start3A_764 = arith.constant 0 : i32
        %dma_start3A_765 = tpu.memref_slice %arg34[%scan3A_753, %dma_start3A_764] : memref<16x128xf32, #tpu.memory_space<vmem_shared>> -> memref<1x96xf32, #tpu.memory_space<vmem_shared>>
        %dma_start3A_766 = tpu.memref_squeeze %dma_start3A_765 : memref<1x96xf32, #tpu.memory_space<vmem_shared>> -> memref<96xf32, #tpu.memory_space<vmem_shared>>
        %dma_start3A_767 = arith.constant 0 : i32
        %dma_start3A_768 = tpu.memref_slice %arg14[%dma_start3A_767] : memref<1024xf32, #tpu.memory_space<vmem>> -> memref<96xf32, #tpu.memory_space<vmem>>
        %dma_start3A_769 = arith.constant 0 : i32
        %dma_start3A_770 = tpu.memref_slice %arg34[%scan3A_753, %dma_start3A_769] : memref<16x128xf32, #tpu.memory_space<vmem_shared>> -> memref<1x96xf32, #tpu.memory_space<vmem_shared>>
        %dma_start3A_771 = tpu.memref_squeeze %dma_start3A_770 : memref<1x96xf32, #tpu.memory_space<vmem_shared>> -> memref<96xf32, #tpu.memory_space<vmem_shared>>
        tpu.enqueue_dma source(%dma_start3A_771 : memref<96xf32, #tpu.memory_space<vmem_shared>>) target(%dma_start3A_768 : memref<96xf32, #tpu.memory_space<vmem>>) target_semaphore(%run_scoped3A : memref<!tpu.dma_semaphore, #tpu.memory_space<semaphore_mem>>)
        %dma_wait3A = arith.constant 0 : i32
        %dma_wait3A_772 = tpu.memref_slice %arg14[%dma_wait3A] : memref<1024xf32, #tpu.memory_space<vmem>> -> memref<96xf32, #tpu.memory_space<vmem>>
        %dma_wait3A_773 = arith.constant 0 : i32
        %dma_wait3A_774 = tpu.memref_slice %arg34[%scan3A_753, %dma_wait3A_773] : memref<16x128xf32, #tpu.memory_space<vmem_shared>> -> memref<1x96xf32, #tpu.memory_space<vmem_shared>>
        %dma_wait3A_775 = tpu.memref_squeeze %dma_wait3A_774 : memref<1x96xf32, #tpu.memory_space<vmem_shared>> -> memref<96xf32, #tpu.memory_space<vmem_shared>>
        %dma_wait3A_776 = arith.constant 0 : i32
        %dma_wait3A_777 = tpu.memref_slice %arg14[%dma_wait3A_776] : memref<1024xf32, #tpu.memory_space<vmem>> -> memref<96xf32, #tpu.memory_space<vmem>>
        %dma_wait3A_778 = arith.constant 0 : i32
        %dma_wait3A_779 = tpu.memref_slice %arg34[%scan3A_753, %dma_wait3A_778] : memref<16x128xf32, #tpu.memory_space<vmem_shared>> -> memref<1x96xf32, #tpu.memory_space<vmem_shared>>
        %dma_wait3A_780 = tpu.memref_squeeze %dma_wait3A_779 : memref<1x96xf32, #tpu.memory_space<vmem_shared>> -> memref<96xf32, #tpu.memory_space<vmem_shared>>
        tpu.wait_dma2 semaphore(%run_scoped3A : memref<!tpu.dma_semaphore, #tpu.memory_space<semaphore_mem>>) src(%dma_wait3A_780 : memref<96xf32, #tpu.memory_space<vmem_shared>>) dst(%dma_wait3A_777 : memref<96xf32, #tpu.memory_space<vmem>>)
        tpu.yield
      }) : () -> ()
      %scan3A_755 = arith.constant 0 : i32
      %scan3A_756 = arith.constant 0 : i32
      %scan3A_757 = arith.constant 6 : i32
      %scan3A_758 = arith.addi %scan3A_756, %scan3A_757 : i32
      %scan3A_759 = arith.constant 1 : i32
      %scan3A_760 = scf.for %scan3A_763 = %scan3A_756 to %scan3A_758 step %scan3A_759 iter_args(%scan3A_764 = %scan3A_755) -> (i32)  : i32 {
        %mul3A_765 = arith.constant 16 : i32
        %mul3A_766 = arith.muli %scan3A_763, %mul3A_765 : i32
        %get3A_767 = arith.index_cast %mul3A_766 : i32 to index
        %get3A_768 = tpu.vector_load %arg15[%get3A_767] {strides = array<i32>} : memref<1024xf32, #tpu.memory_space<vmem>>, vector<16xf32>,
        %mul3A_769 = arith.constant 16 : i32
        %mul3A_770 = arith.muli %scan3A_763, %mul3A_769 : i32
        %get3A_771 = arith.index_cast %mul3A_770 : i32 to index
        %get3A_772 = tpu.vector_load %arg14[%get3A_771] {strides = array<i32>} : memref<1024xf32, #tpu.memory_space<vmem>>, vector<16xf32>,
        %add3A_773 = arith.addf %get3A_768, %get3A_772 : vector<16xf32>
        %mul3A_774 = arith.constant 16 : i32
        %mul3A_775 = arith.muli %scan3A_763, %mul3A_774 : i32
        %swap3A_776 = arith.index_cast %mul3A_775 : i32 to index
        %swap3A_777 = tpu.vector_load %arg15[%swap3A_776] {strides = array<i32>} : memref<1024xf32, #tpu.memory_space<vmem>>, vector<16xf32>,
        tpu.vector_store %arg15[%swap3A_776], %add3A_773 {strides = array<i32>} : memref<1024xf32, #tpu.memory_space<vmem>>, vector<16xf32>,
        %scan3A_778 = arith.constant 0 : i32
        scf.yield %scan3A_778 : i32
      }
      %scan3A_761 = arith.constant 6 : i32
      %scan3A_762 = arith.constant 0 : i32
      scf.yield %scan3A_762 : i32
    }
    %scan3A_706 = arith.constant 16 : i32
    %add3A_707 = arith.constant 1 : i32
    %add3A_708 = vector.broadcast %add3A_707 : i32 to vector<16xi32>
    %add3A_709 = arith.addi %iota3A, %add3A_708 : vector<16xi32>
    %gather3A_710 = tpu.vector_load_idx %arg15[%add3A_709] : memref<1024xf32, #tpu.memory_space<vmem>>[vector<16xi32>], vector<16xf32>,
    %add3A_711 = arith.constant 33 : i32
    %add3A_712 = vector.broadcast %add3A_711 : i32 to vector<16xi32>
    %add3A_713 = arith.addi %iota3A, %add3A_712 : vector<16xi32>
    %gather3A_714 = tpu.vector_load_idx %arg15[%add3A_713] : memref<1024xf32, #tpu.memory_space<vmem>>[vector<16xi32>], vector<16xf32>,
    %add3A_715 = arith.constant 65 : i32
    %add3A_716 = vector.broadcast %add3A_715 : i32 to vector<16xi32>
    %add3A_717 = arith.addi %iota3A, %add3A_716 : vector<16xi32>
    %gather3A_718 = tpu.vector_load_idx %arg15[%add3A_717] : memref<1024xf32, #tpu.memory_space<vmem>>[vector<16xi32>], vector<16xf32>,
    %max3A_719 = arith.constant 1.000000e+00 : f32
    %max3A_720 = vector.broadcast %max3A_719 : f32 to vector<16xf32>
    %max3A_721 = arith.maximumf %gather3A_710, %max3A_720 : vector<16xf32>
    %div3A = arith.constant 2.621440e+05 : f32
    %div3A_722 = vector.broadcast %div3A : f32 to vector<16xf32>
    %div3A_723 = arith.divf %gather3A_710, %div3A_722 : vector<16xf32>
    %div3A_724 = arith.divf %gather3A_714, %max3A_721 : vector<16xf32>
    %div3A_725 = arith.divf %gather3A_718, %max3A_721 : vector<16xf32>
    %sub3A_726 = arith.subf %div3A_724, %div3A_725 : vector<16xf32>
    %abs3A = math.absf %sub3A_726 : vector<16xf32>
    %mul3A_727 = arith.mulf %abs3A, %div3A_723 : vector<16xf32>
    %lt3A_728 = arith.constant 15 : i32
    %lt3A_729 = vector.broadcast %lt3A_728 : i32 to vector<16xi32>
    %lt3A_730 = arith.cmpi slt, %iota3A, %lt3A_729 : vector<16xi32>
    %gt3A_731 = arith.constant 0.000000e+00 : f32
    %gt3A_732 = vector.broadcast %gt3A_731 : f32 to vector<16xf32>
    %gt3A_733 = arith.cmpf ogt, %gather3A_710, %gt3A_732 : vector<16xf32>
    %and3A_734 = arith.andi %lt3A_730, %gt3A_733 : vector<16xi1>
    %jit3A_735 = arith.constant 0.000000e+00 : f32
    %broadcast_in_dim3A_736 = vector.broadcast %jit3A_735 : f32 to vector<16xf32>
    %select_n3A_737 = arith.select %and3A_734, %mul3A_727, %broadcast_in_dim3A_736 : vector<16xi1>, vector<16xf32>
    %reduce_sum3A_738 = arith.constant true
    %reduce_sum3A_739 = vector.broadcast %reduce_sum3A_738 : i1 to vector<16xi1>
    %reduce_sum3A_740 = tpu.scan <sum>, %select_n3A_737 masked %reduce_sum3A_739 : vector<16xf32>, vector<16xi1> -> vector<16xf32>
    %reduce_sum3A_741 = vector.extract %reduce_sum3A_740[15] : f32 from vector<16xf32>
    %add3A_742 = vector.broadcast %reduce_sum3A_741 : f32 to vector<16xf32>
    %add3A_743 = arith.addf %broadcast_in_dim3A_2, %add3A_742 : vector<16xf32>
    %swap3A_744 = arith.constant 0 : index
    %swap3A_745 = tpu.vector_load %arg28[%swap3A_744] {strides = array<i32>} : memref<16xf32, #tpu.memory_space<vmem>>, vector<16xf32>,
    tpu.vector_store %arg28[%swap3A_744], %add3A_743 {strides = array<i32>} : memref<16xf32, #tpu.memory_space<vmem>>, vector<16xf32>,
    %eq3A_746 = arith.constant 0 : i32
    %eq3A_747 = arith.cmpi eq, %arg0, %eq3A_746 : i32
    %eq3A_748 = arith.constant 0 : i32
    %eq3A_749 = arith.cmpi eq, %arg1, %eq3A_748 : i32
    %and3A_750 = arith.andi %eq3A_747, %eq3A_749 : i1
    %convert_element_type3A_751 = arith.extui %and3A_750 : i1 to i32
    %cond3A = arith.constant 0 : i32
    %cond3A_752 = arith.cmpi ne, %convert_element_type3A_751, %cond3A : i32
    scf.if %cond3A_752 {
      "tpu.region"() ({
        %run_scoped3A = tpu.sem_alloc : memref<!tpu.dma_semaphore, #tpu.memory_space<semaphore_mem>>
        tpu.enqueue_dma source(%arg28 : memref<16xf32, #tpu.memory_space<vmem>>) target(%arg8 : memref<16xf32, #tpu.memory_space<hbm>>) target_semaphore(%run_scoped3A : memref<!tpu.dma_semaphore, #tpu.memory_space<semaphore_mem>>)
        tpu.wait_dma2 semaphore(%run_scoped3A : memref<!tpu.dma_semaphore, #tpu.memory_space<semaphore_mem>>) src(%arg28 : memref<16xf32, #tpu.memory_space<vmem>>) dst(%arg8 : memref<16xf32, #tpu.memory_space<hbm>>)
        tpu.yield
      }) : () -> ()
    } else {
    }
    return
  }
}

module attributes {stable_mosaic.version = 14 : i64} {
  func.func @_stats_body(%arg0: i32, %arg1: memref<1x1x2048xi32, #tpu.memory_space<vmem>>, %arg2: memref<2048x1000xf32, #tpu.memory_space<vmem>>, %arg3: memref<1x1x2048xf32, #tpu.memory_space<vmem>>, %arg4: memref<1x1x2048xf32, #tpu.memory_space<vmem>>) attributes {dimension_semantics = [#tpu.dimension_semantics<arbitrary>], iteration_bounds = array<i64: 128>, scalar_prefetch = 0 : i64, scratch_operands = 0 : i64, tpu.core_type = #tpu.core_type<tc>, window_params = [{transform_indices = @transform_0, window_bounds = array<i64: 1, 1, 2048>}, {transform_indices = @transform_1, window_bounds = array<i64: 2048, 1000>}, {transform_indices = @transform_2, window_bounds = array<i64: 1, 1, 2048>}, {transform_indices = @transform_3, window_bounds = array<i64: 1, 1, 2048>}]} {
    %get3A = arith.constant 0 : index
    %get3A_0 = arith.constant 0 : index
    %get3A_1 = vector.load %arg2[%get3A, %get3A_0] : memref<2048x1000xf32, #tpu.memory_space<vmem>>, vector<2048x1000xf32>
    %reduce_max3A = arith.constant dense<0xFF800000> : vector<2048xf32>
    %reduce_max3A_2 = vector.multi_reduction <maximumf>, %get3A_1, %reduce_max3A [1] : vector<2048x1000xf32> to vector<2048xf32>
    %broadcast_in_dim3A = vector.shape_cast %reduce_max3A_2 : vector<2048xf32> to vector<2048x1xf32>
    %iota3A = tpu.iota {dimensions = array<i32: 1>} : vector<2048x1000xi32>
    %eq3A = vector.broadcast %broadcast_in_dim3A : vector<2048x1xf32> to vector<2048x1000xf32>
    %eq3A_3 = arith.cmpf oeq, %get3A_1, %eq3A : vector<2048x1000xf32>
    %jit3A = arith.constant 1000 : i32
    %broadcast_in_dim3A_4 = vector.broadcast %jit3A : i32 to vector<2048x1000xi32>
    %select_n3A = arith.select %eq3A_3, %iota3A, %broadcast_in_dim3A_4 : vector<2048x1000xi1>, vector<2048x1000xi32>
    %reduce_min3A = arith.constant dense<2147483647> : vector<2048xi32>
    %reduce_min3A_5 = vector.multi_reduction <minsi>, %select_n3A, %reduce_min3A [1] : vector<2048x1000xi32> to vector<2048xi32>
    %sub3A = vector.broadcast %broadcast_in_dim3A : vector<2048x1xf32> to vector<2048x1000xf32>
    %sub3A_6 = arith.subf %get3A_1, %sub3A : vector<2048x1000xf32>
    %exp3A = math.exp %sub3A_6 : vector<2048x1000xf32>
    %reduce_sum3A = arith.constant dense<0.000000e+00> : vector<2048xf32>
    %reduce_sum3A_7 = vector.multi_reduction <add>, %exp3A, %reduce_sum3A [1] : vector<2048x1000xf32> to vector<2048xf32>
    %div3A = arith.constant 1.000000e+00 : f32
    %div3A_8 = vector.broadcast %div3A : f32 to vector<2048xf32>
    %div3A_9 = arith.divf %div3A_8, %reduce_sum3A_7 : vector<2048xf32>
    %swap3A = arith.constant 0 : index
    %swap3A_10 = arith.constant 0 : index
    %swap3A_11 = arith.constant 0 : index
    %swap3A_12 = vector.load %arg3[%swap3A, %swap3A_10, %swap3A_11] : memref<1x1x2048xf32, #tpu.memory_space<vmem>>, vector<1x1x2048xf32>
    %swap3A_13 = vector.shape_cast %swap3A_12 : vector<1x1x2048xf32> to vector<2048xf32>
    %swap3A_14 = vector.shape_cast %div3A_9 : vector<2048xf32> to vector<1x1x2048xf32>
    tpu.vector_store %arg3[%swap3A, %swap3A_10, %swap3A_11], %swap3A_14 {strides = array<i32>} : memref<1x1x2048xf32, #tpu.memory_space<vmem>>, vector<1x1x2048xf32>,
    %get3A_15 = arith.constant 0 : index
    %get3A_16 = arith.constant 0 : index
    %get3A_17 = arith.constant 0 : index
    %get3A_18 = vector.load %arg1[%get3A_15, %get3A_16, %get3A_17] : memref<1x1x2048xi32, #tpu.memory_space<vmem>>, vector<1x1x2048xi32>
    %get3A_19 = vector.shape_cast %get3A_18 : vector<1x1x2048xi32> to vector<2048xi32>
    %eq3A_20 = arith.cmpi eq, %reduce_min3A_5, %get3A_19 : vector<2048xi32>
    %convert_element_type3A = arith.extui %eq3A_20 : vector<2048xi1> to vector<2048xi32>
    %convert_element_type3A_21 = arith.sitofp %convert_element_type3A : vector<2048xi32> to vector<2048xf32>
    %swap3A_22 = arith.constant 0 : index
    %swap3A_23 = arith.constant 0 : index
    %swap3A_24 = arith.constant 0 : index
    %swap3A_25 = vector.load %arg4[%swap3A_22, %swap3A_23, %swap3A_24] : memref<1x1x2048xf32, #tpu.memory_space<vmem>>, vector<1x1x2048xf32>
    %swap3A_26 = vector.shape_cast %swap3A_25 : vector<1x1x2048xf32> to vector<2048xf32>
    %swap3A_27 = vector.shape_cast %convert_element_type3A_21 : vector<2048xf32> to vector<1x1x2048xf32>
    tpu.vector_store %arg4[%swap3A_22, %swap3A_23, %swap3A_24], %swap3A_27 {strides = array<i32>} : memref<1x1x2048xf32, #tpu.memory_space<vmem>>, vector<1x1x2048xf32>,
    return
  }
  func.func @transform_0(%arg0: i32) -> (i32, i32, i32) {
    %c0_i32 = arith.constant 0 : i32
    %c0_i32_0 = arith.constant 0 : i32
    %c0_i32_1 = arith.constant 0 : i32
    return %arg0, %c0_i32, %c0_i32_0 : i32, i32, i32
  }
  func.func @transform_1(%arg0: i32) -> (i32, i32) {
    %c0_i32 = arith.constant 0 : i32
    %c0_i32_0 = arith.constant 0 : i32
    return %arg0, %c0_i32 : i32, i32
  }
  func.func @transform_2(%arg0: i32) -> (i32, i32, i32) {
    %c0_i32 = arith.constant 0 : i32
    %c0_i32_0 = arith.constant 0 : i32
    %c0_i32_1 = arith.constant 0 : i32
    return %arg0, %c0_i32, %c0_i32_0 : i32, i32, i32
  }
  func.func @transform_3(%arg0: i32) -> (i32, i32, i32) {
    %c0_i32 = arith.constant 0 : i32
    %c0_i32_0 = arith.constant 0 : i32
    %c0_i32_1 = arith.constant 0 : i32
    return %arg0, %c0_i32, %c0_i32_0 : i32, i32, i32
  }
}

</mosaic_0001>

<sc_bundles>
// kernel: kernel.4.cloned.1.call-start
scs
__scs_entry_jumppad:
0x0: {  	(pc) =	sbr.rel $0x88, $3  }
0x1: {  	(tag) =	ssettag $0x0;
	lr =	simm.s32 $0x1  }
0x2: {  	[smem:$0x3F9F] =	sst lr;
	_ =	strace $0xD0000000  }
0x3: {  	_ = 	snop  }
0x4: {  	_ = 	snop  }
0x5: {  	_ = 	snop  }
0x6: {  	_ = 	snop  }
0x7: {  	_ = 	snop  }
__scs_overlays_trampoline_lowered:
0x8: {  	[smem:$0x3FAE] =	sst s0  }
0x9: {  	[smem:$0x3FAF] =	sst s1  }
0xa: {  	[smem:$0x3FB0] =	sst s2  }
0xb: {  	[smem:$0x3FB1] =	sst s3  }
0xc: {  	[smem:$0x3FB2] =	sst s4  }
0xd: {  	[smem:$0x3FB3] =	sst s5  }
0xe: {  	[smem:$0x3FB4] =	sst s6  }
0xf: {  	[smem:$0x3FB5] =	sst s7  }
0x10: {  	[smem:$0x3FB6] =	sst s8  }
0x11: {  	[smem:$0x3FB7] =	sst s9;
	s0 =	simm.s32 @!p0 $0x0  }
0x12: {  	s1 =	sld [smem:$0x3F9D];
	s0 =	simm.s32 @p0 $0x1  }
0x13: {  	[smem:$0x3FB8] =	sst s0;
	s0 =	simm.s32 @!p1 $0x0  }
0x14: {  	s2 =	sld [smem:$0x3F9C];
	s0 =	simm.s32 @p1 $0x1  }
0x15: {  	[smem:$0x3FB9] =	sst s0;
	s0 =	simm.s32 @!p2 $0x0  }
0x16: {  	s3 =	sld [smem:$0x3FDB];
	s0 =	simm.s32 @p2 $0x1  }
0x17: {  	s4 =	simm.s32 $0x1BF5;
	[smem:$0x3FBB] =	sst s0  }
0x18: {  	s0 =	sld [smem:$0x3F9E];
	_ =	swait.ge [sflag:s4], $0x0  }
0x19: {  	s7 =	sld [smem:$0x3F9F]  }
0x1a: {  	s8 =	sadd.s32 $0xFFFFE003, lr  }
0x1b: {  	s9 =	sadd.s32 $0xFFFFFEF7, lr;
	s5 =	simm.s32 $0xFFFFFFFF;
	p2 =	slt.u32 s8, $0xFFFFF086  }
0x1c: {  	p1 =	slt.u32 s9, $0xF7A;
	s5 =	simm.s32 @!p2 $0x0  }
0x1d: {  	s5 =	simm.s32 @p1 $0x1;
	p0 =	seq.s32 s7, s2  }
0x1e: {  	s7 =	smul.u32 @!p0 $0xF7A, s2;
	p2 =	seq.s32 @!p0 s5, $0x0  }
0x1f: {  	s9 =	smul.u32 $0xF7A, s1;
	s8 =	simm.s32 @!p0 $0x1BF5;
	p2 =	por !p2, p0  }
0x20: {  	[sflag:s8] =	ssyncset.s32 @!p0 $0xFFFFF086;
	s6 =	sadd.s32 @!p0 s3, s7;
	s7 =	simm.s32 @!p0 $0x108  }
0x21: {  	s3 =	sadd.s32 s3, s9;
	s6 =	sadd.s32 @!p0 $0x88, s6;
	s7 =	simm.s32 @p2 $0x1082  }
0x22: {  	[simem:s7], [sflag:s8] =	dma.local @!p0 [hbm:s6], $0xF7A  }
0x23: {  	s9 =	sor.u32 $0xD0000000, s2;
	s6 =	simm.s32 $0x108;
	_ =	swait.ge @!p0 [sflag:s8], $0x0  }
0x24: {  	s3 =	sadd.s32 $0x88, s3;
	s6 =	simm.s32 @!p1 $0x1082;
	[sflag:s4] =	ssyncset.s32 $0xFFFFF086  }
0x25: {  	[simem:s6], [sflag:s4] =	dma.local [hbm:s3], $0xF7A  }
0x26: {  	[smem:$0x3F9F] =	sst s1;
	(tag) =	ssettag s2;
	_ =	strace s9  }
0x27: {  	s1 =	sld [smem:$0x3FAF]  }
0x28: {  	s2 =	sld [smem:$0x3FB0]  }
0x29: {  	s4 =	sld [smem:$0x3FB2]  }
0x2a: {  	p0 =	seq.s32 s5, $0x0;
	s5 =	sld [smem:$0x3FB3]  }
0x2b: {  	s6 =	sld [smem:$0x3FB4]  }
0x2c: {  	s7 =	sld [smem:$0x3FB5]  }
0x2d: {  	s3 =	simm.s32 $0x108;
	s8 =	sld [smem:$0x3FB6]  }
0x2e: {  	s3 =	simm.s32 @!p0 $0x1082;
	s9 =	sld [smem:$0x3FB7]  }
0x2f: {  	lr =	sadd.s32 s0, s3;
	s0 =	sld [smem:$0x3FAE]  }
0x30: {  	s3 =	sld [smem:$0x3FB1]  }
0x31: {  	[smem:$0x3FBA] =	sst s10  }
0x32: {  	s10 =	sld [smem:$0x3FB8];
	_ =	sdelay $0x3  }
0x33: {  	p0 =	seq.s32 s10, $0x1;
	s10 =	sld [smem:$0x3FBA];
	_ =	sdelay $0x3  }
0x34: {  	[smem:$0x3FBA] =	sst s10  }
0x35: {  	s10 =	sld [smem:$0x3FB9];
	_ =	sdelay $0x3  }
0x36: {  	p1 =	seq.s32 s10, $0x1;
	s10 =	sld [smem:$0x3FBA];
	_ =	sdelay $0x3  }
0x37: {  	[smem:$0x3FBA] =	sst s10  }
0x38: {  	s10 =	sld [smem:$0x3FBB]  }
0x39: {  	_ = 	snop;
	(pc) =	sbr.ind lr, $3  }
0x3a: {  	_ = 	snop  }
0x3b: {  	_ = 	snop  }
0x3c: {  	p2 =	seq.s32 s10, $0x1;
	s10 =	sld [smem:$0x3FBA]  }
0x3d: {  	_ =	shalt  }
0x3e: {  	_ =	shalt  }
0x3f: {  	_ =	shalt  }
0x40: {  	_ =	shalt  }
0x41: {  	_ =	shalt  }
0x42: {  	_ =	shalt  }
0x43: {  	_ =	shalt  }
0x44: {  	_ =	shalt  }
0x45: {  	_ =	shalt  }
0x46: {  	_ =	shalt  }
0x47: {  	_ =	shalt  }
0x48: {  	_ =	shalt  }
0x49: {  	_ =	shalt  }
0x4a: {  	_ =	shalt  }
0x4b: {  	_ =	shalt  }
0x4c: {  	_ =	shalt  }
0x4d: {  	_ =	shalt  }
0x4e: {  	_ =	shalt  }
0x4f: {  	_ =	shalt  }
0x50: {  	_ =	shalt  }
0x51: {  	_ =	shalt  }
0x52: {  	_ =	shalt  }
0x53: {  	_ =	shalt  }
0x54: {  	_ =	shalt  }
0x55: {  	_ =	shalt  }
0x56: {  	_ =	shalt  }
0x57: {  	_ =	shalt  }
0x58: {  	_ =	shalt  }
0x59: {  	_ =	shalt  }
0x5a: {  	_ =	shalt  }
0x5b: {  	_ =	shalt  }
0x5c: {  	_ =	shalt  }
0x5d: {  	_ =	shalt  }
0x5e: {  	_ =	shalt  }
0x5f: {  	_ =	shalt  }
0x60: {  	_ =	shalt  }
0x61: {  	_ =	shalt  }
0x62: {  	_ =	shalt  }
0x63: {  	_ =	shalt  }
0x64: {  	_ =	shalt  }
0x65: {  	_ =	shalt  }
0x66: {  	_ =	shalt  }
0x67: {  	_ =	shalt  }
0x68: {  	_ =	shalt  }
0x69: {  	_ =	shalt  }
0x6a: {  	_ =	shalt  }
0x6b: {  	_ =	shalt  }
0x6c: {  	_ =	shalt  }
0x6d: {  	_ =	shalt  }
0x6e: {  	_ =	shalt  }
0x6f: {  	_ =	shalt  }
0x70: {  	_ =	shalt  }
0x71: {  	_ =	shalt  }
0x72: {  	_ =	shalt  }
0x73: {  	_ =	shalt  }
0x74: {  	_ =	shalt  }
0x75: {  	_ =	shalt  }
0x76: {  	_ =	shalt  }
0x77: {  	_ =	shalt  }
0x78: {  	_ =	shalt  }
0x79: {  	_ =	shalt  }
0x7a: {  	_ =	shalt  }
0x7b: {  	_ =	shalt  }
0x7c: {  	_ =	shalt  }
0x7d: {  	_ =	shalt  }
0x7e: {  	_ =	shalt  }
0x7f: {  	_ =	shalt  }
0x80: {  	_ =	shalt  }
0x81: {  	_ =	shalt  }
0x82: {  	_ =	shalt  }
0x83: {  	_ =	shalt  }
0x84: {  	_ =	shalt  }
0x85: {  	_ =	shalt  }
0x86: {  	_ =	shalt  }
0x87: {  	_ =	shalt  }
.Lfunc_end0:
.L_simem_size_0:
called_computation_lowered:
.L_overlay_start_0:
0x88: {  	s2 =	sld [smem:$0x3FD9]  }
0x89: {  	s3 =	sld [smem:$0x3FFE];
	_ =	sdelay $0x1  }
0x8a: {  	s1 =	srdreg.scid  }
0x8b: {  	s0 =	sand.u32 $0x1, s1  }
0x8c: {  	s17 =	sshll.u32 s0, $0xA;
	s2 =	sadd.s32 s3, s2  }
0x8d: {  	s2 =	sadd.s32 s2, s17  }
0x8e: {  	[smem:$0x3FC6] =	sst s2  }
0x8f: {  	_ = 	snop  }
0x90: {  	s2 =	sld [smem:$0x3FD0];
	(tm) =	ssettm $0x1  }
0x91: {  	s18 =	sld [smem:$0x3FFB];
	_ =	sdelay $0x3  }
0x92: {  	_ =	strace s18  }
0x93: {  	s3 =	sld [smem:$0x3FFC];
	_ =	sdelay $0x3  }
0x94: {  	_ =	strace s3  }
0x95: {  	s3 =	sld [smem:$0x3FFD];
	_ =	sdelay $0x3  }
0x96: {  	_ =	strace s3  }
0x97: {  	_ =	strace $0x8FFFFFFF  }
0x98: {  	s19 =	sld [smem:$0x3FDB];
	_ =	sdelay $0x1  }
0x99: {  	s4 =	simm.s32 $_scs_section_size  }
0x9a: {  	s5 =	simm.s32 $_size__tile_overlayer_lowered;
	s6 =	simm.s32 $_tile_overlayer_lowered  }
0x9b: {  	s22 =	simm.s32 $0x1BFF;
	s21 =	sshll.u32 s6, $0x1;
	s3 =	sadd.s32 s4, s19  }
0x9c: {  	s7 =	simm.s32 $0x0;
	s20 =	sshll.u32 s5, $0x1;
	s5 =	sadd.s32 s21, s3  }
0x9d: {  	[timem:s7], [sflag:s22] =	dma.local [hbm:s5], s20  }
0x9e: {  	_ =	swait.ge [sflag:s22], s20  }
0x9f: {  	s4 =	ssub.s32 $0x0, s20;
	[sflag:s22] =	ssyncset.done $0x0  }
0xa0: {  	[sflag:s22] =	ssyncadd.s32 s4;
	_ =	sdelay $0x1  }
0xa1: {  	s23 =	simm.s32 $0x1B8B  }
0xa2: {  	_ =	swait.ge [sflag:s23], $0x1  }
0xa3: {  	[sflag:s23] =	ssyncset.done $0x0  }
0xa4: {  	s25 =	simm.s32 $0x1B8E;
	s24 =	sld [smem:$0x3FFE];
	[sflag:s23] =	ssyncadd.s32 $0xFFFFFFFF  }
0xa5: {  	s26 =	simm.s32 $execute0_lowered;
	[smem:$0x3FD2] =	sst s25  }
0xa6: {  	s5 =	sshll.u32 s26, $0x1;
	_ =	strace $0x80000046;
	[dreg:$0x1] =	wrdreg $0xFFFFFFFF  }
0xa7: {  	s28 =	simm.s32 $_size_execute0_lowered;
	s3 =	sadd.s32 s3, s5;
	[dreg:$0x0] =	wrdreg $0x0  }
0xa8: {  	s5 =	sshll.u32 s28, $0x1;
	[dreg:$0x2] =	wrdreg s3  }
0xa9: {  	[dreg:$0x3] =	wrdreg s5  }
0xaa: {  	[dreg:$0x4] =	wrdreg $0xC0  }
0xab: {  	_ =	task [dreg:s7], $0x5FFFF  }
0xac: {  	[dreg:$0x1] =	wrdreg $0xFFFFFFFF  }
0xad: {  	[dreg:$0x0] =	wrdreg $0x60  }
0xae: {  	[dreg:$0x2] =	wrdreg s24  }
0xaf: {  	[dreg:$0x3] =	wrdreg s2  }
0xb0: {  	[dreg:$0x4] =	wrdreg $0x1AD000  }
0xb1: {  	[dreg:$0x5] =	wrdreg $0x1ED000  }
0xb2: {  	[dreg:$0x6] =	wrdreg $0x1F1000  }
0xb3: {  	[dreg:$0x7] =	wrdreg $0x1F1800  }
0xb4: {  	[dreg:$0x8] =	wrdreg $0x1F2000  }
0xb5: {  	[dreg:$0x9] =	wrdreg $0x1F2800  }
0xb6: {  	[dreg:$0xa] =	wrdreg $0x9  }
0xb7: {  	_ =	task.clear_ibuf [dreg:s7], $0xBFFFF;
	_ =	strace $0x90000046  }
0xb8: {  	s29 =	simm.s32 $0x9;
	_ =	strace $0x80000048  }
0xb9: {  	_ =	swait.ge [sflag:s29], $0x1  }
0xba: {  	[sflag:s29] =	ssyncadd.s32 $0xFFFFFFFF  }
0xbb: {  	_ =	strace $0x90000048  }
0xbc: {  	_ =	sfence  }
0xbd: {  	s30 =	sld [smem:$0x0];
	_ =	sdelay $0x2  }
0xbe: {  	s31 =	sshll.u32 s1, $0xD;
	s1 =	sshrl.u32 s1, $0x2  }
0xbf: {  	s3 =	sand.u32 $0x4000, s31;
	s1 =	sadd.s32 s1, s30  }
0xc0: {  	s0 =	sor.u32 s3, s0;
	s1 =	sshll.u32 s1, $0x11  }
0xc1: {  	s0 =	sor.u32 s1, s0  }
0xc2: {  	s0 =	sadd.s32 $0x8F2B, s0  }
0xc3: {  	[sflag:s0] =	ssyncadd.remote.s32 $0x1  }
0xc4: {  	_ =	sfence.sel $0xFFFF  }
0xc5: {  	[dreg:$0x0] =	wrdreg $0xFFFFFFFF;
	(pc) =	sbr.abs _section_cstart, $3  }
0xc6: {  	[dreg:$0x1] =	wrdreg $0xFFFFFFFF  }
0xc7: {  	_ =	task.clear_ibuf [dreg:s7], $0x2FFFF;
	_ =	strace $0x9FFFFFFF  }
0xc8: {  	(tm) =	ssettm $0x7FFFFFFF  }
0xc9: {  	_ =	shalt  }
tec
execute0_lowered:
.L_overlay_start_1:
0x0: {  	(tag) =	ssettag $0x1  }
0x1: {  	s0 =	rddreg [dreg:$0x0]  }
0x2: {  	s1 =	rddreg [dreg:$0x2]  }
0x3: {  	s2 =	rddreg [dreg:$0x3]  }
0x4: {  	s12 =	rddreg [dreg:$0x4]  }
0x5: {  	s13 =	rddreg [dreg:$0x5]  }
0x6: {  	s16 =	rddreg [dreg:$0x6]  }
0x7: {  	s7 =	rddreg [dreg:$0x7]  }
0x8: {  	s8 =	simm.s32 $0x0;
	s17 =	stileid.u32;
	s3 =	srdreg.scid  }
0x9: {  	s28 =	simm.s32 $0x1;
	[smem:$0x7FF] =	sst s8;
	s3 =	sand.u32 $0x1, s3  }
0xa: {  	s4 =	sor.u32 $0x10, s17;
	s5 =	sshll.u32 s17, $0xB;
	s9 =	sadd.s32 $0x19600, s0  }
0xb: {  	s10 =	sadd.s32 $0x19400, s0;
	s30 =	sshll.u32 s17, $0xE;
	s31 =	sshll.u32 s17, $0x7  }
0xc: {  	v2 =	vimm.f32 $2.621440000e+05;
	s20 =	sshll.u32 s17, $0xD;
	s21 =	sshll.u32 s17, $0xA;
	_ =	strace $0x80000047  }
0xd: {  	v3 =	vimm.f32 $1.000000000e+00;
	v4 =	vlaneseq.u32;
	s6 =	ssub.s32 $0x2, s3;
	v1 =	vmov s4;
	s4 =	sadd.s32 s5, s0;
	[dreg:$0x9] =	wrdreg s9  }
0xe: {  	v5 =	vimm.s32 $0x0;
	vm0 =	vcmask $0x704;
	vm1 =	vcmask $0x3F04;
	[dreg:$0xa] =	wrdreg s10;
	s0 =	sadd.s32 $0x1200, s0;
	s18 =	sand.u32 $0x20000, s30  }
0xf: {  	vm2 =	vcmask $0x300;
	v9 =	vimm.s32 $0x681;
	v8 =	vimm.s32 $0xFFFFFFFF;
	s11 =	sand.u32 $0x380, s31;
	s5 =	sshrl.u32 s5, $0x2;
	s19 =	sadd.s32 s31, s12  }
0x10: {  	vm3 =	vcmask $0xB08;
	vm4 =	vcmask $0xF0C;
	v9 =	vsel vm2, $0x0, v9;
	s22 =	sadd.s32 s21, s2;
	s23 =	sadd.s32 s31, s13;
	s24 =	sadd.s32 s31, s16  }
0x11: {  	vm11 =	vcmask $0x1714;
	v10 =	vsel vm0, $0x80, v9;
	v9 =	vsel vm0, $0x780, v9;
	s25 =	sadd.s32 s31, s7;
	s9 =	simm.s32 $0x18800;
	[dreg:$0xb] =	wrdreg s0  }
0x12: {  	vm12 =	vcmask $0x1F1C;
	vm13 =	vcmask $0x2724;
	s12 =	simm.s32 $0x14800;
	s16 =	simm.s32 $0x1AB00;
	v9 =	vsel vm3, $0x1, v9;
	[dreg:$0xf] =	wrdreg s19  }
0x13: {  	s21 =	simm.s32 $0x0;
	s26 =	sshrl.u32 s6, $0x1;
	v10 =	vsel vm3, $0x100, v10;
	vm3 =	vcmask $0x1310;
	[dreg:$0x10] =	wrdreg s22;
	v9 =	vsel vm4, $0x81, v9  }
0x14: {  	vm14 =	vcmask $0x2F2C;
	s29 =	sadd.s32 $0x1400, s4;
	s15 =	sadd.s32 $0x11400, s4;
	[dreg:$0x11] =	wrdreg s23;
	v10 =	vsel vm4, $0x180, v10;
	v9 =	vsel vm3, $0x101, v9  }
0x15: {  	s10 =	sadd.s32 s18, s1;
	s5 =	sadd.s32 s5, s2;
	[dreg:$0x12] =	wrdreg s24;
	v10 =	vsel vm3, $0x200, v10;
	vm3 =	vcmask $0x1B18;
	v9 =	vsel vm11, $0x181, v9  }
0x16: {  	(erf) = vrcp.f32 v2;
	s18 =	sadd.s32 s20, s1;
	[dreg:$0x13] =	wrdreg s25;
	s31 =	sadd.s32 $0x40, s25;
	v10 =	vsel vm11, $0x280, v10;
	v9 =	vsel vm3, $0x201, v9  }
0x17: {  	s19 =	simm.s32 $0x1A800;
	s22 =	simm.s32 $0x1A900;
	[dreg:$0xc] =	wrdreg s29;
	v10 =	vsel vm3, $0x300, v10;
	vm3 =	vcmask $0x2320;
	v9 =	vsel vm12, $0x281, v9  }
0x18: {  	vm15 =	vcmask $0x3734;
	s20 =	simm.s32 $0x1AC00;
	s0 =	ssub.s32 s6, s26;
	[dreg:$0xd] =	wrdreg s15;
	v10 =	vsel vm12, $0x380, v10;
	v9 =	vsel vm3, $0x301, v9  }
0x19: {  	s6 =	sshrl.u32 s30, $0x2;
	s14 =	sadd.s32 s11, s10;
	[dreg:$0xe] =	wrdreg s5;
	v10 =	vsel vm3, $0x400, v10;
	vm3 =	vcmask $0x2B28;
	v9 =	vsel vm13, $0x381, v9  }
0x1a: {  	v6 =	vmul.u32 $0x80, v4;
	s26 =	sor.u32 s17, s3;
	s29 =	sadd.s32 $0x9400, s4;
	s30 =	sadd.s32 $0x20, s25;
	v10 =	vsel vm13, $0x480, v10;
	v9 =	vsel vm3, $0x401, v9  }
0x1b: {  	[dreg:$0x17] =	wrdreg s31;
	s3 =	simm.s32 $0x400;
	s4 =	simm.s32 $0x12000;
	v10 =	vsel vm3, $0x500, v10;
	vm3 =	vcmask $0x3330;
	v9 =	vsel vm14, $0x481, v9  }
0x1c: {  	v0 =	vmov s17;
	s5 =	simm.s32 $0x12400;
	s25 =	simm.s32 $0x10000;
	s10 =	simm.s32 $0x12800;
	v10 =	vsel vm14, $0x580, v10;
	v9 =	vsel vm3, $0x501, v9  }
0x1d: {  	v2 =	vimm.f32 $0.0e+00;
	v7 =	vor.u32 $0x1, v6;
	s17 =	simm.s32 $0x1AB80;
	s15 =	sadd.s32 s6, s1;
	[dreg:$0x14] =	wrdreg s29;
	v10 =	vsel vm3, $0x600, v10  }
0x1e: {  	p0 =	sne.s32 s26, $0x0;
	[dreg:$0x15] =	wrdreg s30;
	s0 =	smax.u32 s0, $0x1;
	vm3 =	vcmask $0x3B38;
	v11 =	vsel vm15, $0x680, v10;
	v12 =	vsel vm15, $0x581, v9  }
0x1f: {  	s6 =	simm.s32 $0xC000;
	[dreg:$0x16] =	wrdreg s0;
	s0 =	simm.s32 $0x80;
	v10 =	vor.u32 $0x10, v4;
	v11 =	vsel vm3, $0x700, v11;
	v12 =	vsel vm3, $0x601, v12;
	v9 =	vpop (erf)  }
.LBB2_1:
0x20: {  	s1 =	rddreg [dreg:$0xc]  }
0x21: {  	[tilespmem:s8], [sflag:$0x1] =	stream.linear.gather [hbm4b:s1+s8], $0x4000, $0x38;
	[tilespmem:$0x1F300] =	vst v63  }
0x22: {  	_ =	swait.ge [sflag:s28], $0x4000  }
0x23: {  	[sflag:s28] =	ssyncset.done $0x0  }
0x24: {  	s11 =	simm.s32 $0x4000;
	s24 =	rddreg [dreg:$0xd];
	[sflag:s28] =	ssyncadd.s32 $0xFFFFC000  }
0x25: {  	[tilespmem:s11], [sflag:$0x1] =	stream.linear.gather [hbm4b:s24+s8], $0x4000, $0x38;
	[tilespmem:$0x1F300] =	vst v63  }
0x26: {  	_ =	swait.ge [sflag:s28], $0x4000  }
0x27: {  	[sflag:s28] =	ssyncset.done $0x0  }
0x28: {  	s26 =	rddreg [dreg:$0x9];
	[sflag:s28] =	ssyncadd.s32 $0xFFFFC000  }
0x29: {  	[tilespmem:s19], [sflag:$0x1] =	stream.linear.gather [hbm4b:s26+s8], $0x80, $0x38;
	[tilespmem:$0x1F300] =	vst v63  }
0x2a: {  	_ =	swait.ge [sflag:s28], $0x80  }
0x2b: {  	[sflag:s28] =	ssyncset.done $0x0  }
0x2c: {  	s30 =	simm.s32 $0x1A880;
	s29 =	rddreg [dreg:$0xa];
	[sflag:s28] =	ssyncadd.s32 $0xFFFFFF80  }
0x2d: {  	[tilespmem:s30], [sflag:$0x1] =	stream.linear.gather [hbm4b:s29+s8], $0x80, $0x38;
	[tilespmem:$0x1F300] =	vst v63  }
0x2e: {  	_ =	swait.ge [sflag:s28], $0x80  }
0x2f: {  	[sflag:s28] =	ssyncset.done $0x0  }
0x30: {  	s31 =	rddreg [dreg:$0xb];
	[sflag:s28] =	ssyncadd.s32 $0xFFFFFF80  }
0x31: {  	[tilespmem:s22], [sflag:$0x1] =	stream.linear.gather [hbm4b:s31+s8], $0x100, $0x38;
	[tilespmem:$0x1F300] =	vst v63  }
0x32: {  	_ =	swait.ge [sflag:s28], $0x100  }
0x33: {  	[sflag:s28] =	ssyncset.done $0x0  }
0x34: {  	s1 =	simm.s32 $0x0;
	[sflag:s28] =	ssyncadd.s32 $0xFFFFFF00  }
.LBB2_2:
0x35: {  	p1 =	sne.s32 s1, $0x7FC0  }
.Ltmp0:
0x36: {  	_ = 	snop;
	(pc) =	sbr.rel @p1 .LBB2_2-.Ltmp0, $3  }
0x37: {  	_ =	sdelay $0x1  }
0x38: {  	s11 =	sshra.s32 s1, $0x2  }
0x39: {  	s1 =	sadd.s32 $0x40, s1;
	[tilespmem:s11+$0xC000] =	vst v2  }
0x3a: {  	s11 =	simm.s32 $0x0;
	s1 =	simm.s32 $0x40  }
.LBB2_4:
0x3b: {  	p1 =	sne.s32 s1, $0xFFC0;
	v13 =	vld [tilespmem:s11+$0x4000];
	_ =	sdelay $0x4  }
0x3c: {  	v13 =	vshrl.u32 v13, $0x12  }
.Ltmp1:
0x3d: {  	(pc) =	sbr.rel @p1 .LBB2_4-.Ltmp1, $2  }
0x3e: {  	_ =	sdelay $0x2  }
0x3f: {  	s11 =	sshra.s32 s1, $0x2;
	s1 =	sadd.s32 $0x40, s1;
	[tilespmem:v13+s6+$0x0] =	vst.idx.add.f32.msk $0xffff, v3  }
0x40: {  	v13 =	vld [tilespmem:s11+$0x4000];
	_ =	sdelay $0x4  }
0x41: {  	v13 =	vshrl.u32 v13, $0x12;
	_ =	sdelay $0x4  }
0x42: {  	[tilespmem:v13+s6+$0x0] =	vst.idx.add.f32.msk $0xffff, v3  }
0x43: {  	[spmem:s14] =	stream.strided.scatter [tilespmem:s6], [sflag:$0x1], $0x2000, s3, s0, $0x38;
	[tilespmem:$0x1F300] =	vst v63  }
0x44: {  	_ =	swait.ge [sflag:s28], $0x2000  }
0x45: {  	[sflag:s28] =	ssyncset.done $0x0  }
0x46: {  	[sflag:s28] =	ssyncadd.s32 $0xFFFFE000  }
0x47: {  	[bflag:$0x0] =	sbarrier.arrive $0xFFFF  }
0x48: {  	[tilespmem:$0x12400] =	vst v2  }
0x49: {  	[tilespmem:$0x12410] =	vst v2  }
0x4a: {  	[tilespmem:$0x12420] =	vst v2  }
0x4b: {  	[tilespmem:$0x12430] =	vst v2  }
0x4c: {  	[tilespmem:$0x12440] =	vst v2  }
0x4d: {  	[tilespmem:$0x12450] =	vst v2  }
0x4e: {  	[tilespmem:$0x12460] =	vst v2  }
0x4f: {  	[tilespmem:$0x12470] =	vst v2  }
0x50: {  	[tilespmem:$0x12480] =	vst v2  }
0x51: {  	[tilespmem:$0x12490] =	vst v2  }
0x52: {  	[tilespmem:$0x124A0] =	vst v2  }
0x53: {  	[tilespmem:$0x124B0] =	vst v2  }
0x54: {  	[tilespmem:$0x124C0] =	vst v2  }
0x55: {  	[tilespmem:$0x124D0] =	vst v2  }
0x56: {  	[tilespmem:$0x124E0] =	vst v2  }
0x57: {  	[tilespmem:$0x124F0] =	vst v2  }
0x58: {  	[tilespmem:$0x12500] =	vst v2  }
0x59: {  	[tilespmem:$0x12510] =	vst v2  }
0x5a: {  	[tilespmem:$0x12520] =	vst v2  }
0x5b: {  	[tilespmem:$0x12530] =	vst v2  }
0x5c: {  	[tilespmem:$0x12540] =	vst v2  }
0x5d: {  	[tilespmem:$0x12550] =	vst v2  }
0x5e: {  	[tilespmem:$0x12560] =	vst v2  }
0x5f: {  	[tilespmem:$0x12570] =	vst v2  }
0x60: {  	[tilespmem:$0x12580] =	vst v2  }
0x61: {  	[tilespmem:$0x12590] =	vst v2  }
0x62: {  	[tilespmem:$0x125A0] =	vst v2  }
0x63: {  	[tilespmem:$0x125B0] =	vst v2  }
0x64: {  	[tilespmem:$0x125C0] =	vst v2  }
0x65: {  	[tilespmem:$0x125D0] =	vst v2  }
0x66: {  	[tilespmem:$0x125E0] =	vst v2  }
0x67: {  	s1 =	simm.s32 $0x0;
	[tilespmem:$0x125F0] =	vst v2  }
.LBB2_6:
0x68: {  	s11 =	sshll.u32 s1, $0xE  }
0x69: {  	s13 =	sshll.u32 s1, $0x7;
	s11 =	sand.u32 $0x20000, s11  }
0x6a: {  	s13 =	sand.u32 $0x380, s13;
	s11 =	sadd.s32 s11, s15  }
0x6b: {  	s11 =	sadd.s32 s13, s11  }
0x6c: {  	[tilespmem:s4], [sflag:$0x1] =	stream.strided.gather [spmem:s11], $0x200, s3, s0, $0x38;
	[tilespmem:$0x1F300] =	vst v63  }
0x6d: {  	_ =	swait.ge [sflag:s28], $0x200  }
0x6e: {  	[sflag:s28] =	ssyncset.done $0x0  }
0x6f: {  	s11 =	simm.s32 $0x0;
	[sflag:s28] =	ssyncadd.s32 $0xFFFFFE00  }
0x70: {  	s13 =	simm.s32 $0x40;
	v13 =	vld [tilespmem:s11+$0x12000]  }
.LBB2_7:
0x71: {  	p1 =	sne.s32 s13, $0x7C0;
	v14 =	vld [tilespmem:s11+$0x12400];
	_ =	sdelay $0x2  }
.Ltmp2:
0x72: {  	(pc) =	sbr.rel @p1 .LBB2_7-.Ltmp2, $4  }
0x73: {  	_ = 	snop  }
0x74: {  	v14 =	vadd.f32 v13, v14  }
0x75: {  	s22 =	sshra.s32 s13, $0x2  }
0x76: {  	s13 =	sadd.s32 $0x40, s13;
	v13 =	vld [tilespmem:s22+$0x12000];
	[tilespmem:s11+$0x12400] =	vst v14;
	s11 =	smov.u32 s22  }
0x77: {  	v14 =	vld [tilespmem:s11+$0x12400]  }
0x78: {  	s1 =	sadd.s32 $0x1, s1  }
0x79: {  	p1 =	sne.s32 s1, $0x10  }
.Ltmp3:
0x7a: {  	_ = 	snop;
	(pc) =	sbr.rel @p1 .LBB2_6-.Ltmp3, $3  }
0x7b: {  	_ = 	snop  }
0x7c: {  	v13 =	vadd.f32 v13, v14;
	_ =	sdelay $0x1  }
0x7d: {  	[tilespmem:s11+$0x12400] =	vst v13  }
0x7e: {  	s1 =	rddreg [dreg:$0xe]  }
0x7f: {  	[spmem:s1] =	stream.linear.scatter [tilespmem:s5], [sflag:$0x1], $0x200, $0x38;
	[tilespmem:$0x1F300] =	vst v63  }
0x80: {  	_ =	swait.ge [sflag:s28], $0x200  }
0x81: {  	[sflag:s28] =	ssyncset.done $0x0  }
0x82: {  	[sflag:s28] =	ssyncadd.s32 $0xFFFFFE00  }
0x83: {  	[bflag:$0x0] =	sbarrier.arrive $0xFFFF  }
0x84: {  	[tilespmem:s25], [sflag:$0x1] =	stream.linear.gather [spmem:s2], $0x2000, $0x38;
	[tilespmem:$0x1F300] =	vst v63  }
0x85: {  	_ =	swait.ge [sflag:s28], $0x2000  }
0x86: {  	[sflag:s28] =	ssyncset.done $0x0  }
0x87: {  	s22 =	simm.s32 $0x0;
	[sflag:s28] =	ssyncadd.s32 $0xFFFFE000  }
0x88: {  	v13 =	vld [tilespmem:s22+$0x10000];
	_ =	sdelay $0x4  }
0x89: {  	(xrf2) =	vadd.scan.msk.f32 $0xffff, v13;
	_ =	sdelay $0x9  }
0x8a: {  	s1 =	simm.f32 $0.0e+00;
	v13, _, _ =	vpop (xrf2)  }
0x8b: {  	v14 =	vadd.f32 s1, v13;
	(v2sf) =	vpush v13, $0xF;
	_ =	sdelay $0x1  }
0x8c: {  	s11 =	simm.s32 $0x10;
	s13 =	simm.s32 $0x80;
	[tilespmem:s22+$0x10000] =	vst v14  }
.LBB2_10:
0x8d: {  	p1 =	sne.s32 s13, $0x7FC0;
	v13 =	vld [tilespmem:s11+$0x10000];
	_ =	sdelay $0x4  }
0x8e: {  	(xrf2) =	vadd.scan.msk.f32 $0xffff, v13;
	_ =	sdelay $0x6  }
0x8f: {  	s22 =	spop (v2sf)  }
0x90: {  	s1 =	sadd.f32 s22, s1  }
.Ltmp4:
0x91: {  	(pc) =	sbr.rel @p1 .LBB2_10-.Ltmp4, $3  }
0x92: {  	v13, _, _ =	vpop (xrf2)  }
0x93: {  	v14 =	vadd.f32 s1, v13;
	(v2sf) =	vpush v13, $0xF;
	_ =	sdelay $0x1  }
0x94: {  	[tilespmem:s11+$0x10000] =	vst v14;
	s11 =	sshra.s32 s13, $0x2;
	s13 =	sadd.s32 $0x40, s13  }
0x95: {  	v13 =	vld [tilespmem:s11+$0x10000];
	_ =	sdelay $0x4  }
0x96: {  	(xrf2) =	vadd.scan.msk.f32 $0xffff, v13;
	_ =	sdelay $0x7  }
0x97: {  	s13 =	spop (v2sf)  }
0x98: {  	s1 =	sadd.f32 s13, s1  }
0x99: {  	v13, _, _ =	vpop (xrf2)  }
0x9a: {  	v14 =	vadd.f32 s1, v13;
	_ =	sdelay $0x1  }
0x9b: {  	[tilespmem:s11+$0x10000] =	vst v14  }
0x9c: {  	v14 =	vld.idx.msk [tilespmem:v0+s19+$0x0], $0xffff;
	_ =	sdelay $0x4  }
0x9d: {  	v14 =	vxor.u32 $0x80000000, v14  }
0x9e: {  	(xrf0) =	vmax.scan.msk.u32 $0xffff, v14;
	_ =	sdelay $0x5  }
0x9f: {  	(v2sf) =	vpush v13, $0xF;
	v13, _, _ =	vpop (xrf0)  }
0xa0: {  	(v2sf) =	vpush v13, $0xF;
	_ =	sdelay $0xd  }
0xa1: {  	s30 =	spop (v2sf)  }
0xa2: {  	s1 =	spop (v2sf)  }
0xa3: {  	s1 =	sxor.u32 $0x80000000, s1  }
0xa4: {  	s31 =	simm.s32 $0x0;
	s22 =	scvt.s32.f32 s1  }
0xa5: {  	v16 =	vld [tilespmem:s31+$0x10000]  }
0xa6: {  	v14 =	vimm.s32 $0x0;
	v13 =	vld.idx.msk [tilespmem:v1+s19+$0x0], $0xffff;
	s1 =	simm.s32 $0x40;
	v15 =	vmov s22  }
.LBB2_12:
0xa7: {  	p1 =	sne.s32 s1, $0x7FC0  }
.Ltmp5:
0xa8: {  	_ = 	snop;
	(pc) =	sbr.rel @p1 .LBB2_12-.Ltmp5, $4  }
0xa9: {  	_ = 	snop  }
0xaa: {  	s11 =	sshra.s32 s1, $0x2;
	s1 =	sadd.s32 $0x40, s1;
	vm3 =	vle.f32 v16, v15  }
0xab: {  	v16 =	vld [tilespmem:s11+$0x10000];
	v17 =	vsel vm3, $0x1, v5  }
0xac: {  	v14 =	vadd.s32 v17, v14  }
0xad: {  	_ =	sdelay $0x2  }
0xae: {  	vm3 =	vle.f32 v16, v15  }
0xaf: {  	v13 =	vxor.u32 $0x80000000, v13;
	v15 =	vsel vm3, $0x1, v5  }
0xb0: {  	(xrf0) =	vmax.scan.msk.u32 $0xffff, v13;
	v14 =	vadd.s32 v15, v14  }
0xb1: {  	(xrf0) =	vadd.scan.msk.s32 $0xffff, v14;
	_ =	sdelay $0x4  }
0xb2: {  	v13, _, _ =	vpop (xrf0)  }
0xb3: {  	(v2sf) =	vpush v13, $0xF;
	v13, _, _ =	vpop (xrf0)  }
0xb4: {  	(v2sf) =	vpush v13, $0xF;
	_ =	sdelay $0xd  }
0xb5: {  	s1 =	spop (v2sf)  }
0xb6: {  	s23 =	spop (v2sf)  }
0xb7: {  	s11 =	sadd.s32 $0xFFFFFFFF, s23  }
0xb8: {  	p1 =	sgt.s32 s11, $0x0  }
0xb9: {  	s11 =	simm.s32 @!p1 $0x0  }
0xba: {  	v14 =	vmov s11  }
0xbb: {  	v14 =	vbroadcast v14, $0x0;
	_ =	sdelay $0x2  }
0xbc: {  	s1 =	sxor.u32 $0x80000000, s1  }
0xbd: {  	s13 =	simm.s32 $0x0;
	s11 =	scvt.s32.f32 s1  }
0xbe: {  	v17 =	vld [tilespmem:s13+$0x10000]  }
0xbf: {  	s1 =	simm.s32 $0x40;
	v16 =	vmov s11;
	v15 =	vld.idx.msk [tilespmem:v14+s25+$0x0], $0xffff;
	v14 =	vimm.s32 $0x0  }
.LBB2_14:
0xc0: {  	p1 =	sne.s32 s1, $0x7FC0  }
.Ltmp6:
0xc1: {  	_ = 	snop;
	(pc) =	sbr.rel @p1 .LBB2_14-.Ltmp6, $4  }
0xc2: {  	_ = 	snop  }
0xc3: {  	s13 =	sshra.s32 s1, $0x2;
	s1 =	sadd.s32 $0x40, s1;
	vm3 =	vle.f32 v17, v16  }
0xc4: {  	v17 =	vld [tilespmem:s13+$0x10000];
	v18 =	vsel vm3, $0x1, v5  }
0xc5: {  	v14 =	vadd.s32 v18, v14  }
0xc6: {  	_ =	sdelay $0x2  }
0xc7: {  	vm3 =	vle.f32 v17, v16  }
0xc8: {  	v16 =	vsel vm3, $0x1, v5  }
0xc9: {  	v14 =	vadd.s32 v16, v14  }
0xca: {  	(xrf0) =	vadd.scan.msk.s32 $0xffff, v14;
	_ =	sdelay $0x5  }
0xcb: {  	v14, _, _ =	vpop (xrf0)  }
0xcc: {  	(v2sf) =	vpush v14, $0xF;
	_ =	sdelay $0xe  }
0xcd: {  	s24 =	spop (v2sf)  }
0xce: {  	s1 =	sadd.s32 $0xFFFFFFFF, s24  }
0xcf: {  	p1 =	sgt.s32 s1, $0x0  }
0xd0: {  	s1 =	simm.s32 @!p1 $0x0  }
0xd1: {  	v16 =	vmov s1  }
0xd2: {  	v16 =	vbroadcast v16, $0x0;
	_ =	sdelay $0x1  }
0xd3: {  	v17 =	vbroadcast v14, $0xF  }
0xd4: {  	v18 =	vbroadcast v13, $0xF  }
0xd5: {  	v13 =	vnsel vm0, $0x0, v17  }
0xd6: {  	v13 =	vsel vm1, v13, v18  }
0xd7: {  	s30 =	rddreg [dreg:$0xf];
	s13 =	simm.s32 $0x1AA80;
	v16 =	vld.idx.msk [tilespmem:v16+s25+$0x0], $0xffff;
	[tilespmem:$0x1AA80] =	vst v13  }
0xd8: {  	[spmem:s30] =	stream.linear.scatter [tilespmem:s13], [sflag:$0x1], $0x10, $0x38;
	[tilespmem:$0x1F300] =	vst v63  }
0xd9: {  	_ =	swait.ge [sflag:s28], $0x10  }
0xda: {  	[sflag:s28] =	ssyncset.done $0x0  }
0xdb: {  	[sflag:s28] =	ssyncadd.s32 $0xFFFFFFF0  }
0xdc: {  	[bflag:$0x0] =	sbarrier.arrive $0xFFFF  }
0xdd: {  	s31 =	rddreg [dreg:$0x4]  }
0xde: {  	[tilespmem:s9], [sflag:$0x1] =	stream.linear.gather [spmem:s31], $0x1000, $0x38;
	[tilespmem:$0x1F300] =	vst v63  }
0xdf: {  	_ =	swait.ge [sflag:s28], $0x1000  }
0xe0: {  	[sflag:s28] =	ssyncset.done $0x0  }
0xe1: {  	[sflag:s28] =	ssyncadd.s32 $0xFFFFF000  }
0xe2: {  	v13 =	vld.idx.msk [tilespmem:v6+s9+$0x0], $0xffff  }
0xe3: {  	s1 =	simm.s32 $0x40;
	s13 =	simm.s32 $0x0;
	v14 =	vld.idx.msk [tilespmem:v7+s9+$0x0], $0xffff  }
.LBB2_16:
0xe4: {  	p1 =	sne.s32 s1, $0x7FC0;
	[tilespmem:s13+$0x12800] =	vst v8;
	s13 =	smov.u32 s1;
	s1 =	sadd.s32 $0x40, s1  }
.Ltmp7:
0xe5: {  	(pc) =	sbr.rel @p1 .LBB2_16-.Ltmp7, $2  }
0xe6: {  	_ =	sdelay $0x2  }
0xe7: {  	s13 =	sshra.s32 s13, $0x2  }
0xe8: {  	_ =	sdelay $0x2  }
0xe9: {  	[tilespmem:s13+$0x12800] =	vst v8  }
0xea: {  	[tilespmem:v13+s10+$0x0] =	vst.idx.msk $0xffff, v4  }
0xeb: {  	s1 =	simm.s32 $0x0;
	s13 =	simm.s32 $0x40;
	s25 =	simm.s32 $0x0;
	[tilespmem:v14+s10+$0x0] =	vst.idx.msk $0x3fff, v10  }
.LBB2_18:
0xec: {  	p1 =	sne.s32 s13, $0xFFC0;
	[tilespmem:s25+$0xC000] =	vst v2;
	s25 =	smov.u32 s13;
	s13 =	sadd.s32 $0x40, s13  }
.Ltmp8:
0xed: {  	(pc) =	sbr.rel @p1 .LBB2_18-.Ltmp8, $2  }
0xee: {  	_ =	sdelay $0x2  }
0xef: {  	s25 =	sshra.s32 s25, $0x2  }
0xf0: {  	[tilespmem:s25+$0xC000] =	vst v2  }
.LBB2_20:
0xf1: {  	s13 =	sshra.s32 s1, $0x2  }
0xf2: {  	v19 =	vld [tilespmem:s13+$0x4000];
	_ =	sdelay $0x4  }
0xf3: {  	v20 =	vshrl.u32 v19, $0x12;
	_ =	sdelay $0x4  }
0xf4: {  	v20 =	vld.idx.msk [tilespmem:v20+s10+$0x0], $0xffff;
	_ =	sdelay $0x3  }
0xf5: {  	v19 =	vshrl.u32 v19, $0x9  }
0xf6: {  	v19 =	vand.u32 $0x1FF, v19;
	v21 =	vshll.u32 v20, $0x9  }
0xf7: {  	vm3 =	vgt.s32 v20, $0xFFFFFFFF;
	v19 =	vor.u32 v19, v21  }
0xf8: {  	p1 =	sne.s32 s1, $0xFFC0;
	v19 =	vnsel vm3, $0x0, v19  }
.Ltmp9:
0xf9: {  	_ = 	snop;
	(pc) =	sbr.rel @p1 .LBB2_20-.Ltmp9, $2  }
0xfa: {  	_ =	sdelay $0x2  }
0xfb: {  	s1 =	sadd.s32 $0x40, s1;
	[tilespmem:v19+s6+$0x0] =	vst.idx.add.f32.msk vm3, v3  }
0xfc: {  	[spmem:s14] =	stream.strided.scatter [tilespmem:s6], [sflag:$0x1], $0x4000, s3, s0, $0x38;
	[tilespmem:$0x1F300] =	vst v63  }
0xfd: {  	_ =	swait.ge [sflag:s28], $0x4000  }
0xfe: {  	[sflag:s28] =	ssyncset.done $0x0  }
0xff: {  	s1 =	simm.s32 $0x0;
	[sflag:s28] =	ssyncadd.s32 $0xFFFFC000  }
0x100: {  	s13 =	simm.s32 $0x40;
	s25 =	simm.s32 $0x0;
	[bflag:$0x0] =	sbarrier.arrive $0xFFFF  }
.LBB2_22:
0x101: {  	p1 =	sne.s32 s13, $0xFC0;
	[tilespmem:s25+$0x12400] =	vst v2;
	s25 =	smov.u32 s13;
	s13 =	sadd.s32 $0x40, s13  }
.Ltmp10:
0x102: {  	(pc) =	sbr.rel @p1 .LBB2_22-.Ltmp10, $2  }
0x103: {  	_ =	sdelay $0x2  }
0x104: {  	s25 =	sshra.s32 s25, $0x2  }
0x105: {  	[tilespmem:s25+$0x12400] =	vst v2  }
.LBB2_24:
0x106: {  	s13 =	sshll.u32 s1, $0xE  }
0x107: {  	s25 =	sshll.u32 s1, $0x7;
	s13 =	sand.u32 $0x20000, s13  }
0x108: {  	s25 =	sand.u32 $0x380, s25;
	s13 =	sadd.s32 s13, s18  }
0x109: {  	s13 =	sadd.s32 s25, s13  }
0x10a: {  	[tilespmem:s4], [sflag:$0x1] =	stream.strided.gather [spmem:s13], $0x400, s3, s0, $0x38;
	[tilespmem:$0x1F300] =	vst v63  }
0x10b: {  	_ =	swait.ge [sflag:s28], $0x400  }
0x10c: {  	[sflag:s28] =	ssyncset.done $0x0  }
0x10d: {  	s13 =	simm.s32 $0x0;
	[sflag:s28] =	ssyncadd.s32 $0xFFFFFC00  }
0x10e: {  	s25 =	simm.s32 $0x40;
	v19 =	vld [tilespmem:s13+$0x12000]  }
.LBB2_25:
0x10f: {  	p1 =	sne.s32 s25, $0xFC0;
	v20 =	vld [tilespmem:s13+$0x12400];
	_ =	sdelay $0x2  }
.Ltmp11:
0x110: {  	(pc) =	sbr.rel @p1 .LBB2_25-.Ltmp11, $4  }
0x111: {  	_ = 	snop  }
0x112: {  	v20 =	vadd.f32 v19, v20  }
0x113: {  	s26 =	sshra.s32 s25, $0x2  }
0x114: {  	s25 =	sadd.s32 $0x40, s25;
	v19 =	vld [tilespmem:s26+$0x12000];
	[tilespmem:s13+$0x12400] =	vst v20;
	s13 =	smov.u32 s26  }
0x115: {  	v20 =	vld [tilespmem:s13+$0x12400]  }
0x116: {  	s1 =	sadd.s32 $0x1, s1  }
0x117: {  	p1 =	sne.s32 s1, $0x10  }
.Ltmp12:
0x118: {  	_ = 	snop;
	(pc) =	sbr.rel @p1 .LBB2_24-.Ltmp12, $3  }
0x119: {  	_ = 	snop  }
0x11a: {  	v19 =	vadd.f32 v19, v20;
	_ =	sdelay $0x1  }
0x11b: {  	[tilespmem:s13+$0x12400] =	vst v19  }
0x11c: {  	s1 =	rddreg [dreg:$0x10]  }
0x11d: {  	[spmem:s1] =	stream.linear.scatter [tilespmem:s5], [sflag:$0x1], $0x400, $0x38;
	[tilespmem:$0x1F300] =	vst v63  }
0x11e: {  	_ =	swait.ge [sflag:s28], $0x400  }
0x11f: {  	[sflag:s28] =	ssyncset.done $0x0  }
0x120: {  	[sflag:s28] =	ssyncadd.s32 $0xFFFFFC00  }
0x121: {  	[bflag:$0x0] =	sbarrier.arrive $0xFFFF  }
0x122: {  	v18 =	vld.idx.msk [tilespmem:v18+s10+$0x0], $0xffff;
	_ =	sdelay $0x1  }
0x123: {  	v17 =	vld.idx.msk [tilespmem:v17+s10+$0x0], $0xffff;
	_ =	sdelay $0x2  }
0x124: {  	v18 =	vxor.u32 $0x80000000, v18  }
0x125: {  	(xrf0) =	vmax.scan.msk.u32 $0xffff, v18  }
0x126: {  	v17 =	vxor.u32 $0x80000000, v17  }
0x127: {  	(xrf0) =	vmax.scan.msk.u32 $0xffff, v17;
	_ =	sdelay $0x3  }
0x128: {  	v17, _, _ =	vpop (xrf0)  }
0x129: {  	(v2sf) =	vpush v17, $0xF  }
0x12a: {  	v17, _, _ =	vpop (xrf0)  }
0x12b: {  	(v2sf) =	vpush v17, $0xF;
	_ =	sdelay $0xc  }
0x12c: {  	s19 =	spop (v2sf)  }
0x12d: {  	s30 =	sshll.u32 s19, $0x9  }
0x12e: {  	s25 =	spop (v2sf);
	s13 =	sadd.s32 s30, s2  }
0x12f: {  	[tilespmem:s4], [sflag:$0x1] =	stream.linear.gather [spmem:s13], $0x200, $0x38;
	[tilespmem:$0x1F300] =	vst v63  }
0x130: {  	_ =	swait.ge [sflag:s28], $0x200  }
0x131: {  	s1 =	sshll.u32 s25, $0x9;
	[sflag:s28] =	ssyncset.done $0x0  }
0x132: {  	s19 =	simm.s32 $0x12200;
	s26 =	sadd.s32 s1, s2;
	[sflag:s28] =	ssyncadd.s32 $0xFFFFFE00  }
0x133: {  	[tilespmem:s19], [sflag:$0x1] =	stream.linear.gather [spmem:s26], $0x200, $0x38;
	[tilespmem:$0x1F300] =	vst v63  }
0x134: {  	_ =	swait.ge [sflag:s28], $0x200  }
0x135: {  	[sflag:s28] =	ssyncset.done $0x0  }
0x136: {  	s31 =	simm.s32 $0x0;
	[sflag:s28] =	ssyncadd.s32 $0xFFFFFE00  }
0x137: {  	v17 =	vld [tilespmem:s31+$0x12000];
	_ =	sdelay $0x4  }
0x138: {  	(xrf2) =	vadd.scan.msk.f32 $0xffff, v17;
	_ =	sdelay $0x9  }
0x139: {  	s25 =	simm.f32 $0.0e+00;
	v17, _, _ =	vpop (xrf2)  }
0x13a: {  	v18 =	vadd.f32 s25, v17;
	(v2sf) =	vpush v17, $0xF  }
0x13b: {  	s29 =	simm.s32 $0x10  }
0x13c: {  	s13 =	simm.s32 $0x80;
	s26 =	simm.s32 $0x0;
	[tilespmem:s31+$0x12000] =	vst v18;
	s31 =	simm.f32 $0.0e+00  }
.LBB2_28:
0x13d: {  	p1 =	seq.s32 s13, $0x7C0;
	v17 =	vld [tilespmem:s29+$0x12000];
	_ =	sdelay $0x4  }
0x13e: {  	(xrf2) =	vadd.scan.msk.f32 $0xffff, v17;
	_ =	sdelay $0x6  }
0x13f: {  	s19 =	spop (v2sf)  }
0x140: {  	s31 =	sadd.f32 s19, s31  }
.Ltmp13:
0x141: {  	(pc) =	sbr.rel @!p1 .LBB2_28-.Ltmp13, $3  }
0x142: {  	v17, _, _ =	vpop (xrf2)  }
0x143: {  	v18 =	vadd.f32 s31, v17;
	(v2sf) =	vpush v17, $0xF;
	_ =	sdelay $0x1  }
0x144: {  	[tilespmem:s29+$0x12000] =	vst v18;
	s29 =	sshra.s32 s13, $0x2;
	s13 =	sadd.s32 $0x40, s13  }
0x145: {  	v17 =	vld [tilespmem:s29+$0x12000];
	_ =	sdelay $0x4  }
0x146: {  	(xrf2) =	vadd.scan.msk.f32 $0xffff, v17;
	_ =	sdelay $0x7  }
0x147: {  	s13 =	spop (v2sf)  }
0x148: {  	s13 =	sadd.f32 s13, s31  }
0x149: {  	v17, _, _ =	vpop (xrf2)  }
0x14a: {  	(v2sf) =	vpush v17, $0xF;
	v17 =	vadd.f32 s13, v17;
	_ =	sdelay $0x1  }
0x14b: {  	s19 =	sand.u32 $0x1F0, s26;
	[tilespmem:s29+$0x12000] =	vst v17  }
0x14c: {  	v17 =	vld [tilespmem:s19+$0x12200];
	_ =	sdelay $0x4  }
0x14d: {  	(xrf2) =	vadd.scan.msk.f32 $0xffff, v17;
	_ =	sdelay $0x9  }
0x14e: {  	v17, _, _ =	vpop (xrf2)  }
0x14f: {  	v18 =	vadd.f32 s25, v17;
	(v2sf) =	vpush v17, $0xF  }
0x150: {  	s13 =	simm.s32 $0x10  }
0x151: {  	s26 =	sand.u32 $0x1F0, s13;
	s13 =	simm.s32 $0x20;
	s31 =	spop (v2sf);
	[tilespmem:s19+$0x12200] =	vst v18  }
.LBB2_30:
0x152: {  	p1 =	seq.s32 s13, $0x1F0;
	v17 =	vld [tilespmem:s26+$0x12200];
	_ =	sdelay $0x4  }
0x153: {  	(xrf2) =	vadd.scan.msk.f32 $0xffff, v17;
	_ =	sdelay $0x6  }
0x154: {  	s19 =	spop (v2sf)  }
0x155: {  	s25 =	sadd.f32 s19, s25  }
.Ltmp14:
0x156: {  	(pc) =	sbr.rel @!p1 .LBB2_30-.Ltmp14, $3  }
0x157: {  	v17, _, _ =	vpop (xrf2)  }
0x158: {  	v18 =	vadd.f32 s25, v17;
	(v2sf) =	vpush v17, $0xF;
	_ =	sdelay $0x1  }
0x159: {  	[tilespmem:s26+$0x12200] =	vst v18;
	s26 =	sand.u32 $0x1F0, s13;
	s13 =	sadd.s32 $0x10, s13  }
0x15a: {  	v17 =	vld [tilespmem:s26+$0x12200];
	_ =	sdelay $0x4  }
0x15b: {  	(xrf2) =	vadd.scan.msk.f32 $0xffff, v17;
	_ =	sdelay $0x4  }
0x15c: {  	(xrf0) =	vmax.scan.msk.f32 $0xffff, v15;
	_ =	sdelay $0x4  }
0x15d: {  	v17, _, _ =	vpop (xrf2)  }
0x15e: {  	v15, _, _ =	vpop (xrf0);
	(v2sf) =	vpush v17, $0xF  }
0x15f: {  	s13 =	spop (v2sf);
	(v2sf) =	vpush v15, $0xF;
	_ =	sdelay $0xc  }
0x160: {  	s13 =	sadd.f32 s13, s25  }
0x161: {  	s31 =	spop (v2sf)  }
0x162: {  	p1 =	sgt.s32 s23, $0x0;
	v17 =	vadd.f32 s13, v17;
	s13 =	spop (v2sf)  }
0x163: {  	s13 =	simm.s32 @!p1 $0x0  }
0x164: {  	s19 =	simm.s32 $0x0;
	[tilespmem:s26+$0x12200] =	vst v17;
	s26 =	ssub.f32 s22, s13  }
0x165: {  	v18 =	vld [tilespmem:s19+$0x12000]  }
0x166: {  	v15 =	vimm.s32 $0x0;
	s13 =	simm.s32 $0x40;
	v17 =	vmov s26  }
.LBB2_32:
0x167: {  	p1 =	sne.s32 s13, $0x7C0  }
.Ltmp15:
0x168: {  	_ = 	snop;
	(pc) =	sbr.rel @p1 .LBB2_32-.Ltmp15, $4  }
0x169: {  	_ = 	snop  }
0x16a: {  	s19 =	sshra.s32 s13, $0x2;
	s13 =	sadd.s32 $0x40, s13;
	vm3 =	vle.f32 v18, v17  }
0x16b: {  	v18 =	vld [tilespmem:s19+$0x12000];
	v19 =	vsel vm3, $0x1, v5  }
0x16c: {  	v15 =	vadd.s32 v19, v15  }
0x16d: {  	_ =	sdelay $0x2  }
0x16e: {  	vm3 =	vle.f32 v18, v17  }
0x16f: {  	v17 =	vsel vm3, $0x1, v5  }
0x170: {  	(xrf0) =	vmax.scan.msk.f32 $0xffff, v16;
	v15 =	vadd.s32 v17, v15  }
0x171: {  	(xrf0) =	vadd.scan.msk.s32 $0xffff, v15;
	_ =	sdelay $0x4  }
0x172: {  	v15, _, _ =	vpop (xrf0)  }
0x173: {  	(v2sf) =	vpush v15, $0xF;
	v16, _, _ =	vpop (xrf0)  }
0x174: {  	(v2sf) =	vpush v16, $0xF;
	_ =	sdelay $0xd  }
0x175: {  	s13 =	spop (v2sf)  }
0x176: {  	s25 =	spop (v2sf)  }
0x177: {  	s19 =	sadd.s32 $0xFFFFFFFF, s25  }
0x178: {  	p1 =	sgt.s32 s19, $0x0  }
0x179: {  	s19 =	simm.s32 @!p1 $0x0  }
0x17a: {  	v15 =	vmov s19  }
0x17b: {  	v15 =	vbroadcast v15, $0x0;
	_ =	sdelay $0x1  }
0x17c: {  	p1 =	sgt.s32 s24, $0x0  }
0x17d: {  	s29 =	simm.s32 $0x0;
	s13 =	simm.s32 @!p1 $0x0  }
0x17e: {  	s31 =	sand.u32 $0x1F0, s29;
	s22 =	ssub.f32 s11, s13  }
0x17f: {  	v19 =	vld [tilespmem:s31+$0x12200]  }
0x180: {  	v17 =	vimm.s32 $0x0;
	s11 =	simm.s32 $0x10;
	v18 =	vmov s22;
	v15 =	vld.idx.msk [tilespmem:v15+s4+$0x0], $0xffff  }
.LBB2_34:
0x181: {  	p1 =	sne.s32 s11, $0x1F0  }
.Ltmp16:
0x182: {  	_ = 	snop;
	(pc) =	sbr.rel @p1 .LBB2_34-.Ltmp16, $4  }
0x183: {  	_ = 	snop  }
0x184: {  	s13 =	sand.u32 $0x1F0, s11;
	s11 =	sadd.s32 $0x10, s11;
	vm3 =	vle.f32 v19, v18  }
0x185: {  	v19 =	vld [tilespmem:s13+$0x12200];
	v20 =	vsel vm3, $0x1, v5  }
0x186: {  	v17 =	vadd.s32 v20, v17  }
0x187: {  	_ =	sdelay $0x2  }
0x188: {  	vm3 =	vle.f32 v19, v18  }
0x189: {  	v18 =	vsel vm3, $0x1, v5  }
0x18a: {  	v17 =	vadd.s32 v18, v17  }
0x18b: {  	(xrf0) =	vadd.scan.msk.s32 $0xffff, v17;
	_ =	sdelay $0x5  }
0x18c: {  	v17, _, _ =	vpop (xrf0)  }
0x18d: {  	(v2sf) =	vpush v17, $0xF;
	_ =	sdelay $0xe  }
0x18e: {  	s11 =	spop (v2sf)  }
0x18f: {  	s13 =	sadd.s32 $0xFFFFFFFF, s11  }
0x190: {  	p1 =	sgt.s32 s13, $0x0  }
0x191: {  	s13 =	simm.s32 @!p1 $0x0  }
0x192: {  	s13 =	sadd.s32 $0x200, s13  }
0x193: {  	v18 =	vmov s13  }
0x194: {  	v17 =	vbroadcast v17, $0xF  }
0x195: {  	v19 =	vbroadcast v16, $0xF  }
0x196: {  	v17 =	vnsel vm0, $0x0, v17  }
0x197: {  	v17 =	vsel vm1, v17, v19  }
0x198: {  	s31 =	rddreg [dreg:$0x11];
	s19 =	simm.s32 $0x1AA80;
	v16 =	vld.idx.msk [tilespmem:v18+s4+$0x0], $0xffff;
	[tilespmem:$0x1AA80] =	vst v17  }
0x199: {  	[spmem:s31] =	stream.linear.scatter [tilespmem:s19], [sflag:$0x1], $0x10, $0x38;
	[tilespmem:$0x1F300] =	vst v63  }
0x19a: {  	_ =	swait.ge [sflag:s28], $0x10  }
0x19b: {  	[sflag:s28] =	ssyncset.done $0x0  }
0x19c: {  	[sflag:s28] =	ssyncadd.s32 $0xFFFFFFF0  }
0x19d: {  	[bflag:$0x0] =	sbarrier.arrive $0xFFFF  }
0x19e: {  	s31 =	rddreg [dreg:$0x5]  }
0x19f: {  	[tilespmem:s9], [sflag:$0x1] =	stream.linear.gather [spmem:s31], $0x1000, $0x38;
	[tilespmem:$0x1F300] =	vst v63  }
0x1a0: {  	_ =	swait.ge [sflag:s28], $0x1000  }
0x1a1: {  	[sflag:s28] =	ssyncset.done $0x0  }
0x1a2: {  	[sflag:s28] =	ssyncadd.s32 $0xFFFFF000  }
0x1a3: {  	v18 =	vld.idx.msk [tilespmem:v6+s9+$0x0], $0xffff  }
0x1a4: {  	v17 =	vld.idx.msk [tilespmem:v7+s9+$0x0], $0xffff  }
0x1a5: {  	v19 =	vld.idx.msk [tilespmem:v13+s10+$0x0], $0xffff  }
0x1a6: {  	s29 =	simm.s32 $0x0;
	s13 =	simm.s32 $0x40;
	v13 =	vld.idx.msk [tilespmem:v14+s10+$0x0], $0xffff  }
.LBB2_36:
0x1a7: {  	p1 =	sne.s32 s13, $0xFFC0;
	[tilespmem:s29+$0x14800] =	vst v8;
	s19 =	smov.u32 s13;
	s13 =	sadd.s32 $0x40, s13  }
.Ltmp17:
0x1a8: {  	(pc) =	sbr.rel @p1 .LBB2_36-.Ltmp17, $2  }
0x1a9: {  	_ =	sdelay $0x2  }
0x1aa: {  	s29 =	sshra.s32 s19, $0x2  }
0x1ab: {  	v14 =	vshll.u32 v19, $0x9  }
0x1ac: {  	v13 =	vshll.u32 v13, $0x9;
	v14 =	vadd.s32 v18, v14  }
0x1ad: {  	v13 =	vadd.s32 v17, v13;
	_ =	sdelay $0x2  }
0x1ae: {  	[tilespmem:s29+$0x14800] =	vst v8  }
0x1af: {  	[tilespmem:v14+s12+$0x0] =	vst.idx.msk $0xffff, v4  }
0x1b0: {  	s29 =	simm.s32 $0x0;
	s13 =	simm.s32 $0x40;
	s31 =	simm.s32 $0x0;
	[tilespmem:v13+s12+$0x0] =	vst.idx.msk $0x3fff, v10  }
.LBB2_38:
0x1b1: {  	p1 =	sne.s32 s13, $0xFFC0;
	[tilespmem:s31+$0xC000] =	vst v2;
	s19 =	smov.u32 s13;
	s13 =	sadd.s32 $0x40, s13  }
.Ltmp18:
0x1b2: {  	(pc) =	sbr.rel @p1 .LBB2_38-.Ltmp18, $2  }
0x1b3: {  	_ =	sdelay $0x2  }
0x1b4: {  	s31 =	sshra.s32 s19, $0x2  }
0x1b5: {  	[tilespmem:s31+$0xC000] =	vst v2  }
.LBB2_40:
0x1b6: {  	s13 =	sshra.s32 s29, $0x2  }
0x1b7: {  	v13 =	vld [tilespmem:s13+$0x4000];
	_ =	sdelay $0x4  }
0x1b8: {  	v14 =	vshrl.u32 v13, $0x12;
	_ =	sdelay $0x4  }
0x1b9: {  	v14 =	vld.idx.msk [tilespmem:v14+s10+$0x0], $0xffff;
	_ =	sdelay $0x3  }
0x1ba: {  	v17 =	vshrl.u32 v13, $0x9  }
0x1bb: {  	v17 =	vand.u32 $0x1FF, v17;
	v18 =	vshll.u32 v14, $0x9  }
0x1bc: {  	vm3 =	vgt.s32 v14, $0xFFFFFFFF;
	v14 =	vor.u32 v17, v18  }
0x1bd: {  	v14 =	vnsel vm3, $0x0, v14;
	_ =	sdelay $0x4  }
0x1be: {  	v14 =	vld.idx.msk [tilespmem:v14+s12+$0x0], $0xffff;
	_ =	sdelay $0x4  }
0x1bf: {  	v14 =	vnsel vm3, $0xFFFFFFFF, v14  }
0x1c0: {  	v13 =	vand.u32 $0x1FF, v13;
	v17 =	vshll.u32 v14, $0x9  }
0x1c1: {  	vm3 =	vgt.s32 v14, $0xFFFFFFFF;
	v13 =	vor.u32 v13, v17  }
0x1c2: {  	p1 =	sne.s32 s29, $0xFFC0;
	v13 =	vnsel vm3, $0x0, v13  }
.Ltmp19:
0x1c3: {  	_ = 	snop;
	(pc) =	sbr.rel @p1 .LBB2_40-.Ltmp19, $2  }
0x1c4: {  	_ =	sdelay $0x2  }
0x1c5: {  	s29 =	sadd.s32 $0x40, s29;
	[tilespmem:v13+s6+$0x0] =	vst.idx.add.f32.msk vm3, v3  }
0x1c6: {  	[spmem:s14] =	stream.strided.scatter [tilespmem:s6], [sflag:$0x1], $0x4000, s3, s0, $0x38;
	[tilespmem:$0x1F300] =	vst v63  }
0x1c7: {  	_ =	swait.ge [sflag:s28], $0x4000  }
0x1c8: {  	[sflag:s28] =	ssyncset.done $0x0  }
0x1c9: {  	s29 =	simm.s32 $0x0;
	[sflag:s28] =	ssyncadd.s32 $0xFFFFC000  }
0x1ca: {  	s13 =	simm.s32 $0x40;
	s31 =	simm.s32 $0x0;
	[bflag:$0x0] =	sbarrier.arrive $0xFFFF  }
.LBB2_42:
0x1cb: {  	p1 =	sne.s32 s13, $0xFC0;
	[tilespmem:s31+$0x12400] =	vst v2;
	s19 =	smov.u32 s13;
	s13 =	sadd.s32 $0x40, s13  }
.Ltmp20:
0x1cc: {  	(pc) =	sbr.rel @p1 .LBB2_42-.Ltmp20, $2  }
0x1cd: {  	_ =	sdelay $0x2  }
0x1ce: {  	s31 =	sshra.s32 s19, $0x2  }
0x1cf: {  	[tilespmem:s31+$0x12400] =	vst v2  }
.LBB2_44:
0x1d0: {  	s13 =	sshll.u32 s29, $0xE  }
0x1d1: {  	s19 =	sshll.u32 s29, $0x7;
	s13 =	sand.u32 $0x20000, s13  }
0x1d2: {  	s19 =	sand.u32 $0x380, s19;
	s13 =	sadd.s32 s13, s18  }
0x1d3: {  	s13 =	sadd.s32 s19, s13  }
0x1d4: {  	[tilespmem:s4], [sflag:$0x1] =	stream.strided.gather [spmem:s13], $0x400, s3, s0, $0x38;
	[tilespmem:$0x1F300] =	vst v63  }
0x1d5: {  	_ =	swait.ge [sflag:s28], $0x400  }
0x1d6: {  	[sflag:s28] =	ssyncset.done $0x0  }
0x1d7: {  	s13 =	simm.s32 $0x0;
	[sflag:s28] =	ssyncadd.s32 $0xFFFFFC00  }
0x1d8: {  	s31 =	simm.s32 $0x40;
	v13 =	vld [tilespmem:s13+$0x12000]  }
.LBB2_45:
0x1d9: {  	p1 =	sne.s32 s31, $0xFC0;
	v14 =	vld [tilespmem:s13+$0x12400];
	_ =	sdelay $0x2  }
.Ltmp21:
0x1da: {  	(pc) =	sbr.rel @p1 .LBB2_45-.Ltmp21, $4  }
0x1db: {  	_ = 	snop  }
0x1dc: {  	v14 =	vadd.f32 v13, v14  }
0x1dd: {  	s19 =	sshra.s32 s31, $0x2  }
0x1de: {  	s31 =	sadd.s32 $0x40, s31;
	v13 =	vld [tilespmem:s19+$0x12000];
	[tilespmem:s13+$0x12400] =	vst v14;
	s13 =	smov.u32 s19  }
0x1df: {  	v14 =	vld [tilespmem:s13+$0x12400]  }
0x1e0: {  	s29 =	sadd.s32 $0x1, s29  }
0x1e1: {  	p1 =	sne.s32 s29, $0x10  }
.Ltmp22:
0x1e2: {  	_ = 	snop;
	(pc) =	sbr.rel @p1 .LBB2_44-.Ltmp22, $3  }
0x1e3: {  	_ = 	snop  }
0x1e4: {  	v13 =	vadd.f32 v13, v14;
	_ =	sdelay $0x1  }
0x1e5: {  	[tilespmem:s13+$0x12400] =	vst v13  }
0x1e6: {  	s13 =	sadd.s32 s30, s25;
	s19 =	rddreg [dreg:$0x10]  }
0x1e7: {  	[spmem:s19] =	stream.linear.scatter [tilespmem:s5], [sflag:$0x1], $0x400, $0x38;
	v13 =	vmov s13;
	[tilespmem:$0x1F300] =	vst v63  }
0x1e8: {  	_ =	swait.ge [sflag:s28], $0x400  }
0x1e9: {  	s1 =	sadd.s32 s1, s11;
	[sflag:s28] =	ssyncset.done $0x0  }
0x1ea: {  	v14 =	vmov s1;
	[sflag:s28] =	ssyncadd.s32 $0xFFFFFC00  }
0x1eb: {  	[bflag:$0x0] =	sbarrier.arrive $0xFFFF  }
0x1ec: {  	v13 =	vld.idx.msk [tilespmem:v13+s12+$0x0], $0xffff;
	_ =	sdelay $0x2  }
0x1ed: {  	v14 =	vld.idx.msk [tilespmem:v14+s12+$0x0], $0xffff;
	_ =	sdelay $0x1  }
0x1ee: {  	v13 =	vxor.u32 $0x80000000, v13  }
0x1ef: {  	(xrf0) =	vmax.scan.msk.u32 $0xffff, v13;
	_ =	sdelay $0x1  }
0x1f0: {  	v13 =	vxor.u32 $0x80000000, v14  }
0x1f1: {  	(xrf0) =	vmax.scan.msk.u32 $0xffff, v13;
	_ =	sdelay $0x2  }
0x1f2: {  	v13, _, _ =	vpop (xrf0)  }
0x1f3: {  	(v2sf) =	vpush v13, $0xF;
	_ =	sdelay $0x1  }
0x1f4: {  	v13, _, _ =	vpop (xrf0)  }
0x1f5: {  	(v2sf) =	vpush v13, $0xF;
	_ =	sdelay $0xb  }
0x1f6: {  	s13 =	spop (v2sf)  }
0x1f7: {  	s1 =	sshll.u32 s13, $0xB  }
0x1f8: {  	s1 =	sshra.s32 s1, $0x2  }
0x1f9: {  	s19 =	spop (v2sf);
	s1 =	sadd.s32 s1, s2  }
0x1fa: {  	[tilespmem:s4], [sflag:$0x1] =	stream.linear.gather [spmem:s1], $0x200, $0x38;
	[tilespmem:$0x1F300] =	vst v63  }
0x1fb: {  	s13 =	sshll.u32 s19, $0xB;
	_ =	swait.ge [sflag:s28], $0x200  }
0x1fc: {  	s1 =	sshra.s32 s13, $0x2;
	[sflag:s28] =	ssyncset.done $0x0  }
0x1fd: {  	s19 =	simm.s32 $0x12200;
	s1 =	sadd.s32 s1, s2;
	[sflag:s28] =	ssyncadd.s32 $0xFFFFFE00  }
0x1fe: {  	[tilespmem:s19], [sflag:$0x1] =	stream.linear.gather [spmem:s1], $0x200, $0x38;
	[tilespmem:$0x1F300] =	vst v63  }
0x1ff: {  	_ =	swait.ge [sflag:s28], $0x200  }
0x200: {  	[sflag:s28] =	ssyncset.done $0x0  }
0x201: {  	s19 =	simm.s32 $0x0;
	[sflag:s28] =	ssyncadd.s32 $0xFFFFFE00  }
0x202: {  	v13 =	vld [tilespmem:s19+$0x12000];
	_ =	sdelay $0x4  }
0x203: {  	(xrf2) =	vadd.scan.msk.f32 $0xffff, v13;
	_ =	sdelay $0x9  }
0x204: {  	s1 =	simm.f32 $0.0e+00;
	v13, _, _ =	vpop (xrf2)  }
0x205: {  	v14 =	vadd.f32 s1, v13;
	(v2sf) =	vpush v13, $0xF  }
0x206: {  	s29 =	simm.s32 $0x0  }
0x207: {  	s30 =	simm.s32 $0x10;
	s31 =	simm.f32 $0.0e+00;
	s13 =	simm.s32 $0x80;
	[tilespmem:s19+$0x12000] =	vst v14  }
.LBB2_48:
0x208: {  	p1 =	seq.s32 s13, $0x7C0;
	v13 =	vld [tilespmem:s30+$0x12000];
	_ =	sdelay $0x4  }
0x209: {  	(xrf2) =	vadd.scan.msk.f32 $0xffff, v13;
	_ =	sdelay $0x6  }
0x20a: {  	s19 =	spop (v2sf)  }
0x20b: {  	s31 =	sadd.f32 s19, s31  }
.Ltmp23:
0x20c: {  	(pc) =	sbr.rel @!p1 .LBB2_48-.Ltmp23, $3  }
0x20d: {  	v13, _, _ =	vpop (xrf2)  }
0x20e: {  	v14 =	vadd.f32 s31, v13;
	(v2sf) =	vpush v13, $0xF;
	_ =	sdelay $0x1  }
0x20f: {  	[tilespmem:s30+$0x12000] =	vst v14;
	s30 =	sshra.s32 s13, $0x2;
	s13 =	sadd.s32 $0x40, s13  }
0x210: {  	v13 =	vld [tilespmem:s30+$0x12000];
	_ =	sdelay $0x4  }
0x211: {  	(xrf2) =	vadd.scan.msk.f32 $0xffff, v13;
	_ =	sdelay $0x7  }
0x212: {  	s13 =	spop (v2sf)  }
0x213: {  	s13 =	sadd.f32 s13, s31  }
0x214: {  	v13, _, _ =	vpop (xrf2)  }
0x215: {  	(v2sf) =	vpush v13, $0xF;
	v13 =	vadd.f32 s13, v13;
	_ =	sdelay $0x1  }
0x216: {  	s19 =	sand.u32 $0x1F0, s29;
	[tilespmem:s30+$0x12000] =	vst v13  }
0x217: {  	v13 =	vld [tilespmem:s19+$0x12200];
	_ =	sdelay $0x4  }
0x218: {  	(xrf2) =	vadd.scan.msk.f32 $0xffff, v13;
	_ =	sdelay $0x9  }
0x219: {  	v13, _, _ =	vpop (xrf2)  }
0x21a: {  	v14 =	vadd.f32 s1, v13;
	(v2sf) =	vpush v13, $0xF  }
0x21b: {  	s13 =	simm.s32 $0x10  }
0x21c: {  	s29 =	sand.u32 $0x1F0, s13;
	s13 =	simm.s32 $0x20;
	s31 =	spop (v2sf);
	[tilespmem:s19+$0x12200] =	vst v14  }
.LBB2_50:
0x21d: {  	p1 =	seq.s32 s13, $0x1F0;
	v13 =	vld [tilespmem:s29+$0x12200];
	_ =	sdelay $0x4  }
0x21e: {  	(xrf2) =	vadd.scan.msk.f32 $0xffff, v13;
	_ =	sdelay $0x6  }
0x21f: {  	s19 =	spop (v2sf)  }
0x220: {  	s1 =	sadd.f32 s19, s1  }
.Ltmp24:
0x221: {  	(pc) =	sbr.rel @!p1 .LBB2_50-.Ltmp24, $3  }
0x222: {  	v13, _, _ =	vpop (xrf2)  }
0x223: {  	v14 =	vadd.f32 s1, v13;
	(v2sf) =	vpush v13, $0xF;
	_ =	sdelay $0x1  }
0x224: {  	[tilespmem:s29+$0x12200] =	vst v14;
	s29 =	sand.u32 $0x1F0, s13;
	s13 =	sadd.s32 $0x10, s13  }
0x225: {  	v13 =	vld [tilespmem:s29+$0x12200];
	_ =	sdelay $0x4  }
0x226: {  	(xrf2) =	vadd.scan.msk.f32 $0xffff, v13;
	_ =	sdelay $0x7  }
0x227: {  	s13 =	spop (v2sf)  }
0x228: {  	(xrf0) =	vmax.scan.msk.f32 $0xffff, v15;
	s1 =	sadd.f32 s13, s1  }
0x229: {  	v13, _, _ =	vpop (xrf2)  }
0x22a: {  	(v2sf) =	vpush v13, $0xF;
	v13 =	vadd.f32 s1, v13;
	_ =	sdelay $0x3  }
0x22b: {  	[tilespmem:s29+$0x12200] =	vst v13;
	v13, _, _ =	vpop (xrf0)  }
0x22c: {  	(v2sf) =	vpush v13, $0xF;
	_ =	sdelay $0xd  }
0x22d: {  	s30 =	spop (v2sf)  }
0x22e: {  	p1 =	sgt.s32 s25, $0x0;
	s1 =	spop (v2sf)  }
0x22f: {  	s1 =	simm.s32 @!p1 $0x0  }
0x230: {  	s31 =	simm.s32 $0x0;
	s1 =	ssub.f32 s26, s1  }
0x231: {  	v15 =	vld [tilespmem:s31+$0x12000]  }
0x232: {  	v13 =	vimm.s32 $0x0;
	v14 =	vmov s1;
	s1 =	simm.s32 $0x40  }
.LBB2_52:
0x233: {  	p1 =	sne.s32 s1, $0x7C0  }
.Ltmp25:
0x234: {  	_ = 	snop;
	(pc) =	sbr.rel @p1 .LBB2_52-.Ltmp25, $4  }
0x235: {  	_ = 	snop  }
0x236: {  	s13 =	sshra.s32 s1, $0x2;
	s1 =	sadd.s32 $0x40, s1;
	vm3 =	vle.f32 v15, v14  }
0x237: {  	v15 =	vld [tilespmem:s13+$0x12000];
	v17 =	vsel vm3, $0x1, v5  }
0x238: {  	v13 =	vadd.s32 v17, v13  }
0x239: {  	_ =	sdelay $0x1  }
0x23a: {  	(xrf0) =	vmax.scan.msk.f32 $0xffff, v16  }
0x23b: {  	vm3 =	vle.f32 v15, v14  }
0x23c: {  	v14 =	vsel vm3, $0x1, v5  }
0x23d: {  	v13 =	vadd.s32 v14, v13  }
0x23e: {  	(xrf0) =	vadd.scan.msk.s32 $0xffff, v13;
	_ =	sdelay $0x1  }
0x23f: {  	v13, _, _ =	vpop (xrf0)  }
0x240: {  	(v2sf) =	vpush v13, $0xF;
	_ =	sdelay $0x2  }
0x241: {  	v13, _, _ =	vpop (xrf0)  }
0x242: {  	(v2sf) =	vpush v13, $0xF;
	_ =	sdelay $0xa  }
0x243: {  	p1 =	sgt.s32 s11, $0x0;
	s1 =	spop (v2sf)  }
0x244: {  	s31 =	simm.s32 $0x0;
	s1 =	simm.s32 @!p1 $0x0  }
0x245: {  	s19 =	sand.u32 $0x1F0, s31;
	s13 =	ssub.f32 s22, s1  }
0x246: {  	v15 =	vld [tilespmem:s19+$0x12200]  }
0x247: {  	v13 =	vimm.s32 $0x0;
	s1 =	spop (v2sf);
	v14 =	vmov s13;
	s13 =	simm.s32 $0x10  }
.LBB2_54:
0x248: {  	p1 =	sne.s32 s13, $0x1F0  }
.Ltmp26:
0x249: {  	_ = 	snop;
	(pc) =	sbr.rel @p1 .LBB2_54-.Ltmp26, $4  }
0x24a: {  	_ = 	snop  }
0x24b: {  	s19 =	sand.u32 $0x1F0, s13;
	s13 =	sadd.s32 $0x10, s13;
	vm3 =	vle.f32 v15, v14  }
0x24c: {  	v15 =	vld [tilespmem:s19+$0x12200];
	v16 =	vsel vm3, $0x1, v5  }
0x24d: {  	v13 =	vadd.s32 v16, v13  }
0x24e: {  	_ =	sdelay $0x2  }
0x24f: {  	vm3 =	vle.f32 v15, v14  }
0x250: {  	v14 =	vsel vm3, $0x1, v5  }
0x251: {  	v13 =	vadd.s32 v14, v13  }
0x252: {  	(xrf0) =	vadd.scan.msk.s32 $0xffff, v13;
	_ =	sdelay $0x5  }
0x253: {  	v13, _, _ =	vpop (xrf0)  }
0x254: {  	(v2sf) =	vpush v13, $0xF;
	_ =	sdelay $0xb  }
0x255: {  	s13 =	sshll.u32 s23, $0x12;
	s19 =	sshll.u32 s25, $0x9  }
0x256: {  	s13 =	sor.u32 s13, s19  }
0x257: {  	s30 =	sshll.u32 s24, $0x12;
	s11 =	sshll.u32 s11, $0x9;
	s1 =	sor.u32 s1, s13  }
0x258: {  	s11 =	sor.u32 s30, s11;
	v13 =	vmov s1;
	s31 =	spop (v2sf)  }
0x259: {  	v13 =	vnsel vm2, $0x0, v13;
	s19 =	sor.u32 s31, s11  }
0x25a: {  	v13 =	vsel vm0, s19, v13  }
0x25b: {  	s22 =	rddreg [dreg:$0x12];
	s23 =	simm.s32 $0x1AA80;
	[tilespmem:$0x1AA80] =	vst v13  }
0x25c: {  	[spmem:s22] =	stream.linear.scatter [tilespmem:s23], [sflag:$0x1], $0x10, $0x38;
	[tilespmem:$0x1F300] =	vst v63  }
0x25d: {  	_ =	swait.ge [sflag:s28], $0x10  }
0x25e: {  	[sflag:s28] =	ssyncset.done $0x0  }
0x25f: {  	[sflag:s28] =	ssyncadd.s32 $0xFFFFFFF0  }
0x260: {  	[bflag:$0x0] =	sbarrier.arrive $0xFFFF  }
0x261: {  	s25 =	simm.s32 $0x19800;
	s24 =	rddreg [dreg:$0x6]  }
0x262: {  	[tilespmem:s25], [sflag:$0x1] =	stream.linear.gather [spmem:s24], $0x1000, $0x38;
	[tilespmem:$0x1F300] =	vst v63  }
0x263: {  	_ =	swait.ge [sflag:s28], $0x1000  }
0x264: {  	[sflag:s28] =	ssyncset.done $0x0  }
0x265: {  	[sflag:s28] =	ssyncadd.s32 $0xFFFFF000  }
0x266: {  	v13 =	vld.idx.msk [tilespmem:v11+s25+$0x0], $0xffff  }
0x267: {  	v14 =	vld.idx.msk [tilespmem:v12+s25+$0x0], $0xffff;
	_ =	sdelay $0x3  }
0x268: {  	v15 =	vshrl.u32 v13, $0x17  }
0x269: {  	v16 =	vshrl.u32 v14, $0x17;
	_ =	sdelay $0x2  }
0x26a: {  	s22 =	simm.s32 $0x1A900;
	v13 =	vand.u32 $0x7FFFFF, v13;
	v14 =	vand.u32 $0x7FFFFF, v14  }
0x26b: {  	v13 =	vcvt.s32.f32 v13;
	v14 =	vcvt.s32.f32 v14;
	v15 =	vld.idx.msk [tilespmem:v15+s22+$0x0], $0xffff  }
0x26c: {  	v16 =	vld.idx.msk [tilespmem:v16+s22+$0x0], $0xffff  }
0x26d: {  	v13 =	vmul.f32 $1.192092900e-07, v13;
	v14 =	vmul.f32 $1.192092900e-07, v14;
	_ =	sdelay $0x1  }
0x26e: {  	v13 =	vadd.f32 $1.000000000e+00, v13;
	v14 =	vadd.f32 $1.000000000e+00, v14  }
0x26f: {  	v17 =	vld [tilespmem:$0x1A880]  }
0x270: {  	v13 =	vmul.f32 v13, v15;
	v14 =	vmul.f32 v14, v16;
	_ =	sdelay $0x1  }
0x271: {  	v14 =	vsub.f32 v14, v13;
	_ =	sdelay $0x1  }
0x272: {  	v14 =	vmul.f32 v14, v17;
	_ =	sdelay $0x1  }
0x273: {  	v13 =	vadd.f32 v14, v13;
	_ =	sdelay $0x1  }
0x274: {  	s26 =	simm.s32 $0x0;
	s30 =	simm.s32 $0x8000;
	s29 =	rddreg [dreg:$0x14];
	[tilespmem:$0x1AA00] =	vst v13  }
0x275: {  	[tilespmem:s30], [sflag:$0x1] =	stream.linear.gather [hbm4b:s29+s26], $0x4000, $0x38;
	[tilespmem:$0x1F300] =	vst v63  }
0x276: {  	_ =	swait.ge [sflag:s28], $0x4000  }
0x277: {  	v14 =	vadd.f32 $0.0e+00, v13;
	[sflag:s28] =	ssyncset.done $0x0  }
0x278: {  	[sflag:s28] =	ssyncadd.s32 $0xFFFFC000  }
0x279: {  	v29 =	vbroadcast v14, $0x0;
	v30 =	vbroadcast v14, $0x1;
	[tilespmem:$0x1AB00] =	vst v2  }
0x27a: {  	v28 =	vbroadcast v14, $0x2;
	v27 =	vbroadcast v14, $0x3;
	[tilespmem:$0x1AB10] =	vst v2  }
0x27b: {  	v26 =	vbroadcast v14, $0x4;
	v25 =	vbroadcast v14, $0x5;
	[tilespmem:$0x1AB80] =	vst v2  }
0x27c: {  	v24 =	vbroadcast v14, $0x6;
	v23 =	vbroadcast v14, $0x7;
	[tilespmem:$0x1AB90] =	vst v2  }
0x27d: {  	v22 =	vbroadcast v14, $0x8;
	v21 =	vbroadcast v14, $0x9;
	[tilespmem:$0x1AC00] =	vst v2  }
0x27e: {  	s31 =	simm.s32 $0x0;
	v20 =	vbroadcast v14, $0xA;
	v18 =	vbroadcast v14, $0xB;
	[tilespmem:$0x1AC10] =	vst v2  }
0x27f: {  	v19 =	vbroadcast v14, $0xC;
	v17 =	vbroadcast v14, $0xD;
	v13 =	vld [tilespmem:s31+$0x0]  }
0x280: {  	s1 =	simm.s32 $0x40;
	v16 =	vbroadcast v14, $0xE;
	v15 =	vbroadcast v14, $0xF;
	v14 =	vld [tilespmem:s31+$0x8000]  }
.LBB2_56:
0x281: {  	p1 =	sne.s32 s1, $0xFFC0;
	_ =	sdelay $0x2  }
0x282: {  	vm3 =	vgt.f32 v13, v29;
	vm4 =	vgt.f32 v13, v30  }
0x283: {  	v31 =	vsel vm3, $0x1, v5;
	v32 =	vsel vm4, $0x1, v5;
	vm3 =	vgt.f32 v13, v28  }
0x284: {  	v31 =	vadd.s32 v32, v31;
	v32 =	vsel vm3, $0x1, v5;
	vm3 =	vgt.f32 v13, v27  }
0x285: {  	v31 =	vadd.s32 v32, v31;
	v32 =	vsel vm3, $0x1, v5;
	vm3 =	vgt.f32 v13, v26  }
0x286: {  	v31 =	vadd.s32 v32, v31;
	v32 =	vsel vm3, $0x1, v5;
	vm3 =	vgt.f32 v13, v25  }
0x287: {  	v31 =	vadd.s32 v32, v31;
	v32 =	vsel vm3, $0x1, v5;
	vm3 =	vgt.f32 v13, v24  }
0x288: {  	v31 =	vadd.s32 v32, v31;
	v32 =	vsel vm3, $0x1, v5;
	vm3 =	vgt.f32 v13, v23  }
0x289: {  	v31 =	vadd.s32 v32, v31;
	v32 =	vsel vm3, $0x1, v5;
	vm3 =	vgt.f32 v13, v22  }
0x28a: {  	v31 =	vadd.s32 v32, v31;
	v32 =	vsel vm3, $0x1, v5;
	vm3 =	vgt.f32 v13, v21  }
0x28b: {  	v31 =	vadd.s32 v32, v31;
	v32 =	vsel vm3, $0x1, v5;
	vm3 =	vgt.f32 v13, v20  }
0x28c: {  	v31 =	vadd.s32 v32, v31;
	v32 =	vsel vm3, $0x1, v5;
	vm3 =	vgt.f32 v13, v18  }
0x28d: {  	v31 =	vadd.s32 v32, v31;
	v32 =	vsel vm3, $0x1, v5;
	vm3 =	vgt.f32 v13, v19  }
0x28e: {  	v31 =	vadd.s32 v32, v31;
	v32 =	vsel vm3, $0x1, v5;
	vm3 =	vgt.f32 v13, v17  }
0x28f: {  	v31 =	vadd.s32 v32, v31;
	v32 =	vsel vm3, $0x1, v5;
	vm3 =	vgt.f32 v13, v16  }
0x290: {  	v31 =	vadd.s32 v32, v31;
	v32 =	vsel vm3, $0x1, v5;
	vm3 =	vgt.f32 v13, v15  }
0x291: {  	v31 =	vadd.s32 v32, v31;
	v32 =	vsel vm3, $0x1, v5  }
0x292: {  	v31 =	vadd.s32 v32, v31;
	_ =	sdelay $0x4  }
.Ltmp27:
0x293: {  	[tilespmem:v31+s16+$0x0] =	vst.idx.add.f32.msk $0xffff, v3;
	(pc) =	sbr.rel @p1 .LBB2_56-.Ltmp27, $4  }
0x294: {  	[tilespmem:v31+s17+$0x0] =	vst.idx.add.f32.msk $0xffff, v13  }
0x295: {  	s11 =	sshra.s32 s1, $0x2;
	[tilespmem:v31+s20+$0x0] =	vst.idx.add.f32.msk $0xffff, v14  }
0x296: {  	v13 =	vld [tilespmem:s11+$0x0]  }
0x297: {  	s1 =	sadd.s32 $0x40, s1;
	v14 =	vld [tilespmem:s11+$0x8000]  }
0x298: {  	_ =	sdelay $0x2  }
0x299: {  	vm3 =	vgt.f32 v13, v29;
	vm4 =	vgt.f32 v13, v30  }
0x29a: {  	v29 =	vsel vm3, $0x1, v5;
	v30 =	vsel vm4, $0x1, v5;
	vm3 =	vgt.f32 v13, v28  }
0x29b: {  	v47 =	vadd.s32 v30, v29;
	v48 =	vsel vm3, $0x1, v5;
	vm3 =	vgt.f32 v13, v27  }
0x29c: {  	v49 =	vadd.s32 v48, v47;
	v50 =	vsel vm3, $0x1, v5;
	vm3 =	vgt.f32 v13, v26  }
0x29d: {  	v51 =	vadd.s32 v50, v49;
	v52 =	vsel vm3, $0x1, v5;
	vm3 =	vgt.f32 v13, v25  }
0x29e: {  	v53 =	vadd.s32 v52, v51;
	v54 =	vsel vm3, $0x1, v5;
	vm3 =	vgt.f32 v13, v24  }
0x29f: {  	v55 =	vadd.s32 v54, v53;
	v56 =	vsel vm3, $0x1, v5;
	vm3 =	vgt.f32 v13, v23  }
0x2a0: {  	v57 =	vadd.s32 v56, v55;
	v58 =	vsel vm3, $0x1, v5;
	vm3 =	vgt.f32 v13, v22  }
0x2a1: {  	v59 =	vadd.s32 v58, v57;
	v60 =	vsel vm3, $0x1, v5;
	vm3 =	vgt.f32 v13, v21  }
0x2a2: {  	v61 =	vadd.s32 v60, v59;
	v62 =	vsel vm3, $0x1, v5;
	vm3 =	vgt.f32 v13, v20  }
0x2a3: {  	v20 =	vadd.s32 v62, v61;
	v63 =	vsel vm3, $0x1, v5;
	vm3 =	vgt.f32 v13, v18  }
0x2a4: {  	v18 =	vadd.s32 v63, v20;
	v20 =	vsel vm3, $0x1, v5;
	vm3 =	vgt.f32 v13, v19  }
0x2a5: {  	v18 =	vadd.s32 v20, v18;
	v19 =	vsel vm3, $0x1, v5;
	vm3 =	vgt.f32 v13, v17  }
0x2a6: {  	v17 =	vadd.s32 v19, v18;
	v18 =	vsel vm3, $0x1, v5;
	vm3 =	vgt.f32 v13, v16  }
0x2a7: {  	v16 =	vadd.s32 v18, v17;
	v17 =	vsel vm3, $0x1, v5;
	vm3 =	vgt.f32 v13, v15  }
0x2a8: {  	v15 =	vadd.s32 v17, v16;
	v16 =	vsel vm3, $0x1, v5  }
0x2a9: {  	v15 =	vadd.s32 v16, v15;
	_ =	sdelay $0x4  }
0x2aa: {  	[tilespmem:v15+s16+$0x0] =	vst.idx.add.f32.msk $0xffff, v3  }
0x2ab: {  	[tilespmem:v15+s17+$0x0] =	vst.idx.add.f32.msk $0xffff, v13  }
0x2ac: {  	s1 =	rddreg [dreg:$0x13];
	[tilespmem:v15+s20+$0x0] =	vst.idx.add.f32.msk $0xffff, v14  }
0x2ad: {  	[spmem:s1] =	stream.linear.scatter [tilespmem:s16], [sflag:$0x1], $0x20, $0x38;
	[tilespmem:$0x1F300] =	vst v63  }
0x2ae: {  	_ =	swait.ge [sflag:s28], $0x20  }
0x2af: {  	[sflag:s28] =	ssyncset.done $0x0  }
0x2b0: {  	s29 =	rddreg [dreg:$0x15];
	[sflag:s28] =	ssyncadd.s32 $0xFFFFFFE0  }
0x2b1: {  	[spmem:s29] =	stream.linear.scatter [tilespmem:s17], [sflag:$0x1], $0x20, $0x38;
	[tilespmem:$0x1F300] =	vst v63  }
0x2b2: {  	_ =	swait.ge [sflag:s28], $0x20  }
0x2b3: {  	[sflag:s28] =	ssyncset.done $0x0  }
0x2b4: {  	s30 =	rddreg [dreg:$0x17];
	[sflag:s28] =	ssyncadd.s32 $0xFFFFFFE0  }
0x2b5: {  	[spmem:s30] =	stream.linear.scatter [tilespmem:s20], [sflag:$0x1], $0x20, $0x38;
	[tilespmem:$0x1F300] =	vst v63  }
0x2b6: {  	_ =	swait.ge [sflag:s28], $0x20  }
0x2b7: {  	[sflag:s28] =	ssyncset.done $0x0  }
0x2b8: {  	[sflag:s28] =	ssyncadd.s32 $0xFFFFFFE0  }
0x2b9: {  	[bflag:$0x0] =	sbarrier.arrive $0xFFFF  }
0x2ba: {  	[tilespmem:$0x12400] =	vst v2  }
0x2bb: {  	[tilespmem:$0x12410] =	vst v2  }
0x2bc: {  	[tilespmem:$0x12420] =	vst v2  }
0x2bd: {  	[tilespmem:$0x12430] =	vst v2  }
0x2be: {  	[tilespmem:$0x12440] =	vst v2  }
0x2bf: {  	s31 =	sadd.s32 $0x0, s7;
	[tilespmem:$0x12450] =	vst v2  }
0x2c0: {  	[tilespmem:s4], [sflag:$0x1] =	stream.linear.gather [spmem:s31], $0x60, $0x38;
	[tilespmem:$0x1F300] =	vst v63  }
0x2c1: {  	_ =	swait.ge [sflag:s28], $0x60  }
0x2c2: {  	[sflag:s28] =	ssyncset.done $0x0  }
0x2c3: {  	[sflag:s28] =	ssyncadd.s32 $0xFFFFFFA0  }
0x2c4: {  	v15 =	vld [tilespmem:$0x12050]  }
0x2c5: {  	v13 =	vld [tilespmem:$0x12030]  }
0x2c6: {  	v16 =	vld [tilespmem:$0x12040]  }
0x2c7: {  	v17 =	vld [tilespmem:$0x12420]  }
0x2c8: {  	v14 =	vld [tilespmem:$0x12010]  }
0x2c9: {  	s19 =	simm.s32 $0x1A800;
	s25 =	simm.s32 $0x10000;
	s1 =	simm.s32 $0x200;
	v18 =	vld [tilespmem:$0x12020]  }
.LBB2_58:
0x2ca: {  	p1 =	sne.s32 s1, $0x1E00;
	v19 =	vld [tilespmem:$0x12450];
	s11 =	smov.u32 s1;
	s1 =	sadd.s32 $0x200, s1  }
0x2cb: {  	v20 =	vld [tilespmem:$0x12440]  }
0x2cc: {  	v21 =	vld [tilespmem:$0x12400]  }
0x2cd: {  	v22 =	vld [tilespmem:$0x12000]  }
0x2ce: {  	v17 =	vadd.f32 v18, v17;
	v18 =	vld [tilespmem:$0x12430]  }
0x2cf: {  	v23 =	vld [tilespmem:$0x12410];
	v15 =	vadd.f32 v15, v19  }
0x2d0: {  	v16 =	vadd.f32 v16, v20  }
0x2d1: {  	[tilespmem:$0x12420] =	vst v17  }
0x2d2: {  	v17 =	vadd.f32 v22, v21;
	[tilespmem:$0x12450] =	vst v15  }
0x2d3: {  	v13 =	vadd.f32 v13, v18;
	[tilespmem:$0x12440] =	vst v16  }
0x2d4: {  	s11 =	sshra.s32 s11, $0x2;
	[tilespmem:$0x12400] =	vst v17;
	v14 =	vadd.f32 v14, v23  }
0x2d5: {  	s11 =	sadd.s32 s11, s7;
	[tilespmem:$0x12430] =	vst v13  }
0x2d6: {  	[tilespmem:$0x12410] =	vst v14  }
0x2d7: {  	[tilespmem:s4], [sflag:$0x1] =	stream.linear.gather [spmem:s11], $0x60, $0x38;
	[tilespmem:$0x1F300] =	vst v63  }
0x2d8: {  	_ =	swait.ge [sflag:s28], $0x60  }
0x2d9: {  	[sflag:s28] =	ssyncset.done $0x0  }
0x2da: {  	[sflag:s28] =	ssyncadd.s32 $0xFFFFFFA0  }
0x2db: {  	v15 =	vld [tilespmem:$0x12050]  }
.Ltmp28:
0x2dc: {  	v13 =	vld [tilespmem:$0x12030];
	(pc) =	sbr.rel @p1 .LBB2_58-.Ltmp28, $4  }
0x2dd: {  	v16 =	vld [tilespmem:$0x12040]  }
0x2de: {  	v17 =	vld [tilespmem:$0x12420]  }
0x2df: {  	v14 =	vld [tilespmem:$0x12010]  }
0x2e0: {  	v18 =	vld [tilespmem:$0x12020]  }
0x2e1: {  	v19 =	vld [tilespmem:$0x12450]  }
0x2e2: {  	v20 =	vld [tilespmem:$0x12440]  }
0x2e3: {  	v21 =	vld [tilespmem:$0x12400]  }
0x2e4: {  	v22 =	vld [tilespmem:$0x12000]  }
0x2e5: {  	v23 =	vld [tilespmem:$0x12430]  }
0x2e6: {  	v60 =	vld [tilespmem:$0x12410];
	v17 =	vadd.f32 v18, v17  }
0x2e7: {  	v15 =	vadd.f32 v15, v19  }
0x2e8: {  	v16 =	vadd.f32 v16, v20;
	[tilespmem:$0x12420] =	vst v17  }
0x2e9: {  	v61 =	vadd.f32 v22, v21;
	[tilespmem:$0x12450] =	vst v15;
	v15 =	vadd.s32 $0x1, v4  }
0x2ea: {  	v13 =	vadd.f32 v13, v23;
	[tilespmem:$0x12440] =	vst v16  }
0x2eb: {  	v14 =	vadd.f32 v14, v60;
	[tilespmem:$0x12400] =	vst v61  }
0x2ec: {  	[tilespmem:$0x12430] =	vst v13  }
0x2ed: {  	[tilespmem:$0x12410] =	vst v14  }
0x2ee: {  	v13 =	vld.idx.msk [tilespmem:v15+s5+$0x0], $0xffff;
	_ =	sdelay $0x4  }
0x2ef: {  	v14 =	vadd.s32 $0x21, v4;
	v15 =	vmax.f32 v13, $1.000000000e+00  }
0x2f0: {  	v62 =	vadd.s32 $0x41, v4;
	(erf) = vrcp.f32 v15;
	_ =	sdelay $0x3  }
0x2f1: {  	v14 =	vld.idx.msk [tilespmem:v14+s5+$0x0], $0xffff  }
0x2f2: {  	v15 =	vld.idx.msk [tilespmem:v62+s5+$0x0], $0xffff;
	_ =	sdelay $0x3  }
0x2f3: {  	v63 =	vpop (erf)  }
0x2f4: {  	v14 =	vmul.f32 v63, v14;
	v15 =	vmul.f32 v63, v15;
	_ =	sdelay $0x1  }
0x2f5: {  	v14 =	vsub.f32 v14, v15  }
0x2f6: {  	v15 =	vmul.f32 v13, v9  }
0x2f7: {  	v14 =	vand.u32 $0x7FFFFFFF, v14  }
0x2f8: {  	vm4 =	vmmov $0x7fff;
	vm3 =	vgt.f32 v13, $0.0e+00;
	v14 =	vmul.f32 v14, v15  }
0x2f9: {  	vm3 =	vmand vm3, vm4  }
0x2fa: {  	v13 =	vnsel vm3, $0x0, v14  }
0x2fb: {  	(xrf2) =	vadd.scan.msk.f32 $0xffff, v13;
	_ =	sdelay $0x9  }
0x2fc: {  	v13, _, _ =	vpop (xrf2)  }
0x2fd: {  	v13 =	vadd.f32 $0.0e+00, v13;
	_ =	sdelay $0x1  }
0x2fe: {  	v13 =	vbroadcast v13, $0xF;
	_ =	sdelay $0x1  }
0x2ff: {  	s1 =	simm.s32 @!p0 $0x0;
	s11 =	simm.s32 @!p0 $0x1AC80;
	s13 =	rddreg [dreg:$0x1];
	[tilespmem:$0x1AC80] =	vst v13  }
0x300: {  	[hbm4b:s13+s1] =	stream.linear.scatter @!p0 [tilespmem:s11], [sflag:$0x1], $0x80, $0x38;
	[tilespmem:$0x1F300] =	vst v63  }
0x301: {  	s1 =	simm.s32 @!p0 $0x1  }
0x302: {  	_ =	swait.ge @!p0 [sflag:s1], $0x80  }
0x303: {  	s21 =	sadd.s32 $0x1, s21;
	s31 =	rddreg [dreg:$0x16]  }
0x304: {  	p1 =	sne.s32 s21, s31  }
.Ltmp29:
0x305: {  	_ = 	snop;
	(pc) =	sbr.rel @p1 .LBB2_1-.Ltmp29, $3  }
0x306: {  	_ =	sdelay $0x1  }
0x307: {  	[sflag:s1] =	ssyncset.done @!p0 $0x0  }
0x308: {  	[sflag:s1] =	ssyncadd.s32 @!p0 $0xFFFFFF80  }
0x309: {  	_ =	sfence.sel $0x180000  }
0x30a: {  	[bflag:$0x0] =	sbarrier.arrive $0xFFFF  }
0x30b: {  	_ =	strace $0x90000047  }
0x30c: {  	s0 =	stileid.u32;
	[bflag:$0x2] =	sbarrier.arrive $0xFFFF  }
0x30d: {  	p0 =	sne.s32 s0, $0x0;
	s0 =	rddreg [dreg:$0x8]  }
0x30e: {  	s0 =	sadd.s32 @!p0 $0x100000, s0  }
0x30f: {  	[sflag:s0] =	ssyncadd.tile.s32 @!p0 $0x1;
	_ =	shalt  }
.Lfunc_end2:
_tile_overlayer_lowered:
.L_overlay_start_2:
0x310: {  	(tag) =	ssettag $0x2  }
0x311: {  	s0 =	rddreg [dreg:$0x0];
	s2 =	stileid.u32  }
0x312: {  	s1 =	rddreg [dreg:$0x1];
	p0 =	sne.s32 s2, $0x0  }
0x313: {  	s3 =	rddreg [dreg:$0x2];
	[bflag:$0x3] =	sbarrier.arrive $0xFFFF;
	s2 =	simm.s32 @!p0 $0x1C01  }
0x314: {  	[timem:s3], [sflag:s2] =	dma.local @!p0 [hbm:s0], s1  }
0x315: {  	s0 =	simm.s32 @!p0 $0x1  }
0x316: {  	_ =	swait.ge @!p0 [sflag:s0], s1  }
0x317: {  	s1 =	ssub.s32 @!p0 $0x0, s1;
	[sflag:s0] =	ssyncset.done @!p0 $0x0  }
0x318: {  	[sflag:s0] =	ssyncadd.s32 @!p0 s1  }
0x319: {  	[bflag:$0x3] =	sbarrier.arrive $0xFFFF  }
0x31a: {  	_ =	shalt  }

</sc_bundles>
